<compile_context>
chip_gen: v7x
topology: tpu7x:2x2x1
jax: 0.10.2.dev20260603
libtpu: 0.0.44.dev20260713+nightly
codegen_flags: <defaults>
</compile_context>

<pallas_src>
import functools

import jax
import jax.numpy as jnp
from jax import lax
from jax.experimental import pallas as pl
from jax.experimental.pallas import tpu as pltpu
from jax.experimental.pallas import tpu_sc as plsc

B, T, DXN, RXN = 128, 20, 40, 40
D = 256
DXV, RXV = 4880, 3000
ATTN = 128
DPL = 4880
SEG = B * T

NC, NS = 2, 16
NW = NC * NS
SEGW = SEG // NW


_NBUF = 4


def _make_bag(nseg, h):
  segw = nseg // NW
  nchunk = segw
  mesh = plsc.VectorSubcoreMesh(core_axis_name="c", subcore_axis_name="s")

  @functools.partial(
      pl.kernel,
      mesh=mesh,
      out_type=jax.ShapeDtypeStruct((nseg, D), jnp.float32),
      scratch_types=[
          pltpu.VMEM((segw * DXN,), jnp.int32),
          pltpu.VMEM((segw * RXN,), jnp.int32),
          pltpu.VMEM((_NBUF, DXN, D // 2), jnp.int32),
          pltpu.VMEM((_NBUF, RXN, D // 2), jnp.int32),
          pltpu.VMEM((segw, D), jnp.float32),
      ] + [pltpu.SemaphoreType.DMA] * (2 * _NBUF),
  )
  def bag(dxi_hbm, rxi_hbm, dxemb_hbm, rxemb_hbm, out_hbm,
          dxi_v, rxi_v, rows_dx, rows_rx, acc_v, *sems_flat):
    wid = lax.axis_index("s") * NC + lax.axis_index("c")
    base = h * nseg + wid * segw
    pltpu.sync_copy(dxi_hbm.at[pl.ds(base * DXN, segw * DXN)], dxi_v)
    pltpu.sync_copy(rxi_hbm.at[pl.ds(base * RXN, segw * RXN)], rxi_v)
    sems = tuple(
        (sems_flat[2 * u], sems_flat[2 * u + 1]) for u in range(_NBUF))

    def issue(c, slot):
      sd, sr = sems[slot]
      pltpu.async_copy(
          dxemb_hbm.at[dxi_v.at[pl.ds(c * DXN, DXN)]], rows_dx.at[slot], sd)
      pltpu.async_copy(
          rxemb_hbm.at[rxi_v.at[pl.ds(c * RXN, RXN)]], rows_rx.at[slot], sr)

    def consume(c, slot):
      def row_body(r, acc):
        new = []
        for j in range(D // 32):
          wdx = rows_dx[slot, r, pl.ds(16 * j, 16)]
          wrx = rows_rx[slot, r, pl.ds(16 * j, 16)]
          lo = (acc[2 * j]
                + lax.bitcast_convert_type(wdx << 16, jnp.float32)
                + lax.bitcast_convert_type(wrx << 16, jnp.float32))
          hi = (acc[2 * j + 1]
                + lax.bitcast_convert_type(wdx, jnp.float32)
                + lax.bitcast_convert_type(wrx, jnp.float32))
          new += [lo, hi]
        return tuple(new)

      zeros = tuple(jnp.zeros((16,), jnp.float32) for _ in range(D // 16))
      acc = lax.fori_loop(0, DXN, row_body, zeros)
      for j in range(D // 32):
        acc_v[c, pl.ds(32 * j, 16)] = acc[2 * j]
        acc_v[c, pl.ds(32 * j + 16, 16)] = acc[2 * j + 1]

    def drain(slot):
      sd, sr = sems[slot]
      pltpu.make_async_copy(
          dxemb_hbm.at[dxi_v.at[pl.ds(0, DXN)]], rows_dx.at[slot], sd).wait()
      pltpu.make_async_copy(
          rxemb_hbm.at[rxi_v.at[pl.ds(0, RXN)]], rows_rx.at[slot], sr).wait()

    for u in range(_NBUF - 1):
      issue(u, u)

    def ring_body(i, carry):
      c0 = _NBUF * i
      for u in range(_NBUF):
        c = c0 + u
        drain(u)
        consume(c, u)
        nxt = c + _NBUF - 1

        @pl.when(nxt < nchunk)
        def _():
          issue(nxt, (u + _NBUF - 1) % _NBUF)

      return carry

    lax.fori_loop(0, nchunk // _NBUF, ring_body, 0)
    pltpu.sync_copy(acc_v, out_hbm.at[pl.ds(wid * segw, segw)])

  return bag


_HALVES = 1
_BH = B // _HALVES
_SEGH = _BH * T
_bags = [_make_bag(_SEGH, h) for h in range(_HALVES)]


import numpy as np

_PLO = np.zeros((D, D // 2), np.float32)
_PHI = np.zeros((D, D // 2), np.float32)
for _k in range(D // 2):
  _PLO[32 * (_k // 16) + (_k % 16), _k] = 1.0
  _PHI[32 * (_k // 16) + 16 + (_k % 16), _k] = 1.0


def _pack_body(tbl_ref, plo_ref, phi_ref, out_ref):
  x = tbl_ref[...]
  lo_f = jnp.dot(x, plo_ref[...], preferred_element_type=jnp.float32)
  hi_f = jnp.dot(x, phi_ref[...], preferred_element_type=jnp.float32)
  il = lax.bitcast_convert_type(lo_f, jnp.int32)
  ih = lax.bitcast_convert_type(hi_f, jnp.int32)
  lo_w = lax.shift_right_logical(il + 0x8000, 16)
  hi_w = (ih + 0x8000) & jnp.int32(-65536)
  out_ref[...] = hi_w | lo_w


def _pack(tbl):
  v = tbl.shape[0]
  return pl.pallas_call(
      _pack_body,
      out_shape=jax.ShapeDtypeStruct((v, D // 2), jnp.int32),
  )(tbl, jnp.asarray(_PLO), jnp.asarray(_PHI))


def _attn_body(nb, pooled_ref, attn_w_ref, attn_b_ref, attnc_w_ref,
               attnc_b_ref, dp_w_ref, dp_b_ref, read_w_ref, read_b_ref,
               mort_w_ref, mort_b_ref, visit_out, dp_out, read_out, mort_out):
  visit = jnp.tanh(pooled_ref[...])
  v3 = visit.reshape(nb, T, D)
  last = v3[:, T - 1, :]
  w1 = attn_w_ref[0:D, :]
  w2 = attn_w_ref[D:2 * D, :]
  h = jnp.dot(visit, w1, preferred_element_type=jnp.float32)
  h2 = jnp.dot(last, w2, preferred_element_type=jnp.float32)
  e = jnp.tanh(h.reshape(nb, T, ATTN) + h2[:, None, :] + attn_b_ref[...])
  sc = jnp.sum(e * attnc_w_ref[...][None, :, :], axis=-1) + attnc_b_ref[0, 0]
  m = jnp.max(sc, axis=1, keepdims=True)
  a = jnp.exp(sc - m)
  alpha = a / jnp.sum(a, axis=1, keepdims=True)
  pt = jnp.sum(alpha[:, :, None] * v3, axis=1)
  dp = jax.nn.sigmoid(
      jnp.dot(pt, dp_w_ref[...], preferred_element_type=jnp.float32)
      + dp_b_ref[...])
  rd = jax.nn.sigmoid(
      jnp.sum(pt * read_w_ref[...], axis=-1, keepdims=True) + read_b_ref[0, 0])
  mt = jax.nn.sigmoid(
      jnp.sum(pt * mort_w_ref[...], axis=-1, keepdims=True) + mort_b_ref[0, 0])
  visit_out[...] = visit.astype(jnp.bfloat16)
  dp_out[...] = dp
  read_out[...] = rd
  mort_out[...] = mt


def _attn_call(nb, pooled, attn_w, attn_b, attnc_w, attnc_b, dp_w, dp_b,
               read_w, read_b, mort_w, mort_b):
  nseg = nb * T
  return pl.pallas_call(
      functools.partial(_attn_body, nb),
      out_shape=(
          jax.ShapeDtypeStruct((nseg, D), jnp.bfloat16),
          jax.ShapeDtypeStruct((nb, DPL), jnp.float32),
          jax.ShapeDtypeStruct((nb, 1), jnp.float32),
          jax.ShapeDtypeStruct((nb, 1), jnp.float32),
      ),
  )(pooled, attn_w, attn_b, attnc_w, attnc_b, dp_w, dp_b, read_w, read_b,
    mort_w, mort_b)


_VT = 512


def _loss_body(nb, vocab, num_tiles, visit_ref, w_ref, b_ref, lab_ref,
               z_out, s1_out, sl_out):
  nseg = nb * T
  i = pl.program_id(0)

  @pl.when(i == 0)
  def _():
    z_out[...] = jnp.zeros_like(z_out)
    s1_out[...] = jnp.zeros_like(s1_out)
    sl_out[...] = jnp.zeros_like(sl_out)

  logits = (jnp.dot(visit_ref[...], w_ref[...],
                    preferred_element_type=jnp.float32) + b_ref[...])
  lab = lab_ref[...].reshape(nseg, _VT)
  col = i * _VT + lax.broadcasted_iota(jnp.int32, (1, _VT), 1)
  valid = col < vocab
  z_out[...] += jnp.sum(jnp.where(valid, jnp.exp(logits), 0.0),
                        axis=1, keepdims=True)
  s1_out[...] += jnp.sum(jnp.where(valid, lab * logits, 0.0),
                         axis=1, keepdims=True)
  sl_out[...] += jnp.sum(jnp.where(valid, lab, 0.0),
                         axis=1, keepdims=True)


def _loss_call(nb, h, visit_bf, w_bf, b2, labels, vocab):
  nseg = nb * T
  num_tiles = pl.cdiv(vocab, _VT)
  one = jax.ShapeDtypeStruct((nseg, 1), jnp.float32)
  return pl.pallas_call(
      functools.partial(_loss_body, nb, vocab, num_tiles),
      grid=(num_tiles,),
      in_specs=[
          pl.BlockSpec((nseg, D), lambda i: (0, 0)),
          pl.BlockSpec((D, _VT), lambda i: (0, i)),
          pl.BlockSpec((1, _VT), lambda i: (0, i)),
          pl.BlockSpec((nb, T, _VT), lambda i, _h=h: (_h, 0, i)),
      ],
      out_specs=(
          pl.BlockSpec((nseg, 1), lambda i: (0, 0)),
          pl.BlockSpec((nseg, 1), lambda i: (0, 0)),
          pl.BlockSpec((nseg, 1), lambda i: (0, 0)),
      ),
      out_shape=(one, one, one),
  )(visit_bf, w_bf, b2, labels)


def _combine_body(*refs):
  parts, out_ref = refs[:-1], refs[-1]
  total = None
  for h in range(_HALVES):
    z1, s11, sl1, z2, s12, sl2 = parts[6 * h:6 * h + 6]
    z = z1[...] + z2[...]
    s1 = s11[...] + s12[...]
    sl = sl1[...] + sl2[...]
    rows = s1 - jnp.log(z) * sl
    t = jnp.sum(rows, axis=0, keepdims=True)
    total = t if total is None else total + t
  out_ref[...] = -total / B


def _combine_call(parts):
  return pl.pallas_call(
      _combine_body,
      out_shape=jax.ShapeDtypeStruct((1, 1), jnp.float32),
  )(*parts)


def kernel(dxseqs, drugseqs, dx_onehot, drug_onehot, EHRdxEmb, EHRdrugEmb,
           attn_W, attn_b, attnC_W, attnC_b, dp_W, dp_b, read_W, read_b,
           mort_W, mort_b, co_W, co_b):
  co_Wb = co_W.astype(jnp.bfloat16)
  a_b = attn_b.reshape(1, ATTN)
  ac_w = attnC_W.reshape(1, ATTN)
  ac_b = attnC_b.reshape(1, 1)
  dp_b2 = dp_b.reshape(1, DPL)
  r_w = read_W.reshape(1, D)
  r_b = read_b.reshape(1, 1)
  m_w = mort_W.reshape(1, D)
  m_b = mort_b.reshape(1, 1)
  cb_dx = co_b[:DXV].reshape(1, DXV)
  cb_rx = co_b[DXV:].reshape(1, RXV)

  dxi = dxseqs.reshape(-1).astype(jnp.int32)
  rxi = drugseqs.reshape(-1).astype(jnp.int32)

  pooled = [_bags[h](dxi, rxi, _pack(EHRdxEmb), _pack(EHRdrugEmb))
            for h in range(_HALVES)]

  dps, rds, mts, parts = [], [], [], []
  for h in range(_HALVES):
    lo = h * _BH
    visit_bf, dp_h, rd_h, mt_h = _attn_call(
        _BH, pooled[h], attn_W, a_b, ac_w, ac_b, dp_W, dp_b2, r_w, r_b,
        m_w, m_b)
    pdx = _loss_call(_BH, h, visit_bf, co_Wb[:, :DXV], cb_dx,
                     dx_onehot, DXV)
    prx = _loss_call(_BH, h, visit_bf, co_Wb[:, DXV:], cb_rx,
                     drug_onehot, RXV)
    dps.append(dp_h)
    rds.append(rd_h)
    mts.append(mt_h)
    parts.extend(list(pdx) + list(prx))

  dpPred = jnp.concatenate(dps, axis=0)
  readPred = jnp.concatenate(rds, axis=0)
  mortPred = jnp.concatenate(mts, axis=0)
  co_loss = _combine_call(parts)[0, 0]
  return dpPred, readPred, mortPred, co_loss

# --- scband reference (transcript-rebuilt; emitter-appended) ---
"""Pipeline reference for scband-dgi-model-11622181503323 (READ-ONLY COPY).

The authoritative reference and input builder live on the scoring server;
editing this copy changes nothing except your own understanding.
"""

import jax, jax.numpy as jnp
import numpy as np

B, T, DXN, RXN = 128, 20, 40, 40
D = 256
DXV, RXV = 4880, 3000
ATTN = 128
DPL = 4880


def setup_inputs(seed: int = 0) -> dict:
    key = jax.random.key(seed)
    ks = jax.random.split(key, 16)
    inp = {}
    inp['dxseqs'] = jax.random.randint(ks[0], (B, T, DXN), 0, DXV)
    inp['drugseqs'] = jax.random.randint(ks[1], (B, T, RXN), 0, RXV)
    inp['dx_onehot'] = jax.random.uniform(ks[2], (B, T, DXV), dtype=jnp.float32)
    inp['drug_onehot'] = jax.random.uniform(ks[3], (B, T, RXV), dtype=jnp.float32)
    dxemb = jax.random.normal(ks[4], (DXV + 1, D), dtype=jnp.float32) * 0.02
    inp['EHRdxEmb'] = dxemb.at[DXV].set(0.0)  # padding_idx row
    rxemb = jax.random.normal(ks[5], (RXV + 1, D), dtype=jnp.float32) * 0.02
    inp['EHRdrugEmb'] = rxemb.at[RXV].set(0.0)  # padding_idx row
    inp['attn_W'] = jax.random.normal(ks[6], (2 * D, ATTN), dtype=jnp.float32) * 0.02
    inp['attn_b'] = jnp.zeros((ATTN,), dtype=jnp.float32)
    inp['attnC_W'] = jax.random.normal(ks[7], (ATTN, 1), dtype=jnp.float32) * 0.02
    inp['attnC_b'] = jnp.zeros((1,), dtype=jnp.float32)
    inp['dp_W'] = jax.random.normal(ks[8], (D, DPL), dtype=jnp.float32) * 0.02
    inp['dp_b'] = jnp.zeros((DPL,), dtype=jnp.float32)
    inp['read_W'] = jax.random.normal(ks[9], (D, 1), dtype=jnp.float32) * 0.02
    inp['read_b'] = jnp.zeros((1,), dtype=jnp.float32)
    inp['mort_W'] = jax.random.normal(ks[10], (D, 1), dtype=jnp.float32) * 0.02
    inp['mort_b'] = jnp.zeros((1,), dtype=jnp.float32)
    inp['co_W'] = jax.random.normal(ks[11], (D, DXV + RXV), dtype=jnp.float32) * 0.02
    inp['co_b'] = jnp.zeros((DXV + RXV,), dtype=jnp.float32)
    return inp


def reference(dxseqs, drugseqs, dx_onehot, drug_onehot, EHRdxEmb, EHRdrugEmb,
              attn_W, attn_b, attnC_W, attnC_b, dp_W, dp_b, read_W, read_b,
              mort_W, mort_b, co_W, co_b):
    # embedding lookups (SparseCore gathers)
    dxE = jnp.take(EHRdxEmb, dxseqs, axis=0)      # [B,T,DXN,D]
    rxE = jnp.take(EHRdrugEmb, drugseqs, axis=0)  # [B,T,RXN,D]
    EHREmb = jnp.concatenate([dxE, rxE], axis=2)  # [B,T,DXN+RXN,D]
    # visit representation
    visitEmb = jnp.tanh(jnp.sum(EHREmb, axis=2))  # [B,T,D]
    # patient-level attention over visits (attn takes 2*EHREmbDim)
    last = visitEmb[:, -1, :]
    ctx = jnp.concatenate([visitEmb, jnp.broadcast_to(last[:, None, :], visitEmb.shape)], axis=-1)
    e = jnp.tanh(jnp.dot(ctx, attn_W) + attn_b)       # [B,T,ATTN]
    scores = jnp.dot(e, attnC_W) + attnC_b            # [B,T,1]
    alpha = jax.nn.softmax(scores, axis=1)
    ptEmb = jnp.sum(alpha * visitEmb, axis=1)         # [B,D]
    # prediction heads
    dpPred = jax.nn.sigmoid(jnp.dot(ptEmb, dp_W) + dp_b)        # [B,DPL]
    readPred = jax.nn.sigmoid(jnp.dot(ptEmb, read_W) + read_b)  # [B,1]
    mortPred = jax.nn.sigmoid(jnp.dot(ptEmb, mort_W) + mort_b)  # [B,1]
    # co-occurrence head + multi_class_cross_entropy_loss from the source file
    co_logits = jnp.dot(visitEmb, co_W) + co_b                  # [B,T,DXV+RXV]
    preds = jax.nn.softmax(co_logits, axis=-1)
    labels = jnp.concatenate([dx_onehot, drug_onehot], axis=-1)
    co_loss = -jnp.mean(jnp.sum(jnp.sum(labels * jnp.log(preds + 1e-8), axis=1), axis=1))
    return dpPred, readPred, mortPred, co_loss

if __name__ == "__main__":
    import jax
    _d = setup_inputs()
    print(jax.jit(kernel)(*tuple(_d.values())))

</pallas_src>

<mosaic_0001>
#map = affine_map<(d0, d1) -> (0)>
#map1 = affine_map<(d0, d1) -> (0, 0)>
module attributes {stable_mosaic.version = 14 : i64} {
  func.func @bag(%arg0: i32, %arg1: i32, %arg2: memref<102400xi32, #tpu.memory_space<hbm>>, %arg3: memref<102400xi32, #tpu.memory_space<hbm>>, %arg4: memref<4881x128xi32, #tpu.memory_space<hbm>>, %arg5: memref<3001x128xi32, #tpu.memory_space<hbm>>, %arg6: memref<2560x256xf32, #tpu.memory_space<hbm>>, %arg7: memref<3200xi32, #tpu.memory_space<vmem>>, %arg8: memref<3200xi32, #tpu.memory_space<vmem>>, %arg9: memref<4x40x128xi32, #tpu.memory_space<vmem>>, %arg10: memref<4x40x128xi32, #tpu.memory_space<vmem>>, %arg11: memref<80x256xf32, #tpu.memory_space<vmem>>, %arg12: memref<!tpu.dma_semaphore, #tpu.memory_space<semaphore_mem>>, %arg13: memref<!tpu.dma_semaphore, #tpu.memory_space<semaphore_mem>>, %arg14: memref<!tpu.dma_semaphore, #tpu.memory_space<semaphore_mem>>, %arg15: memref<!tpu.dma_semaphore, #tpu.memory_space<semaphore_mem>>, %arg16: memref<!tpu.dma_semaphore, #tpu.memory_space<semaphore_mem>>, %arg17: memref<!tpu.dma_semaphore, #tpu.memory_space<semaphore_mem>>, %arg18: memref<!tpu.dma_semaphore, #tpu.memory_space<semaphore_mem>>, %arg19: memref<!tpu.dma_semaphore, #tpu.memory_space<semaphore_mem>>) attributes {dimension_semantics = [#tpu.dimension_semantics<core_parallel>, #tpu.dimension_semantics<subcore_parallel>], iteration_bounds = array<i64: 2, 16>, scalar_prefetch = 0 : i64, scratch_operands = 13 : i64, tpu.core_type = #tpu.core_type<sc_vector_subcore>, window_params = [{transform_indices = #map}, {transform_indices = #map}, {transform_indices = #map1}, {transform_indices = #map1}, {transform_indices = #map1}]} {
    %mul3A = arith.constant 2 : i32
    %mul3A_0 = arith.muli %arg1, %mul3A : i32
    %add3A = arith.addi %mul3A_0, %arg0 : i32
    %mul3A_1 = arith.constant 80 : i32
    %mul3A_2 = arith.muli %add3A, %mul3A_1 : i32
    %add3A_3 = arith.constant 0 : i32
    %add3A_4 = arith.addi %add3A_3, %mul3A_2 : i32
    %mul3A_5 = arith.constant 40 : i32
    %mul3A_6 = arith.muli %add3A_4, %mul3A_5 : i32
    "tpu.region"() ({
      %run_scoped3A = tpu.sem_alloc : memref<!tpu.dma_semaphore, #tpu.memory_space<semaphore_mem>>
      %dma_start3A_75 = tpu.memref_slice %arg2[%mul3A_6] : memref<102400xi32, #tpu.memory_space<hbm>> -> memref<3200xi32, #tpu.memory_space<hbm>>
      %dma_start3A_76 = tpu.memref_slice %arg2[%mul3A_6] : memref<102400xi32, #tpu.memory_space<hbm>> -> memref<3200xi32, #tpu.memory_space<hbm>>
      tpu.enqueue_dma source(%dma_start3A_76 : memref<3200xi32, #tpu.memory_space<hbm>>) target(%arg7 : memref<3200xi32, #tpu.memory_space<vmem>>) target_semaphore(%run_scoped3A : memref<!tpu.dma_semaphore, #tpu.memory_space<semaphore_mem>>)
      %dma_wait3A = tpu.memref_slice %arg2[%mul3A_6] : memref<102400xi32, #tpu.memory_space<hbm>> -> memref<3200xi32, #tpu.memory_space<hbm>>
      %dma_wait3A_77 = tpu.memref_slice %arg2[%mul3A_6] : memref<102400xi32, #tpu.memory_space<hbm>> -> memref<3200xi32, #tpu.memory_space<hbm>>
      tpu.wait_dma2 semaphore(%run_scoped3A : memref<!tpu.dma_semaphore, #tpu.memory_space<semaphore_mem>>) src(%dma_wait3A_77 : memref<3200xi32, #tpu.memory_space<hbm>>) dst(%arg7 : memref<3200xi32, #tpu.memory_space<vmem>>)
      tpu.yield
    }) : () -> ()
    %mul3A_7 = arith.constant 40 : i32
    %mul3A_8 = arith.muli %add3A_4, %mul3A_7 : i32
    "tpu.region"() ({
      %run_scoped3A = tpu.sem_alloc : memref<!tpu.dma_semaphore, #tpu.memory_space<semaphore_mem>>
      %dma_start3A_75 = tpu.memref_slice %arg3[%mul3A_8] : memref<102400xi32, #tpu.memory_space<hbm>> -> memref<3200xi32, #tpu.memory_space<hbm>>
      %dma_start3A_76 = tpu.memref_slice %arg3[%mul3A_8] : memref<102400xi32, #tpu.memory_space<hbm>> -> memref<3200xi32, #tpu.memory_space<hbm>>
      tpu.enqueue_dma source(%dma_start3A_76 : memref<3200xi32, #tpu.memory_space<hbm>>) target(%arg8 : memref<3200xi32, #tpu.memory_space<vmem>>) target_semaphore(%run_scoped3A : memref<!tpu.dma_semaphore, #tpu.memory_space<semaphore_mem>>)
      %dma_wait3A = tpu.memref_slice %arg3[%mul3A_8] : memref<102400xi32, #tpu.memory_space<hbm>> -> memref<3200xi32, #tpu.memory_space<hbm>>
      %dma_wait3A_77 = tpu.memref_slice %arg3[%mul3A_8] : memref<102400xi32, #tpu.memory_space<hbm>> -> memref<3200xi32, #tpu.memory_space<hbm>>
      tpu.wait_dma2 semaphore(%run_scoped3A : memref<!tpu.dma_semaphore, #tpu.memory_space<semaphore_mem>>) src(%dma_wait3A_77 : memref<3200xi32, #tpu.memory_space<hbm>>) dst(%arg8 : memref<3200xi32, #tpu.memory_space<vmem>>)
      tpu.yield
    }) : () -> ()
    %dma_start3A = arith.constant 0 : i32
    %dma_start3A_9 = arith.constant 0 : i32
    %dma_start3A_10 = arith.constant 0 : i32
    %dma_start3A_11 = tpu.memref_slice %arg9[%dma_start3A, %dma_start3A_9, %dma_start3A_10] : memref<4x40x128xi32, #tpu.memory_space<vmem>> -> memref<1x40x128xi32, #tpu.memory_space<vmem>>
    %dma_start3A_12 = tpu.memref_squeeze %dma_start3A_11 : memref<1x40x128xi32, #tpu.memory_space<vmem>> -> memref<40x128xi32, #tpu.memory_space<vmem>>
    %dma_start3A_13 = arith.constant 0 : i32
    %dma_start3A_14 = tpu.memref_slice %arg7[%dma_start3A_13] : memref<3200xi32, #tpu.memory_space<vmem>> -> memref<40xi32, #tpu.memory_space<vmem>>
    %dma_start3A_15 = arith.constant 0 : i32
    %dma_start3A_16 = arith.constant 0 : i32
    %dma_start3A_17 = tpu.memref_slice %arg4[%dma_start3A_15, %dma_start3A_16] : memref<4881x128xi32, #tpu.memory_space<hbm>> -> memref<4881x128xi32, #tpu.memory_space<hbm>>
    tpu.enqueue_indirect_dma source(%dma_start3A_17 : memref<4881x128xi32, #tpu.memory_space<hbm>>) target(%dma_start3A_12 : memref<40x128xi32, #tpu.memory_space<vmem>>) offsets(%dma_start3A_14 : memref<40xi32, #tpu.memory_space<vmem>>) semaphore(%arg12 : memref<!tpu.dma_semaphore, #tpu.memory_space<semaphore_mem>>)
    %dma_start3A_18 = arith.constant 0 : i32
    %dma_start3A_19 = arith.constant 0 : i32
    %dma_start3A_20 = arith.constant 0 : i32
    %dma_start3A_21 = tpu.memref_slice %arg10[%dma_start3A_18, %dma_start3A_19, %dma_start3A_20] : memref<4x40x128xi32, #tpu.memory_space<vmem>> -> memref<1x40x128xi32, #tpu.memory_space<vmem>>
    %dma_start3A_22 = tpu.memref_squeeze %dma_start3A_21 : memref<1x40x128xi32, #tpu.memory_space<vmem>> -> memref<40x128xi32, #tpu.memory_space<vmem>>
    %dma_start3A_23 = arith.constant 0 : i32
    %dma_start3A_24 = tpu.memref_slice %arg8[%dma_start3A_23] : memref<3200xi32, #tpu.memory_space<vmem>> -> memref<40xi32, #tpu.memory_space<vmem>>
    %dma_start3A_25 = arith.constant 0 : i32
    %dma_start3A_26 = arith.constant 0 : i32
    %dma_start3A_27 = tpu.memref_slice %arg5[%dma_start3A_25, %dma_start3A_26] : memref<3001x128xi32, #tpu.memory_space<hbm>> -> memref<3001x128xi32, #tpu.memory_space<hbm>>
    tpu.enqueue_indirect_dma source(%dma_start3A_27 : memref<3001x128xi32, #tpu.memory_space<hbm>>) target(%dma_start3A_22 : memref<40x128xi32, #tpu.memory_space<vmem>>) offsets(%dma_start3A_24 : memref<40xi32, #tpu.memory_space<vmem>>) semaphore(%arg13 : memref<!tpu.dma_semaphore, #tpu.memory_space<semaphore_mem>>)
    %dma_start3A_28 = arith.constant 1 : i32
    %dma_start3A_29 = arith.constant 0 : i32
    %dma_start3A_30 = arith.constant 0 : i32
    %dma_start3A_31 = tpu.memref_slice %arg9[%dma_start3A_28, %dma_start3A_29, %dma_start3A_30] : memref<4x40x128xi32, #tpu.memory_space<vmem>> -> memref<1x40x128xi32, #tpu.memory_space<vmem>>
    %dma_start3A_32 = tpu.memref_squeeze %dma_start3A_31 : memref<1x40x128xi32, #tpu.memory_space<vmem>> -> memref<40x128xi32, #tpu.memory_space<vmem>>
    %dma_start3A_33 = arith.constant 40 : i32
    %dma_start3A_34 = tpu.memref_slice %arg7[%dma_start3A_33] : memref<3200xi32, #tpu.memory_space<vmem>> -> memref<40xi32, #tpu.memory_space<vmem>>
    %dma_start3A_35 = arith.constant 0 : i32
    %dma_start3A_36 = arith.constant 0 : i32
    %dma_start3A_37 = tpu.memref_slice %arg4[%dma_start3A_35, %dma_start3A_36] : memref<4881x128xi32, #tpu.memory_space<hbm>> -> memref<4881x128xi32, #tpu.memory_space<hbm>>
    tpu.enqueue_indirect_dma source(%dma_start3A_37 : memref<4881x128xi32, #tpu.memory_space<hbm>>) target(%dma_start3A_32 : memref<40x128xi32, #tpu.memory_space<vmem>>) offsets(%dma_start3A_34 : memref<40xi32, #tpu.memory_space<vmem>>) semaphore(%arg14 : memref<!tpu.dma_semaphore, #tpu.memory_space<semaphore_mem>>)
    %dma_start3A_38 = arith.constant 1 : i32
    %dma_start3A_39 = arith.constant 0 : i32
    %dma_start3A_40 = arith.constant 0 : i32
    %dma_start3A_41 = tpu.memref_slice %arg10[%dma_start3A_38, %dma_start3A_39, %dma_start3A_40] : memref<4x40x128xi32, #tpu.memory_space<vmem>> -> memref<1x40x128xi32, #tpu.memory_space<vmem>>
    %dma_start3A_42 = tpu.memref_squeeze %dma_start3A_41 : memref<1x40x128xi32, #tpu.memory_space<vmem>> -> memref<40x128xi32, #tpu.memory_space<vmem>>
    %dma_start3A_43 = arith.constant 40 : i32
    %dma_start3A_44 = tpu.memref_slice %arg8[%dma_start3A_43] : memref<3200xi32, #tpu.memory_space<vmem>> -> memref<40xi32, #tpu.memory_space<vmem>>
    %dma_start3A_45 = arith.constant 0 : i32
    %dma_start3A_46 = arith.constant 0 : i32
    %dma_start3A_47 = tpu.memref_slice %arg5[%dma_start3A_45, %dma_start3A_46] : memref<3001x128xi32, #tpu.memory_space<hbm>> -> memref<3001x128xi32, #tpu.memory_space<hbm>>
    tpu.enqueue_indirect_dma source(%dma_start3A_47 : memref<3001x128xi32, #tpu.memory_space<hbm>>) target(%dma_start3A_42 : memref<40x128xi32, #tpu.memory_space<vmem>>) offsets(%dma_start3A_44 : memref<40xi32, #tpu.memory_space<vmem>>) semaphore(%arg15 : memref<!tpu.dma_semaphore, #tpu.memory_space<semaphore_mem>>)
    %dma_start3A_48 = arith.constant 2 : i32
    %dma_start3A_49 = arith.constant 0 : i32
    %dma_start3A_50 = arith.constant 0 : i32
    %dma_start3A_51 = tpu.memref_slice %arg9[%dma_start3A_48, %dma_start3A_49, %dma_start3A_50] : memref<4x40x128xi32, #tpu.memory_space<vmem>> -> memref<1x40x128xi32, #tpu.memory_space<vmem>>
    %dma_start3A_52 = tpu.memref_squeeze %dma_start3A_51 : memref<1x40x128xi32, #tpu.memory_space<vmem>> -> memref<40x128xi32, #tpu.memory_space<vmem>>
    %dma_start3A_53 = arith.constant 80 : i32
    %dma_start3A_54 = tpu.memref_slice %arg7[%dma_start3A_53] : memref<3200xi32, #tpu.memory_space<vmem>> -> memref<40xi32, #tpu.memory_space<vmem>>
    %dma_start3A_55 = arith.constant 0 : i32
    %dma_start3A_56 = arith.constant 0 : i32
    %dma_start3A_57 = tpu.memref_slice %arg4[%dma_start3A_55, %dma_start3A_56] : memref<4881x128xi32, #tpu.memory_space<hbm>> -> memref<4881x128xi32, #tpu.memory_space<hbm>>
    tpu.enqueue_indirect_dma source(%dma_start3A_57 : memref<4881x128xi32, #tpu.memory_space<hbm>>) target(%dma_start3A_52 : memref<40x128xi32, #tpu.memory_space<vmem>>) offsets(%dma_start3A_54 : memref<40xi32, #tpu.memory_space<vmem>>) semaphore(%arg16 : memref<!tpu.dma_semaphore, #tpu.memory_space<semaphore_mem>>)
    %dma_start3A_58 = arith.constant 2 : i32
    %dma_start3A_59 = arith.constant 0 : i32
    %dma_start3A_60 = arith.constant 0 : i32
    %dma_start3A_61 = tpu.memref_slice %arg10[%dma_start3A_58, %dma_start3A_59, %dma_start3A_60] : memref<4x40x128xi32, #tpu.memory_space<vmem>> -> memref<1x40x128xi32, #tpu.memory_space<vmem>>
    %dma_start3A_62 = tpu.memref_squeeze %dma_start3A_61 : memref<1x40x128xi32, #tpu.memory_space<vmem>> -> memref<40x128xi32, #tpu.memory_space<vmem>>
    %dma_start3A_63 = arith.constant 80 : i32
    %dma_start3A_64 = tpu.memref_slice %arg8[%dma_start3A_63] : memref<3200xi32, #tpu.memory_space<vmem>> -> memref<40xi32, #tpu.memory_space<vmem>>
    %dma_start3A_65 = arith.constant 0 : i32
    %dma_start3A_66 = arith.constant 0 : i32
    %dma_start3A_67 = tpu.memref_slice %arg5[%dma_start3A_65, %dma_start3A_66] : memref<3001x128xi32, #tpu.memory_space<hbm>> -> memref<3001x128xi32, #tpu.memory_space<hbm>>
    tpu.enqueue_indirect_dma source(%dma_start3A_67 : memref<3001x128xi32, #tpu.memory_space<hbm>>) target(%dma_start3A_62 : memref<40x128xi32, #tpu.memory_space<vmem>>) offsets(%dma_start3A_64 : memref<40xi32, #tpu.memory_space<vmem>>) semaphore(%arg17 : memref<!tpu.dma_semaphore, #tpu.memory_space<semaphore_mem>>)
    %scan3A = arith.constant 0 : i32
    %scan3A_68 = arith.constant 0 : i32
    %scan3A_69 = arith.constant 20 : i32
    %scan3A_70 = arith.addi %scan3A_68, %scan3A_69 : i32
    %scan3A_71 = arith.constant 1 : i32
    scf.for %scan3A_75 = %scan3A_68 to %scan3A_70 step %scan3A_71  : i32 {
      %mul3A_76 = arith.constant 4 : i32
      %mul3A_77 = arith.muli %mul3A_76, %scan3A_75 : i32
      %add3A_78 = arith.constant 0 : i32
      %add3A_79 = arith.addi %mul3A_77, %add3A_78 : i32
      %dma_wait3A = arith.constant 0 : i32
      %dma_wait3A_80 = arith.constant 0 : i32
      %dma_wait3A_81 = arith.constant 0 : i32
      %dma_wait3A_82 = tpu.memref_slice %arg9[%dma_wait3A, %dma_wait3A_80, %dma_wait3A_81] : memref<4x40x128xi32, #tpu.memory_space<vmem>> -> memref<1x40x128xi32, #tpu.memory_space<vmem>>
      %dma_wait3A_83 = tpu.memref_squeeze %dma_wait3A_82 : memref<1x40x128xi32, #tpu.memory_space<vmem>> -> memref<40x128xi32, #tpu.memory_space<vmem>>
      %dma_wait3A_84 = arith.constant 0 : i32
      %dma_wait3A_85 = tpu.memref_slice %arg7[%dma_wait3A_84] : memref<3200xi32, #tpu.memory_space<vmem>> -> memref<40xi32, #tpu.memory_space<vmem>>
      %dma_wait3A_86 = arith.constant 0 : i32
      %dma_wait3A_87 = arith.constant 0 : i32
      %dma_wait3A_88 = tpu.memref_slice %arg4[%dma_wait3A_86, %dma_wait3A_87] : memref<4881x128xi32, #tpu.memory_space<hbm>> -> memref<4881x128xi32, #tpu.memory_space<hbm>>
      tpu.wait_indirect_dma semaphore(%arg12 : memref<!tpu.dma_semaphore, #tpu.memory_space<semaphore_mem>>) src(%dma_wait3A_88 : memref<4881x128xi32, #tpu.memory_space<hbm>>) dst(%dma_wait3A_83 : memref<40x128xi32, #tpu.memory_space<vmem>>)
      %dma_wait3A_89 = arith.constant 0 : i32
      %dma_wait3A_90 = arith.constant 0 : i32
      %dma_wait3A_91 = arith.constant 0 : i32
      %dma_wait3A_92 = tpu.memref_slice %arg10[%dma_wait3A_89, %dma_wait3A_90, %dma_wait3A_91] : memref<4x40x128xi32, #tpu.memory_space<vmem>> -> memref<1x40x128xi32, #tpu.memory_space<vmem>>
      %dma_wait3A_93 = tpu.memref_squeeze %dma_wait3A_92 : memref<1x40x128xi32, #tpu.memory_space<vmem>> -> memref<40x128xi32, #tpu.memory_space<vmem>>
      %dma_wait3A_94 = arith.constant 0 : i32
      %dma_wait3A_95 = tpu.memref_slice %arg8[%dma_wait3A_94] : memref<3200xi32, #tpu.memory_space<vmem>> -> memref<40xi32, #tpu.memory_space<vmem>>
      %dma_wait3A_96 = arith.constant 0 : i32
      %dma_wait3A_97 = arith.constant 0 : i32
      %dma_wait3A_98 = tpu.memref_slice %arg5[%dma_wait3A_96, %dma_wait3A_97] : memref<3001x128xi32, #tpu.memory_space<hbm>> -> memref<3001x128xi32, #tpu.memory_space<hbm>>
      tpu.wait_indirect_dma semaphore(%arg13 : memref<!tpu.dma_semaphore, #tpu.memory_space<semaphore_mem>>) src(%dma_wait3A_98 : memref<3001x128xi32, #tpu.memory_space<hbm>>) dst(%dma_wait3A_93 : memref<40x128xi32, #tpu.memory_space<vmem>>)
      %broadcast_in_dim3A = arith.constant 0.000000e+00 : f32
      %broadcast_in_dim3A_99 = vector.broadcast %broadcast_in_dim3A : f32 to vector<16xf32>
      %broadcast_in_dim3A_100 = arith.constant 0.000000e+00 : f32
      %broadcast_in_dim3A_101 = vector.broadcast %broadcast_in_dim3A_100 : f32 to vector<16xf32>
      %broadcast_in_dim3A_102 = arith.constant 0.000000e+00 : f32
      %broadcast_in_dim3A_103 = vector.broadcast %broadcast_in_dim3A_102 : f32 to vector<16xf32>
      %broadcast_in_dim3A_104 = arith.constant 0.000000e+00 : f32
      %broadcast_in_dim3A_105 = vector.broadcast %broadcast_in_dim3A_104 : f32 to vector<16xf32>
      %broadcast_in_dim3A_106 = arith.constant 0.000000e+00 : f32
      %broadcast_in_dim3A_107 = vector.broadcast %broadcast_in_dim3A_106 : f32 to vector<16xf32>
      %broadcast_in_dim3A_108 = arith.constant 0.000000e+00 : f32
      %broadcast_in_dim3A_109 = vector.broadcast %broadcast_in_dim3A_108 : f32 to vector<16xf32>
      %broadcast_in_dim3A_110 = arith.constant 0.000000e+00 : f32
      %broadcast_in_dim3A_111 = vector.broadcast %broadcast_in_dim3A_110 : f32 to vector<16xf32>
      %broadcast_in_dim3A_112 = arith.constant 0.000000e+00 : f32
      %broadcast_in_dim3A_113 = vector.broadcast %broadcast_in_dim3A_112 : f32 to vector<16xf32>
      %broadcast_in_dim3A_114 = arith.constant 0.000000e+00 : f32
      %broadcast_in_dim3A_115 = vector.broadcast %broadcast_in_dim3A_114 : f32 to vector<16xf32>
      %broadcast_in_dim3A_116 = arith.constant 0.000000e+00 : f32
      %broadcast_in_dim3A_117 = vector.broadcast %broadcast_in_dim3A_116 : f32 to vector<16xf32>
      %broadcast_in_dim3A_118 = arith.constant 0.000000e+00 : f32
      %broadcast_in_dim3A_119 = vector.broadcast %broadcast_in_dim3A_118 : f32 to vector<16xf32>
      %broadcast_in_dim3A_120 = arith.constant 0.000000e+00 : f32
      %broadcast_in_dim3A_121 = vector.broadcast %broadcast_in_dim3A_120 : f32 to vector<16xf32>
      %broadcast_in_dim3A_122 = arith.constant 0.000000e+00 : f32
      %broadcast_in_dim3A_123 = vector.broadcast %broadcast_in_dim3A_122 : f32 to vector<16xf32>
      %broadcast_in_dim3A_124 = arith.constant 0.000000e+00 : f32
      %broadcast_in_dim3A_125 = vector.broadcast %broadcast_in_dim3A_124 : f32 to vector<16xf32>
      %broadcast_in_dim3A_126 = arith.constant 0.000000e+00 : f32
      %broadcast_in_dim3A_127 = vector.broadcast %broadcast_in_dim3A_126 : f32 to vector<16xf32>
      %broadcast_in_dim3A_128 = arith.constant 0.000000e+00 : f32
      %broadcast_in_dim3A_129 = vector.broadcast %broadcast_in_dim3A_128 : f32 to vector<16xf32>
      %scan3A_130 = arith.constant 0 : i32
      %scan3A_131 = arith.constant 40 : i32
      %scan3A_132 = arith.addi %scan3A_130, %scan3A_131 : i32
      %scan3A_133 = arith.constant 1 : i32
      %scan3A_134:16 = scf.for %scan3A_667 = %scan3A_130 to %scan3A_132 step %scan3A_133 iter_args(%scan3A_668 = %broadcast_in_dim3A_99, %scan3A_669 = %broadcast_in_dim3A_101, %scan3A_670 = %broadcast_in_dim3A_103, %scan3A_671 = %broadcast_in_dim3A_105, %scan3A_672 = %broadcast_in_dim3A_107, %scan3A_673 = %broadcast_in_dim3A_109, %scan3A_674 = %broadcast_in_dim3A_111, %scan3A_675 = %broadcast_in_dim3A_113, %scan3A_676 = %broadcast_in_dim3A_115, %scan3A_677 = %broadcast_in_dim3A_117, %scan3A_678 = %broadcast_in_dim3A_119, %scan3A_679 = %broadcast_in_dim3A_121, %scan3A_680 = %broadcast_in_dim3A_123, %scan3A_681 = %broadcast_in_dim3A_125, %scan3A_682 = %broadcast_in_dim3A_127, %scan3A_683 = %broadcast_in_dim3A_129) -> (vector<16xf32>, vector<16xf32>, vector<16xf32>, vector<16xf32>, vector<16xf32>, vector<16xf32>, vector<16xf32>, vector<16xf32>, vector<16xf32>, vector<16xf32>, vector<16xf32>, vector<16xf32>, vector<16xf32>, vector<16xf32>, vector<16xf32>, vector<16xf32>)  : i32 {
        %get3A = arith.constant 0 : i32
        %get3A_684 = arith.index_cast %get3A : i32 to index
        %get3A_685 = arith.index_cast %scan3A_667 : i32 to index
        %get3A_686 = arith.constant 0 : index
        %get3A_687 = tpu.vector_load %arg9[%get3A_684, %get3A_685, %get3A_686] {strides = array<i32>} : memref<4x40x128xi32, #tpu.memory_space<vmem>>, vector<1x1x16xi32>,
        %get3A_688 = vector.shape_cast %get3A_687 : vector<1x1x16xi32> to vector<16xi32>
        %get3A_689 = arith.constant 0 : i32
        %get3A_690 = arith.index_cast %get3A_689 : i32 to index
        %get3A_691 = arith.index_cast %scan3A_667 : i32 to index
        %get3A_692 = arith.constant 0 : index
        %get3A_693 = tpu.vector_load %arg10[%get3A_690, %get3A_691, %get3A_692] {strides = array<i32>} : memref<4x40x128xi32, #tpu.memory_space<vmem>>, vector<1x1x16xi32>,
        %get3A_694 = vector.shape_cast %get3A_693 : vector<1x1x16xi32> to vector<16xi32>
        %shift_left3A = arith.constant 16 : i32
        %shift_left3A_695 = vector.broadcast %shift_left3A : i32 to vector<16xi32>
        %shift_left3A_696 = arith.shli %get3A_688, %shift_left3A_695 : vector<16xi32>
        %bitcast_convert_type3A = tpu.bitcast %shift_left3A_696 : vector<16xi32> -> vector<16xf32>
        %add3A_697 = arith.addf %scan3A_668, %bitcast_convert_type3A : vector<16xf32>
        %shift_left3A_698 = arith.constant 16 : i32
        %shift_left3A_699 = vector.broadcast %shift_left3A_698 : i32 to vector<16xi32>
        %shift_left3A_700 = arith.shli %get3A_694, %shift_left3A_699 : vector<16xi32>
        %bitcast_convert_type3A_701 = tpu.bitcast %shift_left3A_700 : vector<16xi32> -> vector<16xf32>
        %add3A_702 = arith.addf %add3A_697, %bitcast_convert_type3A_701 : vector<16xf32>
        %bitcast_convert_type3A_703 = tpu.bitcast %get3A_688 : vector<16xi32> -> vector<16xf32>
        %add3A_704 = arith.addf %scan3A_669, %bitcast_convert_type3A_703 : vector<16xf32>
        %bitcast_convert_type3A_705 = tpu.bitcast %get3A_694 : vector<16xi32> -> vector<16xf32>
        %add3A_706 = arith.addf %add3A_704, %bitcast_convert_type3A_705 : vector<16xf32>
        %get3A_707 = arith.constant 0 : i32
        %get3A_708 = arith.index_cast %get3A_707 : i32 to index
        %get3A_709 = arith.index_cast %scan3A_667 : i32 to index
        %get3A_710 = arith.constant 16 : index
        %get3A_711 = tpu.vector_load %arg9[%get3A_708, %get3A_709, %get3A_710] {strides = array<i32>} : memref<4x40x128xi32, #tpu.memory_space<vmem>>, vector<1x1x16xi32>,
        %get3A_712 = vector.shape_cast %get3A_711 : vector<1x1x16xi32> to vector<16xi32>
        %get3A_713 = arith.constant 0 : i32
        %get3A_714 = arith.index_cast %get3A_713 : i32 to index
        %get3A_715 = arith.index_cast %scan3A_667 : i32 to index
        %get3A_716 = arith.constant 16 : index
        %get3A_717 = tpu.vector_load %arg10[%get3A_714, %get3A_715, %get3A_716] {strides = array<i32>} : memref<4x40x128xi32, #tpu.memory_space<vmem>>, vector<1x1x16xi32>,
        %get3A_718 = vector.shape_cast %get3A_717 : vector<1x1x16xi32> to vector<16xi32>
        %shift_left3A_719 = arith.constant 16 : i32
        %shift_left3A_720 = vector.broadcast %shift_left3A_719 : i32 to vector<16xi32>
        %shift_left3A_721 = arith.shli %get3A_712, %shift_left3A_720 : vector<16xi32>
        %bitcast_convert_type3A_722 = tpu.bitcast %shift_left3A_721 : vector<16xi32> -> vector<16xf32>
        %add3A_723 = arith.addf %scan3A_670, %bitcast_convert_type3A_722 : vector<16xf32>
        %shift_left3A_724 = arith.constant 16 : i32
        %shift_left3A_725 = vector.broadcast %shift_left3A_724 : i32 to vector<16xi32>
        %shift_left3A_726 = arith.shli %get3A_718, %shift_left3A_725 : vector<16xi32>
        %bitcast_convert_type3A_727 = tpu.bitcast %shift_left3A_726 : vector<16xi32> -> vector<16xf32>
        %add3A_728 = arith.addf %add3A_723, %bitcast_convert_type3A_727 : vector<16xf32>
        %bitcast_convert_type3A_729 = tpu.bitcast %get3A_712 : vector<16xi32> -> vector<16xf32>
        %add3A_730 = arith.addf %scan3A_671, %bitcast_convert_type3A_729 : vector<16xf32>
        %bitcast_convert_type3A_731 = tpu.bitcast %get3A_718 : vector<16xi32> -> vector<16xf32>
        %add3A_732 = arith.addf %add3A_730, %bitcast_convert_type3A_731 : vector<16xf32>
        %get3A_733 = arith.constant 0 : i32
        %get3A_734 = arith.index_cast %get3A_733 : i32 to index
        %get3A_735 = arith.index_cast %scan3A_667 : i32 to index
        %get3A_736 = arith.constant 32 : index
        %get3A_737 = tpu.vector_load %arg9[%get3A_734, %get3A_735, %get3A_736] {strides = array<i32>} : memref<4x40x128xi32, #tpu.memory_space<vmem>>, vector<1x1x16xi32>,
        %get3A_738 = vector.shape_cast %get3A_737 : vector<1x1x16xi32> to vector<16xi32>
        %get3A_739 = arith.constant 0 : i32
        %get3A_740 = arith.index_cast %get3A_739 : i32 to index
        %get3A_741 = arith.index_cast %scan3A_667 : i32 to index
        %get3A_742 = arith.constant 32 : index
        %get3A_743 = tpu.vector_load %arg10[%get3A_740, %get3A_741, %get3A_742] {strides = array<i32>} : memref<4x40x128xi32, #tpu.memory_space<vmem>>, vector<1x1x16xi32>,
        %get3A_744 = vector.shape_cast %get3A_743 : vector<1x1x16xi32> to vector<16xi32>
        %shift_left3A_745 = arith.constant 16 : i32
        %shift_left3A_746 = vector.broadcast %shift_left3A_745 : i32 to vector<16xi32>
        %shift_left3A_747 = arith.shli %get3A_738, %shift_left3A_746 : vector<16xi32>
        %bitcast_convert_type3A_748 = tpu.bitcast %shift_left3A_747 : vector<16xi32> -> vector<16xf32>
        %add3A_749 = arith.addf %scan3A_672, %bitcast_convert_type3A_748 : vector<16xf32>
        %shift_left3A_750 = arith.constant 16 : i32
        %shift_left3A_751 = vector.broadcast %shift_left3A_750 : i32 to vector<16xi32>
        %shift_left3A_752 = arith.shli %get3A_744, %shift_left3A_751 : vector<16xi32>
        %bitcast_convert_type3A_753 = tpu.bitcast %shift_left3A_752 : vector<16xi32> -> vector<16xf32>
        %add3A_754 = arith.addf %add3A_749, %bitcast_convert_type3A_753 : vector<16xf32>
        %bitcast_convert_type3A_755 = tpu.bitcast %get3A_738 : vector<16xi32> -> vector<16xf32>
        %add3A_756 = arith.addf %scan3A_673, %bitcast_convert_type3A_755 : vector<16xf32>
        %bitcast_convert_type3A_757 = tpu.bitcast %get3A_744 : vector<16xi32> -> vector<16xf32>
        %add3A_758 = arith.addf %add3A_756, %bitcast_convert_type3A_757 : vector<16xf32>
        %get3A_759 = arith.constant 0 : i32
        %get3A_760 = arith.index_cast %get3A_759 : i32 to index
        %get3A_761 = arith.index_cast %scan3A_667 : i32 to index
        %get3A_762 = arith.constant 48 : index
        %get3A_763 = tpu.vector_load %arg9[%get3A_760, %get3A_761, %get3A_762] {strides = array<i32>} : memref<4x40x128xi32, #tpu.memory_space<vmem>>, vector<1x1x16xi32>,
        %get3A_764 = vector.shape_cast %get3A_763 : vector<1x1x16xi32> to vector<16xi32>
        %get3A_765 = arith.constant 0 : i32
        %get3A_766 = arith.index_cast %get3A_765 : i32 to index
        %get3A_767 = arith.index_cast %scan3A_667 : i32 to index
        %get3A_768 = arith.constant 48 : index
        %get3A_769 = tpu.vector_load %arg10[%get3A_766, %get3A_767, %get3A_768] {strides = array<i32>} : memref<4x40x128xi32, #tpu.memory_space<vmem>>, vector<1x1x16xi32>,
        %get3A_770 = vector.shape_cast %get3A_769 : vector<1x1x16xi32> to vector<16xi32>
        %shift_left3A_771 = arith.constant 16 : i32
        %shift_left3A_772 = vector.broadcast %shift_left3A_771 : i32 to vector<16xi32>
        %shift_left3A_773 = arith.shli %get3A_764, %shift_left3A_772 : vector<16xi32>
        %bitcast_convert_type3A_774 = tpu.bitcast %shift_left3A_773 : vector<16xi32> -> vector<16xf32>
        %add3A_775 = arith.addf %scan3A_674, %bitcast_convert_type3A_774 : vector<16xf32>
        %shift_left3A_776 = arith.constant 16 : i32
        %shift_left3A_777 = vector.broadcast %shift_left3A_776 : i32 to vector<16xi32>
        %shift_left3A_778 = arith.shli %get3A_770, %shift_left3A_777 : vector<16xi32>
        %bitcast_convert_type3A_779 = tpu.bitcast %shift_left3A_778 : vector<16xi32> -> vector<16xf32>
        %add3A_780 = arith.addf %add3A_775, %bitcast_convert_type3A_779 : vector<16xf32>
        %bitcast_convert_type3A_781 = tpu.bitcast %get3A_764 : vector<16xi32> -> vector<16xf32>
        %add3A_782 = arith.addf %scan3A_675, %bitcast_convert_type3A_781 : vector<16xf32>
        %bitcast_convert_type3A_783 = tpu.bitcast %get3A_770 : vector<16xi32> -> vector<16xf32>
        %add3A_784 = arith.addf %add3A_782, %bitcast_convert_type3A_783 : vector<16xf32>
        %get3A_785 = arith.constant 0 : i32
        %get3A_786 = arith.index_cast %get3A_785 : i32 to index
        %get3A_787 = arith.index_cast %scan3A_667 : i32 to index
        %get3A_788 = arith.constant 64 : index
        %get3A_789 = tpu.vector_load %arg9[%get3A_786, %get3A_787, %get3A_788] {strides = array<i32>} : memref<4x40x128xi32, #tpu.memory_space<vmem>>, vector<1x1x16xi32>,
        %get3A_790 = vector.shape_cast %get3A_789 : vector<1x1x16xi32> to vector<16xi32>
        %get3A_791 = arith.constant 0 : i32
        %get3A_792 = arith.index_cast %get3A_791 : i32 to index
        %get3A_793 = arith.index_cast %scan3A_667 : i32 to index
        %get3A_794 = arith.constant 64 : index
        %get3A_795 = tpu.vector_load %arg10[%get3A_792, %get3A_793, %get3A_794] {strides = array<i32>} : memref<4x40x128xi32, #tpu.memory_space<vmem>>, vector<1x1x16xi32>,
        %get3A_796 = vector.shape_cast %get3A_795 : vector<1x1x16xi32> to vector<16xi32>
        %shift_left3A_797 = arith.constant 16 : i32
        %shift_left3A_798 = vector.broadcast %shift_left3A_797 : i32 to vector<16xi32>
        %shift_left3A_799 = arith.shli %get3A_790, %shift_left3A_798 : vector<16xi32>
        %bitcast_convert_type3A_800 = tpu.bitcast %shift_left3A_799 : vector<16xi32> -> vector<16xf32>
        %add3A_801 = arith.addf %scan3A_676, %bitcast_convert_type3A_800 : vector<16xf32>
        %shift_left3A_802 = arith.constant 16 : i32
        %shift_left3A_803 = vector.broadcast %shift_left3A_802 : i32 to vector<16xi32>
        %shift_left3A_804 = arith.shli %get3A_796, %shift_left3A_803 : vector<16xi32>
        %bitcast_convert_type3A_805 = tpu.bitcast %shift_left3A_804 : vector<16xi32> -> vector<16xf32>
        %add3A_806 = arith.addf %add3A_801, %bitcast_convert_type3A_805 : vector<16xf32>
        %bitcast_convert_type3A_807 = tpu.bitcast %get3A_790 : vector<16xi32> -> vector<16xf32>
        %add3A_808 = arith.addf %scan3A_677, %bitcast_convert_type3A_807 : vector<16xf32>
        %bitcast_convert_type3A_809 = tpu.bitcast %get3A_796 : vector<16xi32> -> vector<16xf32>
        %add3A_810 = arith.addf %add3A_808, %bitcast_convert_type3A_809 : vector<16xf32>
        %get3A_811 = arith.constant 0 : i32
        %get3A_812 = arith.index_cast %get3A_811 : i32 to index
        %get3A_813 = arith.index_cast %scan3A_667 : i32 to index
        %get3A_814 = arith.constant 80 : index
        %get3A_815 = tpu.vector_load %arg9[%get3A_812, %get3A_813, %get3A_814] {strides = array<i32>} : memref<4x40x128xi32, #tpu.memory_space<vmem>>, vector<1x1x16xi32>,
        %get3A_816 = vector.shape_cast %get3A_815 : vector<1x1x16xi32> to vector<16xi32>
        %get3A_817 = arith.constant 0 : i32
        %get3A_818 = arith.index_cast %get3A_817 : i32 to index
        %get3A_819 = arith.index_cast %scan3A_667 : i32 to index
        %get3A_820 = arith.constant 80 : index
        %get3A_821 = tpu.vector_load %arg10[%get3A_818, %get3A_819, %get3A_820] {strides = array<i32>} : memref<4x40x128xi32, #tpu.memory_space<vmem>>, vector<1x1x16xi32>,
        %get3A_822 = vector.shape_cast %get3A_821 : vector<1x1x16xi32> to vector<16xi32>
        %shift_left3A_823 = arith.constant 16 : i32
        %shift_left3A_824 = vector.broadcast %shift_left3A_823 : i32 to vector<16xi32>
        %shift_left3A_825 = arith.shli %get3A_816, %shift_left3A_824 : vector<16xi32>
        %bitcast_convert_type3A_826 = tpu.bitcast %shift_left3A_825 : vector<16xi32> -> vector<16xf32>
        %add3A_827 = arith.addf %scan3A_678, %bitcast_convert_type3A_826 : vector<16xf32>
        %shift_left3A_828 = arith.constant 16 : i32
        %shift_left3A_829 = vector.broadcast %shift_left3A_828 : i32 to vector<16xi32>
        %shift_left3A_830 = arith.shli %get3A_822, %shift_left3A_829 : vector<16xi32>
        %bitcast_convert_type3A_831 = tpu.bitcast %shift_left3A_830 : vector<16xi32> -> vector<16xf32>
        %add3A_832 = arith.addf %add3A_827, %bitcast_convert_type3A_831 : vector<16xf32>
        %bitcast_convert_type3A_833 = tpu.bitcast %get3A_816 : vector<16xi32> -> vector<16xf32>
        %add3A_834 = arith.addf %scan3A_679, %bitcast_convert_type3A_833 : vector<16xf32>
        %bitcast_convert_type3A_835 = tpu.bitcast %get3A_822 : vector<16xi32> -> vector<16xf32>
        %add3A_836 = arith.addf %add3A_834, %bitcast_convert_type3A_835 : vector<16xf32>
        %get3A_837 = arith.constant 0 : i32
        %get3A_838 = arith.index_cast %get3A_837 : i32 to index
        %get3A_839 = arith.index_cast %scan3A_667 : i32 to index
        %get3A_840 = arith.constant 96 : index
        %get3A_841 = tpu.vector_load %arg9[%get3A_838, %get3A_839, %get3A_840] {strides = array<i32>} : memref<4x40x128xi32, #tpu.memory_space<vmem>>, vector<1x1x16xi32>,
        %get3A_842 = vector.shape_cast %get3A_841 : vector<1x1x16xi32> to vector<16xi32>
        %get3A_843 = arith.constant 0 : i32
        %get3A_844 = arith.index_cast %get3A_843 : i32 to index
        %get3A_845 = arith.index_cast %scan3A_667 : i32 to index
        %get3A_846 = arith.constant 96 : index
        %get3A_847 = tpu.vector_load %arg10[%get3A_844, %get3A_845, %get3A_846] {strides = array<i32>} : memref<4x40x128xi32, #tpu.memory_space<vmem>>, vector<1x1x16xi32>,
        %get3A_848 = vector.shape_cast %get3A_847 : vector<1x1x16xi32> to vector<16xi32>
        %shift_left3A_849 = arith.constant 16 : i32
        %shift_left3A_850 = vector.broadcast %shift_left3A_849 : i32 to vector<16xi32>
        %shift_left3A_851 = arith.shli %get3A_842, %shift_left3A_850 : vector<16xi32>
        %bitcast_convert_type3A_852 = tpu.bitcast %shift_left3A_851 : vector<16xi32> -> vector<16xf32>
        %add3A_853 = arith.addf %scan3A_680, %bitcast_convert_type3A_852 : vector<16xf32>
        %shift_left3A_854 = arith.constant 16 : i32
        %shift_left3A_855 = vector.broadcast %shift_left3A_854 : i32 to vector<16xi32>
        %shift_left3A_856 = arith.shli %get3A_848, %shift_left3A_855 : vector<16xi32>
        %bitcast_convert_type3A_857 = tpu.bitcast %shift_left3A_856 : vector<16xi32> -> vector<16xf32>
        %add3A_858 = arith.addf %add3A_853, %bitcast_convert_type3A_857 : vector<16xf32>
        %bitcast_convert_type3A_859 = tpu.bitcast %get3A_842 : vector<16xi32> -> vector<16xf32>
        %add3A_860 = arith.addf %scan3A_681, %bitcast_convert_type3A_859 : vector<16xf32>
        %bitcast_convert_type3A_861 = tpu.bitcast %get3A_848 : vector<16xi32> -> vector<16xf32>
        %add3A_862 = arith.addf %add3A_860, %bitcast_convert_type3A_861 : vector<16xf32>
        %get3A_863 = arith.constant 0 : i32
        %get3A_864 = arith.index_cast %get3A_863 : i32 to index
        %get3A_865 = arith.index_cast %scan3A_667 : i32 to index
        %get3A_866 = arith.constant 112 : index
        %get3A_867 = tpu.vector_load %arg9[%get3A_864, %get3A_865, %get3A_866] {strides = array<i32>} : memref<4x40x128xi32, #tpu.memory_space<vmem>>, vector<1x1x16xi32>,
        %get3A_868 = vector.shape_cast %get3A_867 : vector<1x1x16xi32> to vector<16xi32>
        %get3A_869 = arith.constant 0 : i32
        %get3A_870 = arith.index_cast %get3A_869 : i32 to index
        %get3A_871 = arith.index_cast %scan3A_667 : i32 to index
        %get3A_872 = arith.constant 112 : index
        %get3A_873 = tpu.vector_load %arg10[%get3A_870, %get3A_871, %get3A_872] {strides = array<i32>} : memref<4x40x128xi32, #tpu.memory_space<vmem>>, vector<1x1x16xi32>,
        %get3A_874 = vector.shape_cast %get3A_873 : vector<1x1x16xi32> to vector<16xi32>
        %shift_left3A_875 = arith.constant 16 : i32
        %shift_left3A_876 = vector.broadcast %shift_left3A_875 : i32 to vector<16xi32>
        %shift_left3A_877 = arith.shli %get3A_868, %shift_left3A_876 : vector<16xi32>
        %bitcast_convert_type3A_878 = tpu.bitcast %shift_left3A_877 : vector<16xi32> -> vector<16xf32>
        %add3A_879 = arith.addf %scan3A_682, %bitcast_convert_type3A_878 : vector<16xf32>
        %shift_left3A_880 = arith.constant 16 : i32
        %shift_left3A_881 = vector.broadcast %shift_left3A_880 : i32 to vector<16xi32>
        %shift_left3A_882 = arith.shli %get3A_874, %shift_left3A_881 : vector<16xi32>
        %bitcast_convert_type3A_883 = tpu.bitcast %shift_left3A_882 : vector<16xi32> -> vector<16xf32>
        %add3A_884 = arith.addf %add3A_879, %bitcast_convert_type3A_883 : vector<16xf32>
        %bitcast_convert_type3A_885 = tpu.bitcast %get3A_868 : vector<16xi32> -> vector<16xf32>
        %add3A_886 = arith.addf %scan3A_683, %bitcast_convert_type3A_885 : vector<16xf32>
        %bitcast_convert_type3A_887 = tpu.bitcast %get3A_874 : vector<16xi32> -> vector<16xf32>
        %add3A_888 = arith.addf %add3A_886, %bitcast_convert_type3A_887 : vector<16xf32>
        scf.yield %add3A_702, %add3A_706, %add3A_728, %add3A_732, %add3A_754, %add3A_758, %add3A_780, %add3A_784, %add3A_806, %add3A_810, %add3A_832, %add3A_836, %add3A_858, %add3A_862, %add3A_884, %add3A_888 : vector<16xf32>, vector<16xf32>, vector<16xf32>, vector<16xf32>, vector<16xf32>, vector<16xf32>, vector<16xf32>, vector<16xf32>, vector<16xf32>, vector<16xf32>, vector<16xf32>, vector<16xf32>, vector<16xf32>, vector<16xf32>, vector<16xf32>, vector<16xf32>
      }
      %scan3A_135 = arith.constant 40 : i32
      %swap3A = arith.index_cast %add3A_79 : i32 to index
      %swap3A_136 = arith.constant 0 : index
      %swap3A_137 = tpu.vector_load %arg11[%swap3A, %swap3A_136] {strides = array<i32>} : memref<80x256xf32, #tpu.memory_space<vmem>>, vector<1x16xf32>,
      %swap3A_138 = vector.shape_cast %swap3A_137 : vector<1x16xf32> to vector<16xf32>
      %swap3A_139 = vector.shape_cast %scan3A_134#0 : vector<16xf32> to vector<1x16xf32>
      tpu.vector_store %arg11[%swap3A, %swap3A_136], %swap3A_139 {strides = array<i32>} : memref<80x256xf32, #tpu.memory_space<vmem>>, vector<1x16xf32>,
      %swap3A_140 = arith.index_cast %add3A_79 : i32 to index
      %swap3A_141 = arith.constant 16 : index
      %swap3A_142 = tpu.vector_load %arg11[%swap3A_140, %swap3A_141] {strides = array<i32>} : memref<80x256xf32, #tpu.memory_space<vmem>>, vector<1x16xf32>,
      %swap3A_143 = vector.shape_cast %swap3A_142 : vector<1x16xf32> to vector<16xf32>
      %swap3A_144 = vector.shape_cast %scan3A_134#1 : vector<16xf32> to vector<1x16xf32>
      tpu.vector_store %arg11[%swap3A_140, %swap3A_141], %swap3A_144 {strides = array<i32>} : memref<80x256xf32, #tpu.memory_space<vmem>>, vector<1x16xf32>,
      %swap3A_145 = arith.index_cast %add3A_79 : i32 to index
      %swap3A_146 = arith.constant 32 : index
      %swap3A_147 = tpu.vector_load %arg11[%swap3A_145, %swap3A_146] {strides = array<i32>} : memref<80x256xf32, #tpu.memory_space<vmem>>, vector<1x16xf32>,
      %swap3A_148 = vector.shape_cast %swap3A_147 : vector<1x16xf32> to vector<16xf32>
      %swap3A_149 = vector.shape_cast %scan3A_134#2 : vector<16xf32> to vector<1x16xf32>
      tpu.vector_store %arg11[%swap3A_145, %swap3A_146], %swap3A_149 {strides = array<i32>} : memref<80x256xf32, #tpu.memory_space<vmem>>, vector<1x16xf32>,
      %swap3A_150 = arith.index_cast %add3A_79 : i32 to index
      %swap3A_151 = arith.constant 48 : index
      %swap3A_152 = tpu.vector_load %arg11[%swap3A_150, %swap3A_151] {strides = array<i32>} : memref<80x256xf32, #tpu.memory_space<vmem>>, vector<1x16xf32>,
      %swap3A_153 = vector.shape_cast %swap3A_152 : vector<1x16xf32> to vector<16xf32>
      %swap3A_154 = vector.shape_cast %scan3A_134#3 : vector<16xf32> to vector<1x16xf32>
      tpu.vector_store %arg11[%swap3A_150, %swap3A_151], %swap3A_154 {strides = array<i32>} : memref<80x256xf32, #tpu.memory_space<vmem>>, vector<1x16xf32>,
      %swap3A_155 = arith.index_cast %add3A_79 : i32 to index
      %swap3A_156 = arith.constant 64 : index
      %swap3A_157 = tpu.vector_load %arg11[%swap3A_155, %swap3A_156] {strides = array<i32>} : memref<80x256xf32, #tpu.memory_space<vmem>>, vector<1x16xf32>,
      %swap3A_158 = vector.shape_cast %swap3A_157 : vector<1x16xf32> to vector<16xf32>
      %swap3A_159 = vector.shape_cast %scan3A_134#4 : vector<16xf32> to vector<1x16xf32>
      tpu.vector_store %arg11[%swap3A_155, %swap3A_156], %swap3A_159 {strides = array<i32>} : memref<80x256xf32, #tpu.memory_space<vmem>>, vector<1x16xf32>,
      %swap3A_160 = arith.index_cast %add3A_79 : i32 to index
      %swap3A_161 = arith.constant 80 : index
      %swap3A_162 = tpu.vector_load %arg11[%swap3A_160, %swap3A_161] {strides = array<i32>} : memref<80x256xf32, #tpu.memory_space<vmem>>, vector<1x16xf32>,
      %swap3A_163 = vector.shape_cast %swap3A_162 : vector<1x16xf32> to vector<16xf32>
      %swap3A_164 = vector.shape_cast %scan3A_134#5 : vector<16xf32> to vector<1x16xf32>
      tpu.vector_store %arg11[%swap3A_160, %swap3A_161], %swap3A_164 {strides = array<i32>} : memref<80x256xf32, #tpu.memory_space<vmem>>, vector<1x16xf32>,
      %swap3A_165 = arith.index_cast %add3A_79 : i32 to index
      %swap3A_166 = arith.constant 96 : index
      %swap3A_167 = tpu.vector_load %arg11[%swap3A_165, %swap3A_166] {strides = array<i32>} : memref<80x256xf32, #tpu.memory_space<vmem>>, vector<1x16xf32>,
      %swap3A_168 = vector.shape_cast %swap3A_167 : vector<1x16xf32> to vector<16xf32>
      %swap3A_169 = vector.shape_cast %scan3A_134#6 : vector<16xf32> to vector<1x16xf32>
      tpu.vector_store %arg11[%swap3A_165, %swap3A_166], %swap3A_169 {strides = array<i32>} : memref<80x256xf32, #tpu.memory_space<vmem>>, vector<1x16xf32>,
      %swap3A_170 = arith.index_cast %add3A_79 : i32 to index
      %swap3A_171 = arith.constant 112 : index
      %swap3A_172 = tpu.vector_load %arg11[%swap3A_170, %swap3A_171] {strides = array<i32>} : memref<80x256xf32, #tpu.memory_space<vmem>>, vector<1x16xf32>,
      %swap3A_173 = vector.shape_cast %swap3A_172 : vector<1x16xf32> to vector<16xf32>
      %swap3A_174 = vector.shape_cast %scan3A_134#7 : vector<16xf32> to vector<1x16xf32>
      tpu.vector_store %arg11[%swap3A_170, %swap3A_171], %swap3A_174 {strides = array<i32>} : memref<80x256xf32, #tpu.memory_space<vmem>>, vector<1x16xf32>,
      %swap3A_175 = arith.index_cast %add3A_79 : i32 to index
      %swap3A_176 = arith.constant 128 : index
      %swap3A_177 = tpu.vector_load %arg11[%swap3A_175, %swap3A_176] {strides = array<i32>} : memref<80x256xf32, #tpu.memory_space<vmem>>, vector<1x16xf32>,
      %swap3A_178 = vector.shape_cast %swap3A_177 : vector<1x16xf32> to vector<16xf32>
      %swap3A_179 = vector.shape_cast %scan3A_134#8 : vector<16xf32> to vector<1x16xf32>
      tpu.vector_store %arg11[%swap3A_175, %swap3A_176], %swap3A_179 {strides = array<i32>} : memref<80x256xf32, #tpu.memory_space<vmem>>, vector<1x16xf32>,
      %swap3A_180 = arith.index_cast %add3A_79 : i32 to index
      %swap3A_181 = arith.constant 144 : index
      %swap3A_182 = tpu.vector_load %arg11[%swap3A_180, %swap3A_181] {strides = array<i32>} : memref<80x256xf32, #tpu.memory_space<vmem>>, vector<1x16xf32>,
      %swap3A_183 = vector.shape_cast %swap3A_182 : vector<1x16xf32> to vector<16xf32>
      %swap3A_184 = vector.shape_cast %scan3A_134#9 : vector<16xf32> to vector<1x16xf32>
      tpu.vector_store %arg11[%swap3A_180, %swap3A_181], %swap3A_184 {strides = array<i32>} : memref<80x256xf32, #tpu.memory_space<vmem>>, vector<1x16xf32>,
      %swap3A_185 = arith.index_cast %add3A_79 : i32 to index
      %swap3A_186 = arith.constant 160 : index
      %swap3A_187 = tpu.vector_load %arg11[%swap3A_185, %swap3A_186] {strides = array<i32>} : memref<80x256xf32, #tpu.memory_space<vmem>>, vector<1x16xf32>,
      %swap3A_188 = vector.shape_cast %swap3A_187 : vector<1x16xf32> to vector<16xf32>
      %swap3A_189 = vector.shape_cast %scan3A_134#10 : vector<16xf32> to vector<1x16xf32>
      tpu.vector_store %arg11[%swap3A_185, %swap3A_186], %swap3A_189 {strides = array<i32>} : memref<80x256xf32, #tpu.memory_space<vmem>>, vector<1x16xf32>,
      %swap3A_190 = arith.index_cast %add3A_79 : i32 to index
      %swap3A_191 = arith.constant 176 : index
      %swap3A_192 = tpu.vector_load %arg11[%swap3A_190, %swap3A_191] {strides = array<i32>} : memref<80x256xf32, #tpu.memory_space<vmem>>, vector<1x16xf32>,
      %swap3A_193 = vector.shape_cast %swap3A_192 : vector<1x16xf32> to vector<16xf32>
      %swap3A_194 = vector.shape_cast %scan3A_134#11 : vector<16xf32> to vector<1x16xf32>
      tpu.vector_store %arg11[%swap3A_190, %swap3A_191], %swap3A_194 {strides = array<i32>} : memref<80x256xf32, #tpu.memory_space<vmem>>, vector<1x16xf32>,
      %swap3A_195 = arith.index_cast %add3A_79 : i32 to index
      %swap3A_196 = arith.constant 192 : index
      %swap3A_197 = tpu.vector_load %arg11[%swap3A_195, %swap3A_196] {strides = array<i32>} : memref<80x256xf32, #tpu.memory_space<vmem>>, vector<1x16xf32>,
      %swap3A_198 = vector.shape_cast %swap3A_197 : vector<1x16xf32> to vector<16xf32>
      %swap3A_199 = vector.shape_cast %scan3A_134#12 : vector<16xf32> to vector<1x16xf32>
      tpu.vector_store %arg11[%swap3A_195, %swap3A_196], %swap3A_199 {strides = array<i32>} : memref<80x256xf32, #tpu.memory_space<vmem>>, vector<1x16xf32>,
      %swap3A_200 = arith.index_cast %add3A_79 : i32 to index
      %swap3A_201 = arith.constant 208 : index
      %swap3A_202 = tpu.vector_load %arg11[%swap3A_200, %swap3A_201] {strides = array<i32>} : memref<80x256xf32, #tpu.memory_space<vmem>>, vector<1x16xf32>,
      %swap3A_203 = vector.shape_cast %swap3A_202 : vector<1x16xf32> to vector<16xf32>
      %swap3A_204 = vector.shape_cast %scan3A_134#13 : vector<16xf32> to vector<1x16xf32>
      tpu.vector_store %arg11[%swap3A_200, %swap3A_201], %swap3A_204 {strides = array<i32>} : memref<80x256xf32, #tpu.memory_space<vmem>>, vector<1x16xf32>,
      %swap3A_205 = arith.index_cast %add3A_79 : i32 to index
      %swap3A_206 = arith.constant 224 : index
      %swap3A_207 = tpu.vector_load %arg11[%swap3A_205, %swap3A_206] {strides = array<i32>} : memref<80x256xf32, #tpu.memory_space<vmem>>, vector<1x16xf32>,
      %swap3A_208 = vector.shape_cast %swap3A_207 : vector<1x16xf32> to vector<16xf32>
      %swap3A_209 = vector.shape_cast %scan3A_134#14 : vector<16xf32> to vector<1x16xf32>
      tpu.vector_store %arg11[%swap3A_205, %swap3A_206], %swap3A_209 {strides = array<i32>} : memref<80x256xf32, #tpu.memory_space<vmem>>, vector<1x16xf32>,
      %swap3A_210 = arith.index_cast %add3A_79 : i32 to index
      %swap3A_211 = arith.constant 240 : index
      %swap3A_212 = tpu.vector_load %arg11[%swap3A_210, %swap3A_211] {strides = array<i32>} : memref<80x256xf32, #tpu.memory_space<vmem>>, vector<1x16xf32>,
      %swap3A_213 = vector.shape_cast %swap3A_212 : vector<1x16xf32> to vector<16xf32>
      %swap3A_214 = vector.shape_cast %scan3A_134#15 : vector<16xf32> to vector<1x16xf32>
      tpu.vector_store %arg11[%swap3A_210, %swap3A_211], %swap3A_214 {strides = array<i32>} : memref<80x256xf32, #tpu.memory_space<vmem>>, vector<1x16xf32>,
      %add3A_215 = arith.constant 4 : i32
      %add3A_216 = arith.addi %add3A_79, %add3A_215 : i32
      %sub3A = arith.constant 1 : i32
      %sub3A_217 = arith.subi %add3A_216, %sub3A : i32
      %lt3A = arith.constant 80 : i32
      %lt3A_218 = arith.cmpi slt, %sub3A_217, %lt3A : i32
      %convert_element_type3A = arith.extui %lt3A_218 : i1 to i32
      %cond3A = arith.constant 0 : i32
      %cond3A_219 = arith.cmpi ne, %convert_element_type3A, %cond3A : i32
      scf.if %cond3A_219 {
        %mul3A_667 = arith.constant 40 : i32
        %mul3A_668 = arith.muli %sub3A_217, %mul3A_667 : i32
        %dma_start3A_669 = arith.constant 3 : i32
        %dma_start3A_670 = arith.constant 0 : i32
        %dma_start3A_671 = arith.constant 0 : i32
        %dma_start3A_672 = tpu.memref_slice %arg9[%dma_start3A_669, %dma_start3A_670, %dma_start3A_671] : memref<4x40x128xi32, #tpu.memory_space<vmem>> -> memref<1x40x128xi32, #tpu.memory_space<vmem>>
        %dma_start3A_673 = tpu.memref_squeeze %dma_start3A_672 : memref<1x40x128xi32, #tpu.memory_space<vmem>> -> memref<40x128xi32, #tpu.memory_space<vmem>>
        %dma_start3A_674 = tpu.memref_slice %arg7[%mul3A_668] : memref<3200xi32, #tpu.memory_space<vmem>> -> memref<40xi32, #tpu.memory_space<vmem>>
        %dma_start3A_675 = arith.constant 0 : i32
        %dma_start3A_676 = arith.constant 0 : i32
        %dma_start3A_677 = tpu.memref_slice %arg4[%dma_start3A_675, %dma_start3A_676] : memref<4881x128xi32, #tpu.memory_space<hbm>> -> memref<4881x128xi32, #tpu.memory_space<hbm>>
        tpu.enqueue_indirect_dma source(%dma_start3A_677 : memref<4881x128xi32, #tpu.memory_space<hbm>>) target(%dma_start3A_673 : memref<40x128xi32, #tpu.memory_space<vmem>>) offsets(%dma_start3A_674 : memref<40xi32, #tpu.memory_space<vmem>>) semaphore(%arg18 : memref<!tpu.dma_semaphore, #tpu.memory_space<semaphore_mem>>)
        %mul3A_678 = arith.constant 40 : i32
        %mul3A_679 = arith.muli %sub3A_217, %mul3A_678 : i32
        %dma_start3A_680 = arith.constant 3 : i32
        %dma_start3A_681 = arith.constant 0 : i32
        %dma_start3A_682 = arith.constant 0 : i32
        %dma_start3A_683 = tpu.memref_slice %arg10[%dma_start3A_680, %dma_start3A_681, %dma_start3A_682] : memref<4x40x128xi32, #tpu.memory_space<vmem>> -> memref<1x40x128xi32, #tpu.memory_space<vmem>>
        %dma_start3A_684 = tpu.memref_squeeze %dma_start3A_683 : memref<1x40x128xi32, #tpu.memory_space<vmem>> -> memref<40x128xi32, #tpu.memory_space<vmem>>
        %dma_start3A_685 = tpu.memref_slice %arg8[%mul3A_679] : memref<3200xi32, #tpu.memory_space<vmem>> -> memref<40xi32, #tpu.memory_space<vmem>>
        %dma_start3A_686 = arith.constant 0 : i32
        %dma_start3A_687 = arith.constant 0 : i32
        %dma_start3A_688 = tpu.memref_slice %arg5[%dma_start3A_686, %dma_start3A_687] : memref<3001x128xi32, #tpu.memory_space<hbm>> -> memref<3001x128xi32, #tpu.memory_space<hbm>>
        tpu.enqueue_indirect_dma source(%dma_start3A_688 : memref<3001x128xi32, #tpu.memory_space<hbm>>) target(%dma_start3A_684 : memref<40x128xi32, #tpu.memory_space<vmem>>) offsets(%dma_start3A_685 : memref<40xi32, #tpu.memory_space<vmem>>) semaphore(%arg19 : memref<!tpu.dma_semaphore, #tpu.memory_space<semaphore_mem>>)
      } else {
      }
      %add3A_220 = arith.constant 1 : i32
      %add3A_221 = arith.addi %mul3A_77, %add3A_220 : i32
      %dma_wait3A_222 = arith.constant 1 : i32
      %dma_wait3A_223 = arith.constant 0 : i32
      %dma_wait3A_224 = arith.constant 0 : i32
      %dma_wait3A_225 = tpu.memref_slice %arg9[%dma_wait3A_222, %dma_wait3A_223, %dma_wait3A_224] : memref<4x40x128xi32, #tpu.memory_space<vmem>> -> memref<1x40x128xi32, #tpu.memory_space<vmem>>
      %dma_wait3A_226 = tpu.memref_squeeze %dma_wait3A_225 : memref<1x40x128xi32, #tpu.memory_space<vmem>> -> memref<40x128xi32, #tpu.memory_space<vmem>>
      %dma_wait3A_227 = arith.constant 0 : i32
      %dma_wait3A_228 = tpu.memref_slice %arg7[%dma_wait3A_227] : memref<3200xi32, #tpu.memory_space<vmem>> -> memref<40xi32, #tpu.memory_space<vmem>>
      %dma_wait3A_229 = arith.constant 0 : i32
      %dma_wait3A_230 = arith.constant 0 : i32
      %dma_wait3A_231 = tpu.memref_slice %arg4[%dma_wait3A_229, %dma_wait3A_230] : memref<4881x128xi32, #tpu.memory_space<hbm>> -> memref<4881x128xi32, #tpu.memory_space<hbm>>
      tpu.wait_indirect_dma semaphore(%arg14 : memref<!tpu.dma_semaphore, #tpu.memory_space<semaphore_mem>>) src(%dma_wait3A_231 : memref<4881x128xi32, #tpu.memory_space<hbm>>) dst(%dma_wait3A_226 : memref<40x128xi32, #tpu.memory_space<vmem>>)
      %dma_wait3A_232 = arith.constant 1 : i32
      %dma_wait3A_233 = arith.constant 0 : i32
      %dma_wait3A_234 = arith.constant 0 : i32
      %dma_wait3A_235 = tpu.memref_slice %arg10[%dma_wait3A_232, %dma_wait3A_233, %dma_wait3A_234] : memref<4x40x128xi32, #tpu.memory_space<vmem>> -> memref<1x40x128xi32, #tpu.memory_space<vmem>>
      %dma_wait3A_236 = tpu.memref_squeeze %dma_wait3A_235 : memref<1x40x128xi32, #tpu.memory_space<vmem>> -> memref<40x128xi32, #tpu.memory_space<vmem>>
      %dma_wait3A_237 = arith.constant 0 : i32
      %dma_wait3A_238 = tpu.memref_slice %arg8[%dma_wait3A_237] : memref<3200xi32, #tpu.memory_space<vmem>> -> memref<40xi32, #tpu.memory_space<vmem>>
      %dma_wait3A_239 = arith.constant 0 : i32
      %dma_wait3A_240 = arith.constant 0 : i32
      %dma_wait3A_241 = tpu.memref_slice %arg5[%dma_wait3A_239, %dma_wait3A_240] : memref<3001x128xi32, #tpu.memory_space<hbm>> -> memref<3001x128xi32, #tpu.memory_space<hbm>>
      tpu.wait_indirect_dma semaphore(%arg15 : memref<!tpu.dma_semaphore, #tpu.memory_space<semaphore_mem>>) src(%dma_wait3A_241 : memref<3001x128xi32, #tpu.memory_space<hbm>>) dst(%dma_wait3A_236 : memref<40x128xi32, #tpu.memory_space<vmem>>)
      %broadcast_in_dim3A_242 = arith.constant 0.000000e+00 : f32
      %broadcast_in_dim3A_243 = vector.broadcast %broadcast_in_dim3A_242 : f32 to vector<16xf32>
      %broadcast_in_dim3A_244 = arith.constant 0.000000e+00 : f32
      %broadcast_in_dim3A_245 = vector.broadcast %broadcast_in_dim3A_244 : f32 to vector<16xf32>
      %broadcast_in_dim3A_246 = arith.constant 0.000000e+00 : f32
      %broadcast_in_dim3A_247 = vector.broadcast %broadcast_in_dim3A_246 : f32 to vector<16xf32>
      %broadcast_in_dim3A_248 = arith.constant 0.000000e+00 : f32
      %broadcast_in_dim3A_249 = vector.broadcast %broadcast_in_dim3A_248 : f32 to vector<16xf32>
      %broadcast_in_dim3A_250 = arith.constant 0.000000e+00 : f32
      %broadcast_in_dim3A_251 = vector.broadcast %broadcast_in_dim3A_250 : f32 to vector<16xf32>
      %broadcast_in_dim3A_252 = arith.constant 0.000000e+00 : f32
      %broadcast_in_dim3A_253 = vector.broadcast %broadcast_in_dim3A_252 : f32 to vector<16xf32>
      %broadcast_in_dim3A_254 = arith.constant 0.000000e+00 : f32
      %broadcast_in_dim3A_255 = vector.broadcast %broadcast_in_dim3A_254 : f32 to vector<16xf32>
      %broadcast_in_dim3A_256 = arith.constant 0.000000e+00 : f32
      %broadcast_in_dim3A_257 = vector.broadcast %broadcast_in_dim3A_256 : f32 to vector<16xf32>
      %broadcast_in_dim3A_258 = arith.constant 0.000000e+00 : f32
      %broadcast_in_dim3A_259 = vector.broadcast %broadcast_in_dim3A_258 : f32 to vector<16xf32>
      %broadcast_in_dim3A_260 = arith.constant 0.000000e+00 : f32
      %broadcast_in_dim3A_261 = vector.broadcast %broadcast_in_dim3A_260 : f32 to vector<16xf32>
      %broadcast_in_dim3A_262 = arith.constant 0.000000e+00 : f32
      %broadcast_in_dim3A_263 = vector.broadcast %broadcast_in_dim3A_262 : f32 to vector<16xf32>
      %broadcast_in_dim3A_264 = arith.constant 0.000000e+00 : f32
      %broadcast_in_dim3A_265 = vector.broadcast %broadcast_in_dim3A_264 : f32 to vector<16xf32>
      %broadcast_in_dim3A_266 = arith.constant 0.000000e+00 : f32
      %broadcast_in_dim3A_267 = vector.broadcast %broadcast_in_dim3A_266 : f32 to vector<16xf32>
      %broadcast_in_dim3A_268 = arith.constant 0.000000e+00 : f32
      %broadcast_in_dim3A_269 = vector.broadcast %broadcast_in_dim3A_268 : f32 to vector<16xf32>
      %broadcast_in_dim3A_270 = arith.constant 0.000000e+00 : f32
      %broadcast_in_dim3A_271 = vector.broadcast %broadcast_in_dim3A_270 : f32 to vector<16xf32>
      %broadcast_in_dim3A_272 = arith.constant 0.000000e+00 : f32
      %broadcast_in_dim3A_273 = vector.broadcast %broadcast_in_dim3A_272 : f32 to vector<16xf32>
      %scan3A_274 = arith.constant 0 : i32
      %scan3A_275 = arith.constant 40 : i32
      %scan3A_276 = arith.addi %scan3A_274, %scan3A_275 : i32
      %scan3A_277 = arith.constant 1 : i32
      %scan3A_278:16 = scf.for %scan3A_667 = %scan3A_274 to %scan3A_276 step %scan3A_277 iter_args(%scan3A_668 = %broadcast_in_dim3A_243, %scan3A_669 = %broadcast_in_dim3A_245, %scan3A_670 = %broadcast_in_dim3A_247, %scan3A_671 = %broadcast_in_dim3A_249, %scan3A_672 = %broadcast_in_dim3A_251, %scan3A_673 = %broadcast_in_dim3A_253, %scan3A_674 = %broadcast_in_dim3A_255, %scan3A_675 = %broadcast_in_dim3A_257, %scan3A_676 = %broadcast_in_dim3A_259, %scan3A_677 = %broadcast_in_dim3A_261, %scan3A_678 = %broadcast_in_dim3A_263, %scan3A_679 = %broadcast_in_dim3A_265, %scan3A_680 = %broadcast_in_dim3A_267, %scan3A_681 = %broadcast_in_dim3A_269, %scan3A_682 = %broadcast_in_dim3A_271, %scan3A_683 = %broadcast_in_dim3A_273) -> (vector<16xf32>, vector<16xf32>, vector<16xf32>, vector<16xf32>, vector<16xf32>, vector<16xf32>, vector<16xf32>, vector<16xf32>, vector<16xf32>, vector<16xf32>, vector<16xf32>, vector<16xf32>, vector<16xf32>, vector<16xf32>, vector<16xf32>, vector<16xf32>)  : i32 {
        %get3A = arith.constant 1 : i32
        %get3A_684 = arith.index_cast %get3A : i32 to index
        %get3A_685 = arith.index_cast %scan3A_667 : i32 to index
        %get3A_686 = arith.constant 0 : index
        %get3A_687 = tpu.vector_load %arg9[%get3A_684, %get3A_685, %get3A_686] {strides = array<i32>} : memref<4x40x128xi32, #tpu.memory_space<vmem>>, vector<1x1x16xi32>,
        %get3A_688 = vector.shape_cast %get3A_687 : vector<1x1x16xi32> to vector<16xi32>
        %get3A_689 = arith.constant 1 : i32
        %get3A_690 = arith.index_cast %get3A_689 : i32 to index
        %get3A_691 = arith.index_cast %scan3A_667 : i32 to index
        %get3A_692 = arith.constant 0 : index
        %get3A_693 = tpu.vector_load %arg10[%get3A_690, %get3A_691, %get3A_692] {strides = array<i32>} : memref<4x40x128xi32, #tpu.memory_space<vmem>>, vector<1x1x16xi32>,
        %get3A_694 = vector.shape_cast %get3A_693 : vector<1x1x16xi32> to vector<16xi32>
        %shift_left3A = arith.constant 16 : i32
        %shift_left3A_695 = vector.broadcast %shift_left3A : i32 to vector<16xi32>
        %shift_left3A_696 = arith.shli %get3A_688, %shift_left3A_695 : vector<16xi32>
        %bitcast_convert_type3A = tpu.bitcast %shift_left3A_696 : vector<16xi32> -> vector<16xf32>
        %add3A_697 = arith.addf %scan3A_668, %bitcast_convert_type3A : vector<16xf32>
        %shift_left3A_698 = arith.constant 16 : i32
        %shift_left3A_699 = vector.broadcast %shift_left3A_698 : i32 to vector<16xi32>
        %shift_left3A_700 = arith.shli %get3A_694, %shift_left3A_699 : vector<16xi32>
        %bitcast_convert_type3A_701 = tpu.bitcast %shift_left3A_700 : vector<16xi32> -> vector<16xf32>
        %add3A_702 = arith.addf %add3A_697, %bitcast_convert_type3A_701 : vector<16xf32>
        %bitcast_convert_type3A_703 = tpu.bitcast %get3A_688 : vector<16xi32> -> vector<16xf32>
        %add3A_704 = arith.addf %scan3A_669, %bitcast_convert_type3A_703 : vector<16xf32>
        %bitcast_convert_type3A_705 = tpu.bitcast %get3A_694 : vector<16xi32> -> vector<16xf32>
        %add3A_706 = arith.addf %add3A_704, %bitcast_convert_type3A_705 : vector<16xf32>
        %get3A_707 = arith.constant 1 : i32
        %get3A_708 = arith.index_cast %get3A_707 : i32 to index
        %get3A_709 = arith.index_cast %scan3A_667 : i32 to index
        %get3A_710 = arith.constant 16 : index
        %get3A_711 = tpu.vector_load %arg9[%get3A_708, %get3A_709, %get3A_710] {strides = array<i32>} : memref<4x40x128xi32, #tpu.memory_space<vmem>>, vector<1x1x16xi32>,
        %get3A_712 = vector.shape_cast %get3A_711 : vector<1x1x16xi32> to vector<16xi32>
        %get3A_713 = arith.constant 1 : i32
        %get3A_714 = arith.index_cast %get3A_713 : i32 to index
        %get3A_715 = arith.index_cast %scan3A_667 : i32 to index
        %get3A_716 = arith.constant 16 : index
        %get3A_717 = tpu.vector_load %arg10[%get3A_714, %get3A_715, %get3A_716] {strides = array<i32>} : memref<4x40x128xi32, #tpu.memory_space<vmem>>, vector<1x1x16xi32>,
        %get3A_718 = vector.shape_cast %get3A_717 : vector<1x1x16xi32> to vector<16xi32>
        %shift_left3A_719 = arith.constant 16 : i32
        %shift_left3A_720 = vector.broadcast %shift_left3A_719 : i32 to vector<16xi32>
        %shift_left3A_721 = arith.shli %get3A_712, %shift_left3A_720 : vector<16xi32>
        %bitcast_convert_type3A_722 = tpu.bitcast %shift_left3A_721 : vector<16xi32> -> vector<16xf32>
        %add3A_723 = arith.addf %scan3A_670, %bitcast_convert_type3A_722 : vector<16xf32>
        %shift_left3A_724 = arith.constant 16 : i32
        %shift_left3A_725 = vector.broadcast %shift_left3A_724 : i32 to vector<16xi32>
        %shift_left3A_726 = arith.shli %get3A_718, %shift_left3A_725 : vector<16xi32>
        %bitcast_convert_type3A_727 = tpu.bitcast %shift_left3A_726 : vector<16xi32> -> vector<16xf32>
        %add3A_728 = arith.addf %add3A_723, %bitcast_convert_type3A_727 : vector<16xf32>
        %bitcast_convert_type3A_729 = tpu.bitcast %get3A_712 : vector<16xi32> -> vector<16xf32>
        %add3A_730 = arith.addf %scan3A_671, %bitcast_convert_type3A_729 : vector<16xf32>
        %bitcast_convert_type3A_731 = tpu.bitcast %get3A_718 : vector<16xi32> -> vector<16xf32>
        %add3A_732 = arith.addf %add3A_730, %bitcast_convert_type3A_731 : vector<16xf32>
        %get3A_733 = arith.constant 1 : i32
        %get3A_734 = arith.index_cast %get3A_733 : i32 to index
        %get3A_735 = arith.index_cast %scan3A_667 : i32 to index
        %get3A_736 = arith.constant 32 : index
        %get3A_737 = tpu.vector_load %arg9[%get3A_734, %get3A_735, %get3A_736] {strides = array<i32>} : memref<4x40x128xi32, #tpu.memory_space<vmem>>, vector<1x1x16xi32>,
        %get3A_738 = vector.shape_cast %get3A_737 : vector<1x1x16xi32> to vector<16xi32>
        %get3A_739 = arith.constant 1 : i32
        %get3A_740 = arith.index_cast %get3A_739 : i32 to index
        %get3A_741 = arith.index_cast %scan3A_667 : i32 to index
        %get3A_742 = arith.constant 32 : index
        %get3A_743 = tpu.vector_load %arg10[%get3A_740, %get3A_741, %get3A_742] {strides = array<i32>} : memref<4x40x128xi32, #tpu.memory_space<vmem>>, vector<1x1x16xi32>,
        %get3A_744 = vector.shape_cast %get3A_743 : vector<1x1x16xi32> to vector<16xi32>
        %shift_left3A_745 = arith.constant 16 : i32
        %shift_left3A_746 = vector.broadcast %shift_left3A_745 : i32 to vector<16xi32>
        %shift_left3A_747 = arith.shli %get3A_738, %shift_left3A_746 : vector<16xi32>
        %bitcast_convert_type3A_748 = tpu.bitcast %shift_left3A_747 : vector<16xi32> -> vector<16xf32>
        %add3A_749 = arith.addf %scan3A_672, %bitcast_convert_type3A_748 : vector<16xf32>
        %shift_left3A_750 = arith.constant 16 : i32
        %shift_left3A_751 = vector.broadcast %shift_left3A_750 : i32 to vector<16xi32>
        %shift_left3A_752 = arith.shli %get3A_744, %shift_left3A_751 : vector<16xi32>
        %bitcast_convert_type3A_753 = tpu.bitcast %shift_left3A_752 : vector<16xi32> -> vector<16xf32>
        %add3A_754 = arith.addf %add3A_749, %bitcast_convert_type3A_753 : vector<16xf32>
        %bitcast_convert_type3A_755 = tpu.bitcast %get3A_738 : vector<16xi32> -> vector<16xf32>
        %add3A_756 = arith.addf %scan3A_673, %bitcast_convert_type3A_755 : vector<16xf32>
        %bitcast_convert_type3A_757 = tpu.bitcast %get3A_744 : vector<16xi32> -> vector<16xf32>
        %add3A_758 = arith.addf %add3A_756, %bitcast_convert_type3A_757 : vector<16xf32>
        %get3A_759 = arith.constant 1 : i32
        %get3A_760 = arith.index_cast %get3A_759 : i32 to index
        %get3A_761 = arith.index_cast %scan3A_667 : i32 to index
        %get3A_762 = arith.constant 48 : index
        %get3A_763 = tpu.vector_load %arg9[%get3A_760, %get3A_761, %get3A_762] {strides = array<i32>} : memref<4x40x128xi32, #tpu.memory_space<vmem>>, vector<1x1x16xi32>,
        %get3A_764 = vector.shape_cast %get3A_763 : vector<1x1x16xi32> to vector<16xi32>
        %get3A_765 = arith.constant 1 : i32
        %get3A_766 = arith.index_cast %get3A_765 : i32 to index
        %get3A_767 = arith.index_cast %scan3A_667 : i32 to index
        %get3A_768 = arith.constant 48 : index
        %get3A_769 = tpu.vector_load %arg10[%get3A_766, %get3A_767, %get3A_768] {strides = array<i32>} : memref<4x40x128xi32, #tpu.memory_space<vmem>>, vector<1x1x16xi32>,
        %get3A_770 = vector.shape_cast %get3A_769 : vector<1x1x16xi32> to vector<16xi32>
        %shift_left3A_771 = arith.constant 16 : i32
        %shift_left3A_772 = vector.broadcast %shift_left3A_771 : i32 to vector<16xi32>
        %shift_left3A_773 = arith.shli %get3A_764, %shift_left3A_772 : vector<16xi32>
        %bitcast_convert_type3A_774 = tpu.bitcast %shift_left3A_773 : vector<16xi32> -> vector<16xf32>
        %add3A_775 = arith.addf %scan3A_674, %bitcast_convert_type3A_774 : vector<16xf32>
        %shift_left3A_776 = arith.constant 16 : i32
        %shift_left3A_777 = vector.broadcast %shift_left3A_776 : i32 to vector<16xi32>
        %shift_left3A_778 = arith.shli %get3A_770, %shift_left3A_777 : vector<16xi32>
        %bitcast_convert_type3A_779 = tpu.bitcast %shift_left3A_778 : vector<16xi32> -> vector<16xf32>
        %add3A_780 = arith.addf %add3A_775, %bitcast_convert_type3A_779 : vector<16xf32>
        %bitcast_convert_type3A_781 = tpu.bitcast %get3A_764 : vector<16xi32> -> vector<16xf32>
        %add3A_782 = arith.addf %scan3A_675, %bitcast_convert_type3A_781 : vector<16xf32>
        %bitcast_convert_type3A_783 = tpu.bitcast %get3A_770 : vector<16xi32> -> vector<16xf32>
        %add3A_784 = arith.addf %add3A_782, %bitcast_convert_type3A_783 : vector<16xf32>
        %get3A_785 = arith.constant 1 : i32
        %get3A_786 = arith.index_cast %get3A_785 : i32 to index
        %get3A_787 = arith.index_cast %scan3A_667 : i32 to index
        %get3A_788 = arith.constant 64 : index
        %get3A_789 = tpu.vector_load %arg9[%get3A_786, %get3A_787, %get3A_788] {strides = array<i32>} : memref<4x40x128xi32, #tpu.memory_space<vmem>>, vector<1x1x16xi32>,
        %get3A_790 = vector.shape_cast %get3A_789 : vector<1x1x16xi32> to vector<16xi32>
        %get3A_791 = arith.constant 1 : i32
        %get3A_792 = arith.index_cast %get3A_791 : i32 to index
        %get3A_793 = arith.index_cast %scan3A_667 : i32 to index
        %get3A_794 = arith.constant 64 : index
        %get3A_795 = tpu.vector_load %arg10[%get3A_792, %get3A_793, %get3A_794] {strides = array<i32>} : memref<4x40x128xi32, #tpu.memory_space<vmem>>, vector<1x1x16xi32>,
        %get3A_796 = vector.shape_cast %get3A_795 : vector<1x1x16xi32> to vector<16xi32>
        %shift_left3A_797 = arith.constant 16 : i32
        %shift_left3A_798 = vector.broadcast %shift_left3A_797 : i32 to vector<16xi32>
        %shift_left3A_799 = arith.shli %get3A_790, %shift_left3A_798 : vector<16xi32>
        %bitcast_convert_type3A_800 = tpu.bitcast %shift_left3A_799 : vector<16xi32> -> vector<16xf32>
        %add3A_801 = arith.addf %scan3A_676, %bitcast_convert_type3A_800 : vector<16xf32>
        %shift_left3A_802 = arith.constant 16 : i32
        %shift_left3A_803 = vector.broadcast %shift_left3A_802 : i32 to vector<16xi32>
        %shift_left3A_804 = arith.shli %get3A_796, %shift_left3A_803 : vector<16xi32>
        %bitcast_convert_type3A_805 = tpu.bitcast %shift_left3A_804 : vector<16xi32> -> vector<16xf32>
        %add3A_806 = arith.addf %add3A_801, %bitcast_convert_type3A_805 : vector<16xf32>
        %bitcast_convert_type3A_807 = tpu.bitcast %get3A_790 : vector<16xi32> -> vector<16xf32>
        %add3A_808 = arith.addf %scan3A_677, %bitcast_convert_type3A_807 : vector<16xf32>
        %bitcast_convert_type3A_809 = tpu.bitcast %get3A_796 : vector<16xi32> -> vector<16xf32>
        %add3A_810 = arith.addf %add3A_808, %bitcast_convert_type3A_809 : vector<16xf32>
        %get3A_811 = arith.constant 1 : i32
        %get3A_812 = arith.index_cast %get3A_811 : i32 to index
        %get3A_813 = arith.index_cast %scan3A_667 : i32 to index
        %get3A_814 = arith.constant 80 : index
        %get3A_815 = tpu.vector_load %arg9[%get3A_812, %get3A_813, %get3A_814] {strides = array<i32>} : memref<4x40x128xi32, #tpu.memory_space<vmem>>, vector<1x1x16xi32>,
        %get3A_816 = vector.shape_cast %get3A_815 : vector<1x1x16xi32> to vector<16xi32>
        %get3A_817 = arith.constant 1 : i32
        %get3A_818 = arith.index_cast %get3A_817 : i32 to index
        %get3A_819 = arith.index_cast %scan3A_667 : i32 to index
        %get3A_820 = arith.constant 80 : index
        %get3A_821 = tpu.vector_load %arg10[%get3A_818, %get3A_819, %get3A_820] {strides = array<i32>} : memref<4x40x128xi32, #tpu.memory_space<vmem>>, vector<1x1x16xi32>,
        %get3A_822 = vector.shape_cast %get3A_821 : vector<1x1x16xi32> to vector<16xi32>
        %shift_left3A_823 = arith.constant 16 : i32
        %shift_left3A_824 = vector.broadcast %shift_left3A_823 : i32 to vector<16xi32>
        %shift_left3A_825 = arith.shli %get3A_816, %shift_left3A_824 : vector<16xi32>
        %bitcast_convert_type3A_826 = tpu.bitcast %shift_left3A_825 : vector<16xi32> -> vector<16xf32>
        %add3A_827 = arith.addf %scan3A_678, %bitcast_convert_type3A_826 : vector<16xf32>
        %shift_left3A_828 = arith.constant 16 : i32
        %shift_left3A_829 = vector.broadcast %shift_left3A_828 : i32 to vector<16xi32>
        %shift_left3A_830 = arith.shli %get3A_822, %shift_left3A_829 : vector<16xi32>
        %bitcast_convert_type3A_831 = tpu.bitcast %shift_left3A_830 : vector<16xi32> -> vector<16xf32>
        %add3A_832 = arith.addf %add3A_827, %bitcast_convert_type3A_831 : vector<16xf32>
        %bitcast_convert_type3A_833 = tpu.bitcast %get3A_816 : vector<16xi32> -> vector<16xf32>
        %add3A_834 = arith.addf %scan3A_679, %bitcast_convert_type3A_833 : vector<16xf32>
        %bitcast_convert_type3A_835 = tpu.bitcast %get3A_822 : vector<16xi32> -> vector<16xf32>
        %add3A_836 = arith.addf %add3A_834, %bitcast_convert_type3A_835 : vector<16xf32>
        %get3A_837 = arith.constant 1 : i32
        %get3A_838 = arith.index_cast %get3A_837 : i32 to index
        %get3A_839 = arith.index_cast %scan3A_667 : i32 to index
        %get3A_840 = arith.constant 96 : index
        %get3A_841 = tpu.vector_load %arg9[%get3A_838, %get3A_839, %get3A_840] {strides = array<i32>} : memref<4x40x128xi32, #tpu.memory_space<vmem>>, vector<1x1x16xi32>,
        %get3A_842 = vector.shape_cast %get3A_841 : vector<1x1x16xi32> to vector<16xi32>
        %get3A_843 = arith.constant 1 : i32
        %get3A_844 = arith.index_cast %get3A_843 : i32 to index
        %get3A_845 = arith.index_cast %scan3A_667 : i32 to index
        %get3A_846 = arith.constant 96 : index
        %get3A_847 = tpu.vector_load %arg10[%get3A_844, %get3A_845, %get3A_846] {strides = array<i32>} : memref<4x40x128xi32, #tpu.memory_space<vmem>>, vector<1x1x16xi32>,
        %get3A_848 = vector.shape_cast %get3A_847 : vector<1x1x16xi32> to vector<16xi32>
        %shift_left3A_849 = arith.constant 16 : i32
        %shift_left3A_850 = vector.broadcast %shift_left3A_849 : i32 to vector<16xi32>
        %shift_left3A_851 = arith.shli %get3A_842, %shift_left3A_850 : vector<16xi32>
        %bitcast_convert_type3A_852 = tpu.bitcast %shift_left3A_851 : vector<16xi32> -> vector<16xf32>
        %add3A_853 = arith.addf %scan3A_680, %bitcast_convert_type3A_852 : vector<16xf32>
        %shift_left3A_854 = arith.constant 16 : i32
        %shift_left3A_855 = vector.broadcast %shift_left3A_854 : i32 to vector<16xi32>
        %shift_left3A_856 = arith.shli %get3A_848, %shift_left3A_855 : vector<16xi32>
        %bitcast_convert_type3A_857 = tpu.bitcast %shift_left3A_856 : vector<16xi32> -> vector<16xf32>
        %add3A_858 = arith.addf %add3A_853, %bitcast_convert_type3A_857 : vector<16xf32>
        %bitcast_convert_type3A_859 = tpu.bitcast %get3A_842 : vector<16xi32> -> vector<16xf32>
        %add3A_860 = arith.addf %scan3A_681, %bitcast_convert_type3A_859 : vector<16xf32>
        %bitcast_convert_type3A_861 = tpu.bitcast %get3A_848 : vector<16xi32> -> vector<16xf32>
        %add3A_862 = arith.addf %add3A_860, %bitcast_convert_type3A_861 : vector<16xf32>
        %get3A_863 = arith.constant 1 : i32
        %get3A_864 = arith.index_cast %get3A_863 : i32 to index
        %get3A_865 = arith.index_cast %scan3A_667 : i32 to index
        %get3A_866 = arith.constant 112 : index
        %get3A_867 = tpu.vector_load %arg9[%get3A_864, %get3A_865, %get3A_866] {strides = array<i32>} : memref<4x40x128xi32, #tpu.memory_space<vmem>>, vector<1x1x16xi32>,
        %get3A_868 = vector.shape_cast %get3A_867 : vector<1x1x16xi32> to vector<16xi32>
        %get3A_869 = arith.constant 1 : i32
        %get3A_870 = arith.index_cast %get3A_869 : i32 to index
        %get3A_871 = arith.index_cast %scan3A_667 : i32 to index
        %get3A_872 = arith.constant 112 : index
        %get3A_873 = tpu.vector_load %arg10[%get3A_870, %get3A_871, %get3A_872] {strides = array<i32>} : memref<4x40x128xi32, #tpu.memory_space<vmem>>, vector<1x1x16xi32>,
        %get3A_874 = vector.shape_cast %get3A_873 : vector<1x1x16xi32> to vector<16xi32>
        %shift_left3A_875 = arith.constant 16 : i32
        %shift_left3A_876 = vector.broadcast %shift_left3A_875 : i32 to vector<16xi32>
        %shift_left3A_877 = arith.shli %get3A_868, %shift_left3A_876 : vector<16xi32>
        %bitcast_convert_type3A_878 = tpu.bitcast %shift_left3A_877 : vector<16xi32> -> vector<16xf32>
        %add3A_879 = arith.addf %scan3A_682, %bitcast_convert_type3A_878 : vector<16xf32>
        %shift_left3A_880 = arith.constant 16 : i32
        %shift_left3A_881 = vector.broadcast %shift_left3A_880 : i32 to vector<16xi32>
        %shift_left3A_882 = arith.shli %get3A_874, %shift_left3A_881 : vector<16xi32>
        %bitcast_convert_type3A_883 = tpu.bitcast %shift_left3A_882 : vector<16xi32> -> vector<16xf32>
        %add3A_884 = arith.addf %add3A_879, %bitcast_convert_type3A_883 : vector<16xf32>
        %bitcast_convert_type3A_885 = tpu.bitcast %get3A_868 : vector<16xi32> -> vector<16xf32>
        %add3A_886 = arith.addf %scan3A_683, %bitcast_convert_type3A_885 : vector<16xf32>
        %bitcast_convert_type3A_887 = tpu.bitcast %get3A_874 : vector<16xi32> -> vector<16xf32>
        %add3A_888 = arith.addf %add3A_886, %bitcast_convert_type3A_887 : vector<16xf32>
        scf.yield %add3A_702, %add3A_706, %add3A_728, %add3A_732, %add3A_754, %add3A_758, %add3A_780, %add3A_784, %add3A_806, %add3A_810, %add3A_832, %add3A_836, %add3A_858, %add3A_862, %add3A_884, %add3A_888 : vector<16xf32>, vector<16xf32>, vector<16xf32>, vector<16xf32>, vector<16xf32>, vector<16xf32>, vector<16xf32>, vector<16xf32>, vector<16xf32>, vector<16xf32>, vector<16xf32>, vector<16xf32>, vector<16xf32>, vector<16xf32>, vector<16xf32>, vector<16xf32>
      }
      %scan3A_279 = arith.constant 40 : i32
      %swap3A_280 = arith.index_cast %add3A_221 : i32 to index
      %swap3A_281 = arith.constant 0 : index
      %swap3A_282 = tpu.vector_load %arg11[%swap3A_280, %swap3A_281] {strides = array<i32>} : memref<80x256xf32, #tpu.memory_space<vmem>>, vector<1x16xf32>,
      %swap3A_283 = vector.shape_cast %swap3A_282 : vector<1x16xf32> to vector<16xf32>
      %swap3A_284 = vector.shape_cast %scan3A_278#0 : vector<16xf32> to vector<1x16xf32>
      tpu.vector_store %arg11[%swap3A_280, %swap3A_281], %swap3A_284 {strides = array<i32>} : memref<80x256xf32, #tpu.memory_space<vmem>>, vector<1x16xf32>,
      %swap3A_285 = arith.index_cast %add3A_221 : i32 to index
      %swap3A_286 = arith.constant 16 : index
      %swap3A_287 = tpu.vector_load %arg11[%swap3A_285, %swap3A_286] {strides = array<i32>} : memref<80x256xf32, #tpu.memory_space<vmem>>, vector<1x16xf32>,
      %swap3A_288 = vector.shape_cast %swap3A_287 : vector<1x16xf32> to vector<16xf32>
      %swap3A_289 = vector.shape_cast %scan3A_278#1 : vector<16xf32> to vector<1x16xf32>
      tpu.vector_store %arg11[%swap3A_285, %swap3A_286], %swap3A_289 {strides = array<i32>} : memref<80x256xf32, #tpu.memory_space<vmem>>, vector<1x16xf32>,
      %swap3A_290 = arith.index_cast %add3A_221 : i32 to index
      %swap3A_291 = arith.constant 32 : index
      %swap3A_292 = tpu.vector_load %arg11[%swap3A_290, %swap3A_291] {strides = array<i32>} : memref<80x256xf32, #tpu.memory_space<vmem>>, vector<1x16xf32>,
      %swap3A_293 = vector.shape_cast %swap3A_292 : vector<1x16xf32> to vector<16xf32>
      %swap3A_294 = vector.shape_cast %scan3A_278#2 : vector<16xf32> to vector<1x16xf32>
      tpu.vector_store %arg11[%swap3A_290, %swap3A_291], %swap3A_294 {strides = array<i32>} : memref<80x256xf32, #tpu.memory_space<vmem>>, vector<1x16xf32>,
      %swap3A_295 = arith.index_cast %add3A_221 : i32 to index
      %swap3A_296 = arith.constant 48 : index
      %swap3A_297 = tpu.vector_load %arg11[%swap3A_295, %swap3A_296] {strides = array<i32>} : memref<80x256xf32, #tpu.memory_space<vmem>>, vector<1x16xf32>,
      %swap3A_298 = vector.shape_cast %swap3A_297 : vector<1x16xf32> to vector<16xf32>
      %swap3A_299 = vector.shape_cast %scan3A_278#3 : vector<16xf32> to vector<1x16xf32>
      tpu.vector_store %arg11[%swap3A_295, %swap3A_296], %swap3A_299 {strides = array<i32>} : memref<80x256xf32, #tpu.memory_space<vmem>>, vector<1x16xf32>,
      %swap3A_300 = arith.index_cast %add3A_221 : i32 to index
      %swap3A_301 = arith.constant 64 : index
      %swap3A_302 = tpu.vector_load %arg11[%swap3A_300, %swap3A_301] {strides = array<i32>} : memref<80x256xf32, #tpu.memory_space<vmem>>, vector<1x16xf32>,
      %swap3A_303 = vector.shape_cast %swap3A_302 : vector<1x16xf32> to vector<16xf32>
      %swap3A_304 = vector.shape_cast %scan3A_278#4 : vector<16xf32> to vector<1x16xf32>
      tpu.vector_store %arg11[%swap3A_300, %swap3A_301], %swap3A_304 {strides = array<i32>} : memref<80x256xf32, #tpu.memory_space<vmem>>, vector<1x16xf32>,
      %swap3A_305 = arith.index_cast %add3A_221 : i32 to index
      %swap3A_306 = arith.constant 80 : index
      %swap3A_307 = tpu.vector_load %arg11[%swap3A_305, %swap3A_306] {strides = array<i32>} : memref<80x256xf32, #tpu.memory_space<vmem>>, vector<1x16xf32>,
      %swap3A_308 = vector.shape_cast %swap3A_307 : vector<1x16xf32> to vector<16xf32>
      %swap3A_309 = vector.shape_cast %scan3A_278#5 : vector<16xf32> to vector<1x16xf32>
      tpu.vector_store %arg11[%swap3A_305, %swap3A_306], %swap3A_309 {strides = array<i32>} : memref<80x256xf32, #tpu.memory_space<vmem>>, vector<1x16xf32>,
      %swap3A_310 = arith.index_cast %add3A_221 : i32 to index
      %swap3A_311 = arith.constant 96 : index
      %swap3A_312 = tpu.vector_load %arg11[%swap3A_310, %swap3A_311] {strides = array<i32>} : memref<80x256xf32, #tpu.memory_space<vmem>>, vector<1x16xf32>,
      %swap3A_313 = vector.shape_cast %swap3A_312 : vector<1x16xf32> to vector<16xf32>
      %swap3A_314 = vector.shape_cast %scan3A_278#6 : vector<16xf32> to vector<1x16xf32>
      tpu.vector_store %arg11[%swap3A_310, %swap3A_311], %swap3A_314 {strides = array<i32>} : memref<80x256xf32, #tpu.memory_space<vmem>>, vector<1x16xf32>,
      %swap3A_315 = arith.index_cast %add3A_221 : i32 to index
      %swap3A_316 = arith.constant 112 : index
      %swap3A_317 = tpu.vector_load %arg11[%swap3A_315, %swap3A_316] {strides = array<i32>} : memref<80x256xf32, #tpu.memory_space<vmem>>, vector<1x16xf32>,
      %swap3A_318 = vector.shape_cast %swap3A_317 : vector<1x16xf32> to vector<16xf32>
      %swap3A_319 = vector.shape_cast %scan3A_278#7 : vector<16xf32> to vector<1x16xf32>
      tpu.vector_store %arg11[%swap3A_315, %swap3A_316], %swap3A_319 {strides = array<i32>} : memref<80x256xf32, #tpu.memory_space<vmem>>, vector<1x16xf32>,
      %swap3A_320 = arith.index_cast %add3A_221 : i32 to index
      %swap3A_321 = arith.constant 128 : index
      %swap3A_322 = tpu.vector_load %arg11[%swap3A_320, %swap3A_321] {strides = array<i32>} : memref<80x256xf32, #tpu.memory_space<vmem>>, vector<1x16xf32>,
      %swap3A_323 = vector.shape_cast %swap3A_322 : vector<1x16xf32> to vector<16xf32>
      %swap3A_324 = vector.shape_cast %scan3A_278#8 : vector<16xf32> to vector<1x16xf32>
      tpu.vector_store %arg11[%swap3A_320, %swap3A_321], %swap3A_324 {strides = array<i32>} : memref<80x256xf32, #tpu.memory_space<vmem>>, vector<1x16xf32>,
      %swap3A_325 = arith.index_cast %add3A_221 : i32 to index
      %swap3A_326 = arith.constant 144 : index
      %swap3A_327 = tpu.vector_load %arg11[%swap3A_325, %swap3A_326] {strides = array<i32>} : memref<80x256xf32, #tpu.memory_space<vmem>>, vector<1x16xf32>,
      %swap3A_328 = vector.shape_cast %swap3A_327 : vector<1x16xf32> to vector<16xf32>
      %swap3A_329 = vector.shape_cast %scan3A_278#9 : vector<16xf32> to vector<1x16xf32>
      tpu.vector_store %arg11[%swap3A_325, %swap3A_326], %swap3A_329 {strides = array<i32>} : memref<80x256xf32, #tpu.memory_space<vmem>>, vector<1x16xf32>,
      %swap3A_330 = arith.index_cast %add3A_221 : i32 to index
      %swap3A_331 = arith.constant 160 : index
      %swap3A_332 = tpu.vector_load %arg11[%swap3A_330, %swap3A_331] {strides = array<i32>} : memref<80x256xf32, #tpu.memory_space<vmem>>, vector<1x16xf32>,
      %swap3A_333 = vector.shape_cast %swap3A_332 : vector<1x16xf32> to vector<16xf32>
      %swap3A_334 = vector.shape_cast %scan3A_278#10 : vector<16xf32> to vector<1x16xf32>
      tpu.vector_store %arg11[%swap3A_330, %swap3A_331], %swap3A_334 {strides = array<i32>} : memref<80x256xf32, #tpu.memory_space<vmem>>, vector<1x16xf32>,
      %swap3A_335 = arith.index_cast %add3A_221 : i32 to index
      %swap3A_336 = arith.constant 176 : index
      %swap3A_337 = tpu.vector_load %arg11[%swap3A_335, %swap3A_336] {strides = array<i32>} : memref<80x256xf32, #tpu.memory_space<vmem>>, vector<1x16xf32>,
      %swap3A_338 = vector.shape_cast %swap3A_337 : vector<1x16xf32> to vector<16xf32>
      %swap3A_339 = vector.shape_cast %scan3A_278#11 : vector<16xf32> to vector<1x16xf32>
      tpu.vector_store %arg11[%swap3A_335, %swap3A_336], %swap3A_339 {strides = array<i32>} : memref<80x256xf32, #tpu.memory_space<vmem>>, vector<1x16xf32>,
      %swap3A_340 = arith.index_cast %add3A_221 : i32 to index
      %swap3A_341 = arith.constant 192 : index
      %swap3A_342 = tpu.vector_load %arg11[%swap3A_340, %swap3A_341] {strides = array<i32>} : memref<80x256xf32, #tpu.memory_space<vmem>>, vector<1x16xf32>,
      %swap3A_343 = vector.shape_cast %swap3A_342 : vector<1x16xf32> to vector<16xf32>
      %swap3A_344 = vector.shape_cast %scan3A_278#12 : vector<16xf32> to vector<1x16xf32>
      tpu.vector_store %arg11[%swap3A_340, %swap3A_341], %swap3A_344 {strides = array<i32>} : memref<80x256xf32, #tpu.memory_space<vmem>>, vector<1x16xf32>,
      %swap3A_345 = arith.index_cast %add3A_221 : i32 to index
      %swap3A_346 = arith.constant 208 : index
      %swap3A_347 = tpu.vector_load %arg11[%swap3A_345, %swap3A_346] {strides = array<i32>} : memref<80x256xf32, #tpu.memory_space<vmem>>, vector<1x16xf32>,
      %swap3A_348 = vector.shape_cast %swap3A_347 : vector<1x16xf32> to vector<16xf32>
      %swap3A_349 = vector.shape_cast %scan3A_278#13 : vector<16xf32> to vector<1x16xf32>
      tpu.vector_store %arg11[%swap3A_345, %swap3A_346], %swap3A_349 {strides = array<i32>} : memref<80x256xf32, #tpu.memory_space<vmem>>, vector<1x16xf32>,
      %swap3A_350 = arith.index_cast %add3A_221 : i32 to index
      %swap3A_351 = arith.constant 224 : index
      %swap3A_352 = tpu.vector_load %arg11[%swap3A_350, %swap3A_351] {strides = array<i32>} : memref<80x256xf32, #tpu.memory_space<vmem>>, vector<1x16xf32>,
      %swap3A_353 = vector.shape_cast %swap3A_352 : vector<1x16xf32> to vector<16xf32>
      %swap3A_354 = vector.shape_cast %scan3A_278#14 : vector<16xf32> to vector<1x16xf32>
      tpu.vector_store %arg11[%swap3A_350, %swap3A_351], %swap3A_354 {strides = array<i32>} : memref<80x256xf32, #tpu.memory_space<vmem>>, vector<1x16xf32>,
      %swap3A_355 = arith.index_cast %add3A_221 : i32 to index
      %swap3A_356 = arith.constant 240 : index
      %swap3A_357 = tpu.vector_load %arg11[%swap3A_355, %swap3A_356] {strides = array<i32>} : memref<80x256xf32, #tpu.memory_space<vmem>>, vector<1x16xf32>,
      %swap3A_358 = vector.shape_cast %swap3A_357 : vector<1x16xf32> to vector<16xf32>
      %swap3A_359 = vector.shape_cast %scan3A_278#15 : vector<16xf32> to vector<1x16xf32>
      tpu.vector_store %arg11[%swap3A_355, %swap3A_356], %swap3A_359 {strides = array<i32>} : memref<80x256xf32, #tpu.memory_space<vmem>>, vector<1x16xf32>,
      %add3A_360 = arith.constant 4 : i32
      %add3A_361 = arith.addi %add3A_221, %add3A_360 : i32
      %sub3A_362 = arith.constant 1 : i32
      %sub3A_363 = arith.subi %add3A_361, %sub3A_362 : i32
      %lt3A_364 = arith.constant 80 : i32
      %lt3A_365 = arith.cmpi slt, %sub3A_363, %lt3A_364 : i32
      %convert_element_type3A_366 = arith.extui %lt3A_365 : i1 to i32
      %cond3A_367 = arith.constant 0 : i32
      %cond3A_368 = arith.cmpi ne, %convert_element_type3A_366, %cond3A_367 : i32
      scf.if %cond3A_368 {
        %mul3A_667 = arith.constant 40 : i32
        %mul3A_668 = arith.muli %sub3A_363, %mul3A_667 : i32
        %dma_start3A_669 = arith.constant 0 : i32
        %dma_start3A_670 = arith.constant 0 : i32
        %dma_start3A_671 = arith.constant 0 : i32
        %dma_start3A_672 = tpu.memref_slice %arg9[%dma_start3A_669, %dma_start3A_670, %dma_start3A_671] : memref<4x40x128xi32, #tpu.memory_space<vmem>> -> memref<1x40x128xi32, #tpu.memory_space<vmem>>
        %dma_start3A_673 = tpu.memref_squeeze %dma_start3A_672 : memref<1x40x128xi32, #tpu.memory_space<vmem>> -> memref<40x128xi32, #tpu.memory_space<vmem>>
        %dma_start3A_674 = tpu.memref_slice %arg7[%mul3A_668] : memref<3200xi32, #tpu.memory_space<vmem>> -> memref<40xi32, #tpu.memory_space<vmem>>
        %dma_start3A_675 = arith.constant 0 : i32
        %dma_start3A_676 = arith.constant 0 : i32
        %dma_start3A_677 = tpu.memref_slice %arg4[%dma_start3A_675, %dma_start3A_676] : memref<4881x128xi32, #tpu.memory_space<hbm>> -> memref<4881x128xi32, #tpu.memory_space<hbm>>
        tpu.enqueue_indirect_dma source(%dma_start3A_677 : memref<4881x128xi32, #tpu.memory_space<hbm>>) target(%dma_start3A_673 : memref<40x128xi32, #tpu.memory_space<vmem>>) offsets(%dma_start3A_674 : memref<40xi32, #tpu.memory_space<vmem>>) semaphore(%arg12 : memref<!tpu.dma_semaphore, #tpu.memory_space<semaphore_mem>>)
        %mul3A_678 = arith.constant 40 : i32
        %mul3A_679 = arith.muli %sub3A_363, %mul3A_678 : i32
        %dma_start3A_680 = arith.constant 0 : i32
        %dma_start3A_681 = arith.constant 0 : i32
        %dma_start3A_682 = arith.constant 0 : i32
        %dma_start3A_683 = tpu.memref_slice %arg10[%dma_start3A_680, %dma_start3A_681, %dma_start3A_682] : memref<4x40x128xi32, #tpu.memory_space<vmem>> -> memref<1x40x128xi32, #tpu.memory_space<vmem>>
        %dma_start3A_684 = tpu.memref_squeeze %dma_start3A_683 : memref<1x40x128xi32, #tpu.memory_space<vmem>> -> memref<40x128xi32, #tpu.memory_space<vmem>>
        %dma_start3A_685 = tpu.memref_slice %arg8[%mul3A_679] : memref<3200xi32, #tpu.memory_space<vmem>> -> memref<40xi32, #tpu.memory_space<vmem>>
        %dma_start3A_686 = arith.constant 0 : i32
        %dma_start3A_687 = arith.constant 0 : i32
        %dma_start3A_688 = tpu.memref_slice %arg5[%dma_start3A_686, %dma_start3A_687] : memref<3001x128xi32, #tpu.memory_space<hbm>> -> memref<3001x128xi32, #tpu.memory_space<hbm>>
        tpu.enqueue_indirect_dma source(%dma_start3A_688 : memref<3001x128xi32, #tpu.memory_space<hbm>>) target(%dma_start3A_684 : memref<40x128xi32, #tpu.memory_space<vmem>>) offsets(%dma_start3A_685 : memref<40xi32, #tpu.memory_space<vmem>>) semaphore(%arg13 : memref<!tpu.dma_semaphore, #tpu.memory_space<semaphore_mem>>)
      } else {
      }
      %add3A_369 = arith.constant 2 : i32
      %add3A_370 = arith.addi %mul3A_77, %add3A_369 : i32
      %dma_wait3A_371 = arith.constant 2 : i32
      %dma_wait3A_372 = arith.constant 0 : i32
      %dma_wait3A_373 = arith.constant 0 : i32
      %dma_wait3A_374 = tpu.memref_slice %arg9[%dma_wait3A_371, %dma_wait3A_372, %dma_wait3A_373] : memref<4x40x128xi32, #tpu.memory_space<vmem>> -> memref<1x40x128xi32, #tpu.memory_space<vmem>>
      %dma_wait3A_375 = tpu.memref_squeeze %dma_wait3A_374 : memref<1x40x128xi32, #tpu.memory_space<vmem>> -> memref<40x128xi32, #tpu.memory_space<vmem>>
      %dma_wait3A_376 = arith.constant 0 : i32
      %dma_wait3A_377 = tpu.memref_slice %arg7[%dma_wait3A_376] : memref<3200xi32, #tpu.memory_space<vmem>> -> memref<40xi32, #tpu.memory_space<vmem>>
      %dma_wait3A_378 = arith.constant 0 : i32
      %dma_wait3A_379 = arith.constant 0 : i32
      %dma_wait3A_380 = tpu.memref_slice %arg4[%dma_wait3A_378, %dma_wait3A_379] : memref<4881x128xi32, #tpu.memory_space<hbm>> -> memref<4881x128xi32, #tpu.memory_space<hbm>>
      tpu.wait_indirect_dma semaphore(%arg16 : memref<!tpu.dma_semaphore, #tpu.memory_space<semaphore_mem>>) src(%dma_wait3A_380 : memref<4881x128xi32, #tpu.memory_space<hbm>>) dst(%dma_wait3A_375 : memref<40x128xi32, #tpu.memory_space<vmem>>)
      %dma_wait3A_381 = arith.constant 2 : i32
      %dma_wait3A_382 = arith.constant 0 : i32
      %dma_wait3A_383 = arith.constant 0 : i32
      %dma_wait3A_384 = tpu.memref_slice %arg10[%dma_wait3A_381, %dma_wait3A_382, %dma_wait3A_383] : memref<4x40x128xi32, #tpu.memory_space<vmem>> -> memref<1x40x128xi32, #tpu.memory_space<vmem>>
      %dma_wait3A_385 = tpu.memref_squeeze %dma_wait3A_384 : memref<1x40x128xi32, #tpu.memory_space<vmem>> -> memref<40x128xi32, #tpu.memory_space<vmem>>
      %dma_wait3A_386 = arith.constant 0 : i32
      %dma_wait3A_387 = tpu.memref_slice %arg8[%dma_wait3A_386] : memref<3200xi32, #tpu.memory_space<vmem>> -> memref<40xi32, #tpu.memory_space<vmem>>
      %dma_wait3A_388 = arith.constant 0 : i32
      %dma_wait3A_389 = arith.constant 0 : i32
      %dma_wait3A_390 = tpu.memref_slice %arg5[%dma_wait3A_388, %dma_wait3A_389] : memref<3001x128xi32, #tpu.memory_space<hbm>> -> memref<3001x128xi32, #tpu.memory_space<hbm>>
      tpu.wait_indirect_dma semaphore(%arg17 : memref<!tpu.dma_semaphore, #tpu.memory_space<semaphore_mem>>) src(%dma_wait3A_390 : memref<3001x128xi32, #tpu.memory_space<hbm>>) dst(%dma_wait3A_385 : memref<40x128xi32, #tpu.memory_space<vmem>>)
      %broadcast_in_dim3A_391 = arith.constant 0.000000e+00 : f32
      %broadcast_in_dim3A_392 = vector.broadcast %broadcast_in_dim3A_391 : f32 to vector<16xf32>
      %broadcast_in_dim3A_393 = arith.constant 0.000000e+00 : f32
      %broadcast_in_dim3A_394 = vector.broadcast %broadcast_in_dim3A_393 : f32 to vector<16xf32>
      %broadcast_in_dim3A_395 = arith.constant 0.000000e+00 : f32
      %broadcast_in_dim3A_396 = vector.broadcast %broadcast_in_dim3A_395 : f32 to vector<16xf32>
      %broadcast_in_dim3A_397 = arith.constant 0.000000e+00 : f32
      %broadcast_in_dim3A_398 = vector.broadcast %broadcast_in_dim3A_397 : f32 to vector<16xf32>
      %broadcast_in_dim3A_399 = arith.constant 0.000000e+00 : f32
      %broadcast_in_dim3A_400 = vector.broadcast %broadcast_in_dim3A_399 : f32 to vector<16xf32>
      %broadcast_in_dim3A_401 = arith.constant 0.000000e+00 : f32
      %broadcast_in_dim3A_402 = vector.broadcast %broadcast_in_dim3A_401 : f32 to vector<16xf32>
      %broadcast_in_dim3A_403 = arith.constant 0.000000e+00 : f32
      %broadcast_in_dim3A_404 = vector.broadcast %broadcast_in_dim3A_403 : f32 to vector<16xf32>
      %broadcast_in_dim3A_405 = arith.constant 0.000000e+00 : f32
      %broadcast_in_dim3A_406 = vector.broadcast %broadcast_in_dim3A_405 : f32 to vector<16xf32>
      %broadcast_in_dim3A_407 = arith.constant 0.000000e+00 : f32
      %broadcast_in_dim3A_408 = vector.broadcast %broadcast_in_dim3A_407 : f32 to vector<16xf32>
      %broadcast_in_dim3A_409 = arith.constant 0.000000e+00 : f32
      %broadcast_in_dim3A_410 = vector.broadcast %broadcast_in_dim3A_409 : f32 to vector<16xf32>
      %broadcast_in_dim3A_411 = arith.constant 0.000000e+00 : f32
      %broadcast_in_dim3A_412 = vector.broadcast %broadcast_in_dim3A_411 : f32 to vector<16xf32>
      %broadcast_in_dim3A_413 = arith.constant 0.000000e+00 : f32
      %broadcast_in_dim3A_414 = vector.broadcast %broadcast_in_dim3A_413 : f32 to vector<16xf32>
      %broadcast_in_dim3A_415 = arith.constant 0.000000e+00 : f32
      %broadcast_in_dim3A_416 = vector.broadcast %broadcast_in_dim3A_415 : f32 to vector<16xf32>
      %broadcast_in_dim3A_417 = arith.constant 0.000000e+00 : f32
      %broadcast_in_dim3A_418 = vector.broadcast %broadcast_in_dim3A_417 : f32 to vector<16xf32>
      %broadcast_in_dim3A_419 = arith.constant 0.000000e+00 : f32
      %broadcast_in_dim3A_420 = vector.broadcast %broadcast_in_dim3A_419 : f32 to vector<16xf32>
      %broadcast_in_dim3A_421 = arith.constant 0.000000e+00 : f32
      %broadcast_in_dim3A_422 = vector.broadcast %broadcast_in_dim3A_421 : f32 to vector<16xf32>
      %scan3A_423 = arith.constant 0 : i32
      %scan3A_424 = arith.constant 40 : i32
      %scan3A_425 = arith.addi %scan3A_423, %scan3A_424 : i32
      %scan3A_426 = arith.constant 1 : i32
      %scan3A_427:16 = scf.for %scan3A_667 = %scan3A_423 to %scan3A_425 step %scan3A_426 iter_args(%scan3A_668 = %broadcast_in_dim3A_392, %scan3A_669 = %broadcast_in_dim3A_394, %scan3A_670 = %broadcast_in_dim3A_396, %scan3A_671 = %broadcast_in_dim3A_398, %scan3A_672 = %broadcast_in_dim3A_400, %scan3A_673 = %broadcast_in_dim3A_402, %scan3A_674 = %broadcast_in_dim3A_404, %scan3A_675 = %broadcast_in_dim3A_406, %scan3A_676 = %broadcast_in_dim3A_408, %scan3A_677 = %broadcast_in_dim3A_410, %scan3A_678 = %broadcast_in_dim3A_412, %scan3A_679 = %broadcast_in_dim3A_414, %scan3A_680 = %broadcast_in_dim3A_416, %scan3A_681 = %broadcast_in_dim3A_418, %scan3A_682 = %broadcast_in_dim3A_420, %scan3A_683 = %broadcast_in_dim3A_422) -> (vector<16xf32>, vector<16xf32>, vector<16xf32>, vector<16xf32>, vector<16xf32>, vector<16xf32>, vector<16xf32>, vector<16xf32>, vector<16xf32>, vector<16xf32>, vector<16xf32>, vector<16xf32>, vector<16xf32>, vector<16xf32>, vector<16xf32>, vector<16xf32>)  : i32 {
        %get3A = arith.constant 2 : i32
        %get3A_684 = arith.index_cast %get3A : i32 to index
        %get3A_685 = arith.index_cast %scan3A_667 : i32 to index
        %get3A_686 = arith.constant 0 : index
        %get3A_687 = tpu.vector_load %arg9[%get3A_684, %get3A_685, %get3A_686] {strides = array<i32>} : memref<4x40x128xi32, #tpu.memory_space<vmem>>, vector<1x1x16xi32>,
        %get3A_688 = vector.shape_cast %get3A_687 : vector<1x1x16xi32> to vector<16xi32>
        %get3A_689 = arith.constant 2 : i32
        %get3A_690 = arith.index_cast %get3A_689 : i32 to index
        %get3A_691 = arith.index_cast %scan3A_667 : i32 to index
        %get3A_692 = arith.constant 0 : index
        %get3A_693 = tpu.vector_load %arg10[%get3A_690, %get3A_691, %get3A_692] {strides = array<i32>} : memref<4x40x128xi32, #tpu.memory_space<vmem>>, vector<1x1x16xi32>,
        %get3A_694 = vector.shape_cast %get3A_693 : vector<1x1x16xi32> to vector<16xi32>
        %shift_left3A = arith.constant 16 : i32
        %shift_left3A_695 = vector.broadcast %shift_left3A : i32 to vector<16xi32>
        %shift_left3A_696 = arith.shli %get3A_688, %shift_left3A_695 : vector<16xi32>
        %bitcast_convert_type3A = tpu.bitcast %shift_left3A_696 : vector<16xi32> -> vector<16xf32>
        %add3A_697 = arith.addf %scan3A_668, %bitcast_convert_type3A : vector<16xf32>
        %shift_left3A_698 = arith.constant 16 : i32
        %shift_left3A_699 = vector.broadcast %shift_left3A_698 : i32 to vector<16xi32>
        %shift_left3A_700 = arith.shli %get3A_694, %shift_left3A_699 : vector<16xi32>
        %bitcast_convert_type3A_701 = tpu.bitcast %shift_left3A_700 : vector<16xi32> -> vector<16xf32>
        %add3A_702 = arith.addf %add3A_697, %bitcast_convert_type3A_701 : vector<16xf32>
        %bitcast_convert_type3A_703 = tpu.bitcast %get3A_688 : vector<16xi32> -> vector<16xf32>
        %add3A_704 = arith.addf %scan3A_669, %bitcast_convert_type3A_703 : vector<16xf32>
        %bitcast_convert_type3A_705 = tpu.bitcast %get3A_694 : vector<16xi32> -> vector<16xf32>
        %add3A_706 = arith.addf %add3A_704, %bitcast_convert_type3A_705 : vector<16xf32>
        %get3A_707 = arith.constant 2 : i32
        %get3A_708 = arith.index_cast %get3A_707 : i32 to index
        %get3A_709 = arith.index_cast %scan3A_667 : i32 to index
        %get3A_710 = arith.constant 16 : index
        %get3A_711 = tpu.vector_load %arg9[%get3A_708, %get3A_709, %get3A_710] {strides = array<i32>} : memref<4x40x128xi32, #tpu.memory_space<vmem>>, vector<1x1x16xi32>,
        %get3A_712 = vector.shape_cast %get3A_711 : vector<1x1x16xi32> to vector<16xi32>
        %get3A_713 = arith.constant 2 : i32
        %get3A_714 = arith.index_cast %get3A_713 : i32 to index
        %get3A_715 = arith.index_cast %scan3A_667 : i32 to index
        %get3A_716 = arith.constant 16 : index
        %get3A_717 = tpu.vector_load %arg10[%get3A_714, %get3A_715, %get3A_716] {strides = array<i32>} : memref<4x40x128xi32, #tpu.memory_space<vmem>>, vector<1x1x16xi32>,
        %get3A_718 = vector.shape_cast %get3A_717 : vector<1x1x16xi32> to vector<16xi32>
        %shift_left3A_719 = arith.constant 16 : i32
        %shift_left3A_720 = vector.broadcast %shift_left3A_719 : i32 to vector<16xi32>
        %shift_left3A_721 = arith.shli %get3A_712, %shift_left3A_720 : vector<16xi32>
        %bitcast_convert_type3A_722 = tpu.bitcast %shift_left3A_721 : vector<16xi32> -> vector<16xf32>
        %add3A_723 = arith.addf %scan3A_670, %bitcast_convert_type3A_722 : vector<16xf32>
        %shift_left3A_724 = arith.constant 16 : i32
        %shift_left3A_725 = vector.broadcast %shift_left3A_724 : i32 to vector<16xi32>
        %shift_left3A_726 = arith.shli %get3A_718, %shift_left3A_725 : vector<16xi32>
        %bitcast_convert_type3A_727 = tpu.bitcast %shift_left3A_726 : vector<16xi32> -> vector<16xf32>
        %add3A_728 = arith.addf %add3A_723, %bitcast_convert_type3A_727 : vector<16xf32>
        %bitcast_convert_type3A_729 = tpu.bitcast %get3A_712 : vector<16xi32> -> vector<16xf32>
        %add3A_730 = arith.addf %scan3A_671, %bitcast_convert_type3A_729 : vector<16xf32>
        %bitcast_convert_type3A_731 = tpu.bitcast %get3A_718 : vector<16xi32> -> vector<16xf32>
        %add3A_732 = arith.addf %add3A_730, %bitcast_convert_type3A_731 : vector<16xf32>
        %get3A_733 = arith.constant 2 : i32
        %get3A_734 = arith.index_cast %get3A_733 : i32 to index
        %get3A_735 = arith.index_cast %scan3A_667 : i32 to index
        %get3A_736 = arith.constant 32 : index
        %get3A_737 = tpu.vector_load %arg9[%get3A_734, %get3A_735, %get3A_736] {strides = array<i32>} : memref<4x40x128xi32, #tpu.memory_space<vmem>>, vector<1x1x16xi32>,
        %get3A_738 = vector.shape_cast %get3A_737 : vector<1x1x16xi32> to vector<16xi32>
        %get3A_739 = arith.constant 2 : i32
        %get3A_740 = arith.index_cast %get3A_739 : i32 to index
        %get3A_741 = arith.index_cast %scan3A_667 : i32 to index
        %get3A_742 = arith.constant 32 : index
        %get3A_743 = tpu.vector_load %arg10[%get3A_740, %get3A_741, %get3A_742] {strides = array<i32>} : memref<4x40x128xi32, #tpu.memory_space<vmem>>, vector<1x1x16xi32>,
        %get3A_744 = vector.shape_cast %get3A_743 : vector<1x1x16xi32> to vector<16xi32>
        %shift_left3A_745 = arith.constant 16 : i32
        %shift_left3A_746 = vector.broadcast %shift_left3A_745 : i32 to vector<16xi32>
        %shift_left3A_747 = arith.shli %get3A_738, %shift_left3A_746 : vector<16xi32>
        %bitcast_convert_type3A_748 = tpu.bitcast %shift_left3A_747 : vector<16xi32> -> vector<16xf32>
        %add3A_749 = arith.addf %scan3A_672, %bitcast_convert_type3A_748 : vector<16xf32>
        %shift_left3A_750 = arith.constant 16 : i32
        %shift_left3A_751 = vector.broadcast %shift_left3A_750 : i32 to vector<16xi32>
        %shift_left3A_752 = arith.shli %get3A_744, %shift_left3A_751 : vector<16xi32>
        %bitcast_convert_type3A_753 = tpu.bitcast %shift_left3A_752 : vector<16xi32> -> vector<16xf32>
        %add3A_754 = arith.addf %add3A_749, %bitcast_convert_type3A_753 : vector<16xf32>
        %bitcast_convert_type3A_755 = tpu.bitcast %get3A_738 : vector<16xi32> -> vector<16xf32>
        %add3A_756 = arith.addf %scan3A_673, %bitcast_convert_type3A_755 : vector<16xf32>
        %bitcast_convert_type3A_757 = tpu.bitcast %get3A_744 : vector<16xi32> -> vector<16xf32>
        %add3A_758 = arith.addf %add3A_756, %bitcast_convert_type3A_757 : vector<16xf32>
        %get3A_759 = arith.constant 2 : i32
        %get3A_760 = arith.index_cast %get3A_759 : i32 to index
        %get3A_761 = arith.index_cast %scan3A_667 : i32 to index
        %get3A_762 = arith.constant 48 : index
        %get3A_763 = tpu.vector_load %arg9[%get3A_760, %get3A_761, %get3A_762] {strides = array<i32>} : memref<4x40x128xi32, #tpu.memory_space<vmem>>, vector<1x1x16xi32>,
        %get3A_764 = vector.shape_cast %get3A_763 : vector<1x1x16xi32> to vector<16xi32>
        %get3A_765 = arith.constant 2 : i32
        %get3A_766 = arith.index_cast %get3A_765 : i32 to index
        %get3A_767 = arith.index_cast %scan3A_667 : i32 to index
        %get3A_768 = arith.constant 48 : index
        %get3A_769 = tpu.vector_load %arg10[%get3A_766, %get3A_767, %get3A_768] {strides = array<i32>} : memref<4x40x128xi32, #tpu.memory_space<vmem>>, vector<1x1x16xi32>,
        %get3A_770 = vector.shape_cast %get3A_769 : vector<1x1x16xi32> to vector<16xi32>
        %shift_left3A_771 = arith.constant 16 : i32
        %shift_left3A_772 = vector.broadcast %shift_left3A_771 : i32 to vector<16xi32>
        %shift_left3A_773 = arith.shli %get3A_764, %shift_left3A_772 : vector<16xi32>
        %bitcast_convert_type3A_774 = tpu.bitcast %shift_left3A_773 : vector<16xi32> -> vector<16xf32>
        %add3A_775 = arith.addf %scan3A_674, %bitcast_convert_type3A_774 : vector<16xf32>
        %shift_left3A_776 = arith.constant 16 : i32
        %shift_left3A_777 = vector.broadcast %shift_left3A_776 : i32 to vector<16xi32>
        %shift_left3A_778 = arith.shli %get3A_770, %shift_left3A_777 : vector<16xi32>
        %bitcast_convert_type3A_779 = tpu.bitcast %shift_left3A_778 : vector<16xi32> -> vector<16xf32>
        %add3A_780 = arith.addf %add3A_775, %bitcast_convert_type3A_779 : vector<16xf32>
        %bitcast_convert_type3A_781 = tpu.bitcast %get3A_764 : vector<16xi32> -> vector<16xf32>
        %add3A_782 = arith.addf %scan3A_675, %bitcast_convert_type3A_781 : vector<16xf32>
        %bitcast_convert_type3A_783 = tpu.bitcast %get3A_770 : vector<16xi32> -> vector<16xf32>
        %add3A_784 = arith.addf %add3A_782, %bitcast_convert_type3A_783 : vector<16xf32>
        %get3A_785 = arith.constant 2 : i32
        %get3A_786 = arith.index_cast %get3A_785 : i32 to index
        %get3A_787 = arith.index_cast %scan3A_667 : i32 to index
        %get3A_788 = arith.constant 64 : index
        %get3A_789 = tpu.vector_load %arg9[%get3A_786, %get3A_787, %get3A_788] {strides = array<i32>} : memref<4x40x128xi32, #tpu.memory_space<vmem>>, vector<1x1x16xi32>,
        %get3A_790 = vector.shape_cast %get3A_789 : vector<1x1x16xi32> to vector<16xi32>
        %get3A_791 = arith.constant 2 : i32
        %get3A_792 = arith.index_cast %get3A_791 : i32 to index
        %get3A_793 = arith.index_cast %scan3A_667 : i32 to index
        %get3A_794 = arith.constant 64 : index
        %get3A_795 = tpu.vector_load %arg10[%get3A_792, %get3A_793, %get3A_794] {strides = array<i32>} : memref<4x40x128xi32, #tpu.memory_space<vmem>>, vector<1x1x16xi32>,
        %get3A_796 = vector.shape_cast %get3A_795 : vector<1x1x16xi32> to vector<16xi32>
        %shift_left3A_797 = arith.constant 16 : i32
        %shift_left3A_798 = vector.broadcast %shift_left3A_797 : i32 to vector<16xi32>
        %shift_left3A_799 = arith.shli %get3A_790, %shift_left3A_798 : vector<16xi32>
        %bitcast_convert_type3A_800 = tpu.bitcast %shift_left3A_799 : vector<16xi32> -> vector<16xf32>
        %add3A_801 = arith.addf %scan3A_676, %bitcast_convert_type3A_800 : vector<16xf32>
        %shift_left3A_802 = arith.constant 16 : i32
        %shift_left3A_803 = vector.broadcast %shift_left3A_802 : i32 to vector<16xi32>
        %shift_left3A_804 = arith.shli %get3A_796, %shift_left3A_803 : vector<16xi32>
        %bitcast_convert_type3A_805 = tpu.bitcast %shift_left3A_804 : vector<16xi32> -> vector<16xf32>
        %add3A_806 = arith.addf %add3A_801, %bitcast_convert_type3A_805 : vector<16xf32>
        %bitcast_convert_type3A_807 = tpu.bitcast %get3A_790 : vector<16xi32> -> vector<16xf32>
        %add3A_808 = arith.addf %scan3A_677, %bitcast_convert_type3A_807 : vector<16xf32>
        %bitcast_convert_type3A_809 = tpu.bitcast %get3A_796 : vector<16xi32> -> vector<16xf32>
        %add3A_810 = arith.addf %add3A_808, %bitcast_convert_type3A_809 : vector<16xf32>
        %get3A_811 = arith.constant 2 : i32
        %get3A_812 = arith.index_cast %get3A_811 : i32 to index
        %get3A_813 = arith.index_cast %scan3A_667 : i32 to index
        %get3A_814 = arith.constant 80 : index
        %get3A_815 = tpu.vector_load %arg9[%get3A_812, %get3A_813, %get3A_814] {strides = array<i32>} : memref<4x40x128xi32, #tpu.memory_space<vmem>>, vector<1x1x16xi32>,
        %get3A_816 = vector.shape_cast %get3A_815 : vector<1x1x16xi32> to vector<16xi32>
        %get3A_817 = arith.constant 2 : i32
        %get3A_818 = arith.index_cast %get3A_817 : i32 to index
        %get3A_819 = arith.index_cast %scan3A_667 : i32 to index
        %get3A_820 = arith.constant 80 : index
        %get3A_821 = tpu.vector_load %arg10[%get3A_818, %get3A_819, %get3A_820] {strides = array<i32>} : memref<4x40x128xi32, #tpu.memory_space<vmem>>, vector<1x1x16xi32>,
        %get3A_822 = vector.shape_cast %get3A_821 : vector<1x1x16xi32> to vector<16xi32>
        %shift_left3A_823 = arith.constant 16 : i32
        %shift_left3A_824 = vector.broadcast %shift_left3A_823 : i32 to vector<16xi32>
        %shift_left3A_825 = arith.shli %get3A_816, %shift_left3A_824 : vector<16xi32>
        %bitcast_convert_type3A_826 = tpu.bitcast %shift_left3A_825 : vector<16xi32> -> vector<16xf32>
        %add3A_827 = arith.addf %scan3A_678, %bitcast_convert_type3A_826 : vector<16xf32>
        %shift_left3A_828 = arith.constant 16 : i32
        %shift_left3A_829 = vector.broadcast %shift_left3A_828 : i32 to vector<16xi32>
        %shift_left3A_830 = arith.shli %get3A_822, %shift_left3A_829 : vector<16xi32>
        %bitcast_convert_type3A_831 = tpu.bitcast %shift_left3A_830 : vector<16xi32> -> vector<16xf32>
        %add3A_832 = arith.addf %add3A_827, %bitcast_convert_type3A_831 : vector<16xf32>
        %bitcast_convert_type3A_833 = tpu.bitcast %get3A_816 : vector<16xi32> -> vector<16xf32>
        %add3A_834 = arith.addf %scan3A_679, %bitcast_convert_type3A_833 : vector<16xf32>
        %bitcast_convert_type3A_835 = tpu.bitcast %get3A_822 : vector<16xi32> -> vector<16xf32>
        %add3A_836 = arith.addf %add3A_834, %bitcast_convert_type3A_835 : vector<16xf32>
        %get3A_837 = arith.constant 2 : i32
        %get3A_838 = arith.index_cast %get3A_837 : i32 to index
        %get3A_839 = arith.index_cast %scan3A_667 : i32 to index
        %get3A_840 = arith.constant 96 : index
        %get3A_841 = tpu.vector_load %arg9[%get3A_838, %get3A_839, %get3A_840] {strides = array<i32>} : memref<4x40x128xi32, #tpu.memory_space<vmem>>, vector<1x1x16xi32>,
        %get3A_842 = vector.shape_cast %get3A_841 : vector<1x1x16xi32> to vector<16xi32>
        %get3A_843 = arith.constant 2 : i32
        %get3A_844 = arith.index_cast %get3A_843 : i32 to index
        %get3A_845 = arith.index_cast %scan3A_667 : i32 to index
        %get3A_846 = arith.constant 96 : index
        %get3A_847 = tpu.vector_load %arg10[%get3A_844, %get3A_845, %get3A_846] {strides = array<i32>} : memref<4x40x128xi32, #tpu.memory_space<vmem>>, vector<1x1x16xi32>,
        %get3A_848 = vector.shape_cast %get3A_847 : vector<1x1x16xi32> to vector<16xi32>
        %shift_left3A_849 = arith.constant 16 : i32
        %shift_left3A_850 = vector.broadcast %shift_left3A_849 : i32 to vector<16xi32>
        %shift_left3A_851 = arith.shli %get3A_842, %shift_left3A_850 : vector<16xi32>
        %bitcast_convert_type3A_852 = tpu.bitcast %shift_left3A_851 : vector<16xi32> -> vector<16xf32>
        %add3A_853 = arith.addf %scan3A_680, %bitcast_convert_type3A_852 : vector<16xf32>
        %shift_left3A_854 = arith.constant 16 : i32
        %shift_left3A_855 = vector.broadcast %shift_left3A_854 : i32 to vector<16xi32>
        %shift_left3A_856 = arith.shli %get3A_848, %shift_left3A_855 : vector<16xi32>
        %bitcast_convert_type3A_857 = tpu.bitcast %shift_left3A_856 : vector<16xi32> -> vector<16xf32>
        %add3A_858 = arith.addf %add3A_853, %bitcast_convert_type3A_857 : vector<16xf32>
        %bitcast_convert_type3A_859 = tpu.bitcast %get3A_842 : vector<16xi32> -> vector<16xf32>
        %add3A_860 = arith.addf %scan3A_681, %bitcast_convert_type3A_859 : vector<16xf32>
        %bitcast_convert_type3A_861 = tpu.bitcast %get3A_848 : vector<16xi32> -> vector<16xf32>
        %add3A_862 = arith.addf %add3A_860, %bitcast_convert_type3A_861 : vector<16xf32>
        %get3A_863 = arith.constant 2 : i32
        %get3A_864 = arith.index_cast %get3A_863 : i32 to index
        %get3A_865 = arith.index_cast %scan3A_667 : i32 to index
        %get3A_866 = arith.constant 112 : index
        %get3A_867 = tpu.vector_load %arg9[%get3A_864, %get3A_865, %get3A_866] {strides = array<i32>} : memref<4x40x128xi32, #tpu.memory_space<vmem>>, vector<1x1x16xi32>,
        %get3A_868 = vector.shape_cast %get3A_867 : vector<1x1x16xi32> to vector<16xi32>
        %get3A_869 = arith.constant 2 : i32
        %get3A_870 = arith.index_cast %get3A_869 : i32 to index
        %get3A_871 = arith.index_cast %scan3A_667 : i32 to index
        %get3A_872 = arith.constant 112 : index
        %get3A_873 = tpu.vector_load %arg10[%get3A_870, %get3A_871, %get3A_872] {strides = array<i32>} : memref<4x40x128xi32, #tpu.memory_space<vmem>>, vector<1x1x16xi32>,
        %get3A_874 = vector.shape_cast %get3A_873 : vector<1x1x16xi32> to vector<16xi32>
        %shift_left3A_875 = arith.constant 16 : i32
        %shift_left3A_876 = vector.broadcast %shift_left3A_875 : i32 to vector<16xi32>
        %shift_left3A_877 = arith.shli %get3A_868, %shift_left3A_876 : vector<16xi32>
        %bitcast_convert_type3A_878 = tpu.bitcast %shift_left3A_877 : vector<16xi32> -> vector<16xf32>
        %add3A_879 = arith.addf %scan3A_682, %bitcast_convert_type3A_878 : vector<16xf32>
        %shift_left3A_880 = arith.constant 16 : i32
        %shift_left3A_881 = vector.broadcast %shift_left3A_880 : i32 to vector<16xi32>
        %shift_left3A_882 = arith.shli %get3A_874, %shift_left3A_881 : vector<16xi32>
        %bitcast_convert_type3A_883 = tpu.bitcast %shift_left3A_882 : vector<16xi32> -> vector<16xf32>
        %add3A_884 = arith.addf %add3A_879, %bitcast_convert_type3A_883 : vector<16xf32>
        %bitcast_convert_type3A_885 = tpu.bitcast %get3A_868 : vector<16xi32> -> vector<16xf32>
        %add3A_886 = arith.addf %scan3A_683, %bitcast_convert_type3A_885 : vector<16xf32>
        %bitcast_convert_type3A_887 = tpu.bitcast %get3A_874 : vector<16xi32> -> vector<16xf32>
        %add3A_888 = arith.addf %add3A_886, %bitcast_convert_type3A_887 : vector<16xf32>
        scf.yield %add3A_702, %add3A_706, %add3A_728, %add3A_732, %add3A_754, %add3A_758, %add3A_780, %add3A_784, %add3A_806, %add3A_810, %add3A_832, %add3A_836, %add3A_858, %add3A_862, %add3A_884, %add3A_888 : vector<16xf32>, vector<16xf32>, vector<16xf32>, vector<16xf32>, vector<16xf32>, vector<16xf32>, vector<16xf32>, vector<16xf32>, vector<16xf32>, vector<16xf32>, vector<16xf32>, vector<16xf32>, vector<16xf32>, vector<16xf32>, vector<16xf32>, vector<16xf32>
      }
      %scan3A_428 = arith.constant 40 : i32
      %swap3A_429 = arith.index_cast %add3A_370 : i32 to index
      %swap3A_430 = arith.constant 0 : index
      %swap3A_431 = tpu.vector_load %arg11[%swap3A_429, %swap3A_430] {strides = array<i32>} : memref<80x256xf32, #tpu.memory_space<vmem>>, vector<1x16xf32>,
      %swap3A_432 = vector.shape_cast %swap3A_431 : vector<1x16xf32> to vector<16xf32>
      %swap3A_433 = vector.shape_cast %scan3A_427#0 : vector<16xf32> to vector<1x16xf32>
      tpu.vector_store %arg11[%swap3A_429, %swap3A_430], %swap3A_433 {strides = array<i32>} : memref<80x256xf32, #tpu.memory_space<vmem>>, vector<1x16xf32>,
      %swap3A_434 = arith.index_cast %add3A_370 : i32 to index
      %swap3A_435 = arith.constant 16 : index
      %swap3A_436 = tpu.vector_load %arg11[%swap3A_434, %swap3A_435] {strides = array<i32>} : memref<80x256xf32, #tpu.memory_space<vmem>>, vector<1x16xf32>,
      %swap3A_437 = vector.shape_cast %swap3A_436 : vector<1x16xf32> to vector<16xf32>
      %swap3A_438 = vector.shape_cast %scan3A_427#1 : vector<16xf32> to vector<1x16xf32>
      tpu.vector_store %arg11[%swap3A_434, %swap3A_435], %swap3A_438 {strides = array<i32>} : memref<80x256xf32, #tpu.memory_space<vmem>>, vector<1x16xf32>,
      %swap3A_439 = arith.index_cast %add3A_370 : i32 to index
      %swap3A_440 = arith.constant 32 : index
      %swap3A_441 = tpu.vector_load %arg11[%swap3A_439, %swap3A_440] {strides = array<i32>} : memref<80x256xf32, #tpu.memory_space<vmem>>, vector<1x16xf32>,
      %swap3A_442 = vector.shape_cast %swap3A_441 : vector<1x16xf32> to vector<16xf32>
      %swap3A_443 = vector.shape_cast %scan3A_427#2 : vector<16xf32> to vector<1x16xf32>
      tpu.vector_store %arg11[%swap3A_439, %swap3A_440], %swap3A_443 {strides = array<i32>} : memref<80x256xf32, #tpu.memory_space<vmem>>, vector<1x16xf32>,
      %swap3A_444 = arith.index_cast %add3A_370 : i32 to index
      %swap3A_445 = arith.constant 48 : index
      %swap3A_446 = tpu.vector_load %arg11[%swap3A_444, %swap3A_445] {strides = array<i32>} : memref<80x256xf32, #tpu.memory_space<vmem>>, vector<1x16xf32>,
      %swap3A_447 = vector.shape_cast %swap3A_446 : vector<1x16xf32> to vector<16xf32>
      %swap3A_448 = vector.shape_cast %scan3A_427#3 : vector<16xf32> to vector<1x16xf32>
      tpu.vector_store %arg11[%swap3A_444, %swap3A_445], %swap3A_448 {strides = array<i32>} : memref<80x256xf32, #tpu.memory_space<vmem>>, vector<1x16xf32>,
      %swap3A_449 = arith.index_cast %add3A_370 : i32 to index
      %swap3A_450 = arith.constant 64 : index
      %swap3A_451 = tpu.vector_load %arg11[%swap3A_449, %swap3A_450] {strides = array<i32>} : memref<80x256xf32, #tpu.memory_space<vmem>>, vector<1x16xf32>,
      %swap3A_452 = vector.shape_cast %swap3A_451 : vector<1x16xf32> to vector<16xf32>
      %swap3A_453 = vector.shape_cast %scan3A_427#4 : vector<16xf32> to vector<1x16xf32>
      tpu.vector_store %arg11[%swap3A_449, %swap3A_450], %swap3A_453 {strides = array<i32>} : memref<80x256xf32, #tpu.memory_space<vmem>>, vector<1x16xf32>,
      %swap3A_454 = arith.index_cast %add3A_370 : i32 to index
      %swap3A_455 = arith.constant 80 : index
      %swap3A_456 = tpu.vector_load %arg11[%swap3A_454, %swap3A_455] {strides = array<i32>} : memref<80x256xf32, #tpu.memory_space<vmem>>, vector<1x16xf32>,
      %swap3A_457 = vector.shape_cast %swap3A_456 : vector<1x16xf32> to vector<16xf32>
      %swap3A_458 = vector.shape_cast %scan3A_427#5 : vector<16xf32> to vector<1x16xf32>
      tpu.vector_store %arg11[%swap3A_454, %swap3A_455], %swap3A_458 {strides = array<i32>} : memref<80x256xf32, #tpu.memory_space<vmem>>, vector<1x16xf32>,
      %swap3A_459 = arith.index_cast %add3A_370 : i32 to index
      %swap3A_460 = arith.constant 96 : index
      %swap3A_461 = tpu.vector_load %arg11[%swap3A_459, %swap3A_460] {strides = array<i32>} : memref<80x256xf32, #tpu.memory_space<vmem>>, vector<1x16xf32>,
      %swap3A_462 = vector.shape_cast %swap3A_461 : vector<1x16xf32> to vector<16xf32>
      %swap3A_463 = vector.shape_cast %scan3A_427#6 : vector<16xf32> to vector<1x16xf32>
      tpu.vector_store %arg11[%swap3A_459, %swap3A_460], %swap3A_463 {strides = array<i32>} : memref<80x256xf32, #tpu.memory_space<vmem>>, vector<1x16xf32>,
      %swap3A_464 = arith.index_cast %add3A_370 : i32 to index
      %swap3A_465 = arith.constant 112 : index
      %swap3A_466 = tpu.vector_load %arg11[%swap3A_464, %swap3A_465] {strides = array<i32>} : memref<80x256xf32, #tpu.memory_space<vmem>>, vector<1x16xf32>,
      %swap3A_467 = vector.shape_cast %swap3A_466 : vector<1x16xf32> to vector<16xf32>
      %swap3A_468 = vector.shape_cast %scan3A_427#7 : vector<16xf32> to vector<1x16xf32>
      tpu.vector_store %arg11[%swap3A_464, %swap3A_465], %swap3A_468 {strides = array<i32>} : memref<80x256xf32, #tpu.memory_space<vmem>>, vector<1x16xf32>,
      %swap3A_469 = arith.index_cast %add3A_370 : i32 to index
      %swap3A_470 = arith.constant 128 : index
      %swap3A_471 = tpu.vector_load %arg11[%swap3A_469, %swap3A_470] {strides = array<i32>} : memref<80x256xf32, #tpu.memory_space<vmem>>, vector<1x16xf32>,
      %swap3A_472 = vector.shape_cast %swap3A_471 : vector<1x16xf32> to vector<16xf32>
      %swap3A_473 = vector.shape_cast %scan3A_427#8 : vector<16xf32> to vector<1x16xf32>
      tpu.vector_store %arg11[%swap3A_469, %swap3A_470], %swap3A_473 {strides = array<i32>} : memref<80x256xf32, #tpu.memory_space<vmem>>, vector<1x16xf32>,
      %swap3A_474 = arith.index_cast %add3A_370 : i32 to index
      %swap3A_475 = arith.constant 144 : index
      %swap3A_476 = tpu.vector_load %arg11[%swap3A_474, %swap3A_475] {strides = array<i32>} : memref<80x256xf32, #tpu.memory_space<vmem>>, vector<1x16xf32>,
      %swap3A_477 = vector.shape_cast %swap3A_476 : vector<1x16xf32> to vector<16xf32>
      %swap3A_478 = vector.shape_cast %scan3A_427#9 : vector<16xf32> to vector<1x16xf32>
      tpu.vector_store %arg11[%swap3A_474, %swap3A_475], %swap3A_478 {strides = array<i32>} : memref<80x256xf32, #tpu.memory_space<vmem>>, vector<1x16xf32>,
      %swap3A_479 = arith.index_cast %add3A_370 : i32 to index
      %swap3A_480 = arith.constant 160 : index
      %swap3A_481 = tpu.vector_load %arg11[%swap3A_479, %swap3A_480] {strides = array<i32>} : memref<80x256xf32, #tpu.memory_space<vmem>>, vector<1x16xf32>,
      %swap3A_482 = vector.shape_cast %swap3A_481 : vector<1x16xf32> to vector<16xf32>
      %swap3A_483 = vector.shape_cast %scan3A_427#10 : vector<16xf32> to vector<1x16xf32>
      tpu.vector_store %arg11[%swap3A_479, %swap3A_480], %swap3A_483 {strides = array<i32>} : memref<80x256xf32, #tpu.memory_space<vmem>>, vector<1x16xf32>,
      %swap3A_484 = arith.index_cast %add3A_370 : i32 to index
      %swap3A_485 = arith.constant 176 : index
      %swap3A_486 = tpu.vector_load %arg11[%swap3A_484, %swap3A_485] {strides = array<i32>} : memref<80x256xf32, #tpu.memory_space<vmem>>, vector<1x16xf32>,
      %swap3A_487 = vector.shape_cast %swap3A_486 : vector<1x16xf32> to vector<16xf32>
      %swap3A_488 = vector.shape_cast %scan3A_427#11 : vector<16xf32> to vector<1x16xf32>
      tpu.vector_store %arg11[%swap3A_484, %swap3A_485], %swap3A_488 {strides = array<i32>} : memref<80x256xf32, #tpu.memory_space<vmem>>, vector<1x16xf32>,
      %swap3A_489 = arith.index_cast %add3A_370 : i32 to index
      %swap3A_490 = arith.constant 192 : index
      %swap3A_491 = tpu.vector_load %arg11[%swap3A_489, %swap3A_490] {strides = array<i32>} : memref<80x256xf32, #tpu.memory_space<vmem>>, vector<1x16xf32>,
      %swap3A_492 = vector.shape_cast %swap3A_491 : vector<1x16xf32> to vector<16xf32>
      %swap3A_493 = vector.shape_cast %scan3A_427#12 : vector<16xf32> to vector<1x16xf32>
      tpu.vector_store %arg11[%swap3A_489, %swap3A_490], %swap3A_493 {strides = array<i32>} : memref<80x256xf32, #tpu.memory_space<vmem>>, vector<1x16xf32>,
      %swap3A_494 = arith.index_cast %add3A_370 : i32 to index
      %swap3A_495 = arith.constant 208 : index
      %swap3A_496 = tpu.vector_load %arg11[%swap3A_494, %swap3A_495] {strides = array<i32>} : memref<80x256xf32, #tpu.memory_space<vmem>>, vector<1x16xf32>,
      %swap3A_497 = vector.shape_cast %swap3A_496 : vector<1x16xf32> to vector<16xf32>
      %swap3A_498 = vector.shape_cast %scan3A_427#13 : vector<16xf32> to vector<1x16xf32>
      tpu.vector_store %arg11[%swap3A_494, %swap3A_495], %swap3A_498 {strides = array<i32>} : memref<80x256xf32, #tpu.memory_space<vmem>>, vector<1x16xf32>,
      %swap3A_499 = arith.index_cast %add3A_370 : i32 to index
      %swap3A_500 = arith.constant 224 : index
      %swap3A_501 = tpu.vector_load %arg11[%swap3A_499, %swap3A_500] {strides = array<i32>} : memref<80x256xf32, #tpu.memory_space<vmem>>, vector<1x16xf32>,
      %swap3A_502 = vector.shape_cast %swap3A_501 : vector<1x16xf32> to vector<16xf32>
      %swap3A_503 = vector.shape_cast %scan3A_427#14 : vector<16xf32> to vector<1x16xf32>
      tpu.vector_store %arg11[%swap3A_499, %swap3A_500], %swap3A_503 {strides = array<i32>} : memref<80x256xf32, #tpu.memory_space<vmem>>, vector<1x16xf32>,
      %swap3A_504 = arith.index_cast %add3A_370 : i32 to index
      %swap3A_505 = arith.constant 240 : index
      %swap3A_506 = tpu.vector_load %arg11[%swap3A_504, %swap3A_505] {strides = array<i32>} : memref<80x256xf32, #tpu.memory_space<vmem>>, vector<1x16xf32>,
      %swap3A_507 = vector.shape_cast %swap3A_506 : vector<1x16xf32> to vector<16xf32>
      %swap3A_508 = vector.shape_cast %scan3A_427#15 : vector<16xf32> to vector<1x16xf32>
      tpu.vector_store %arg11[%swap3A_504, %swap3A_505], %swap3A_508 {strides = array<i32>} : memref<80x256xf32, #tpu.memory_space<vmem>>, vector<1x16xf32>,
      %add3A_509 = arith.constant 4 : i32
      %add3A_510 = arith.addi %add3A_370, %add3A_509 : i32
      %sub3A_511 = arith.constant 1 : i32
      %sub3A_512 = arith.subi %add3A_510, %sub3A_511 : i32
      %lt3A_513 = arith.constant 80 : i32
      %lt3A_514 = arith.cmpi slt, %sub3A_512, %lt3A_513 : i32
      %convert_element_type3A_515 = arith.extui %lt3A_514 : i1 to i32
      %cond3A_516 = arith.constant 0 : i32
      %cond3A_517 = arith.cmpi ne, %convert_element_type3A_515, %cond3A_516 : i32
      scf.if %cond3A_517 {
        %mul3A_667 = arith.constant 40 : i32
        %mul3A_668 = arith.muli %sub3A_512, %mul3A_667 : i32
        %dma_start3A_669 = arith.constant 1 : i32
        %dma_start3A_670 = arith.constant 0 : i32
        %dma_start3A_671 = arith.constant 0 : i32
        %dma_start3A_672 = tpu.memref_slice %arg9[%dma_start3A_669, %dma_start3A_670, %dma_start3A_671] : memref<4x40x128xi32, #tpu.memory_space<vmem>> -> memref<1x40x128xi32, #tpu.memory_space<vmem>>
        %dma_start3A_673 = tpu.memref_squeeze %dma_start3A_672 : memref<1x40x128xi32, #tpu.memory_space<vmem>> -> memref<40x128xi32, #tpu.memory_space<vmem>>
        %dma_start3A_674 = tpu.memref_slice %arg7[%mul3A_668] : memref<3200xi32, #tpu.memory_space<vmem>> -> memref<40xi32, #tpu.memory_space<vmem>>
        %dma_start3A_675 = arith.constant 0 : i32
        %dma_start3A_676 = arith.constant 0 : i32
        %dma_start3A_677 = tpu.memref_slice %arg4[%dma_start3A_675, %dma_start3A_676] : memref<4881x128xi32, #tpu.memory_space<hbm>> -> memref<4881x128xi32, #tpu.memory_space<hbm>>
        tpu.enqueue_indirect_dma source(%dma_start3A_677 : memref<4881x128xi32, #tpu.memory_space<hbm>>) target(%dma_start3A_673 : memref<40x128xi32, #tpu.memory_space<vmem>>) offsets(%dma_start3A_674 : memref<40xi32, #tpu.memory_space<vmem>>) semaphore(%arg14 : memref<!tpu.dma_semaphore, #tpu.memory_space<semaphore_mem>>)
        %mul3A_678 = arith.constant 40 : i32
        %mul3A_679 = arith.muli %sub3A_512, %mul3A_678 : i32
        %dma_start3A_680 = arith.constant 1 : i32
        %dma_start3A_681 = arith.constant 0 : i32
        %dma_start3A_682 = arith.constant 0 : i32
        %dma_start3A_683 = tpu.memref_slice %arg10[%dma_start3A_680, %dma_start3A_681, %dma_start3A_682] : memref<4x40x128xi32, #tpu.memory_space<vmem>> -> memref<1x40x128xi32, #tpu.memory_space<vmem>>
        %dma_start3A_684 = tpu.memref_squeeze %dma_start3A_683 : memref<1x40x128xi32, #tpu.memory_space<vmem>> -> memref<40x128xi32, #tpu.memory_space<vmem>>
        %dma_start3A_685 = tpu.memref_slice %arg8[%mul3A_679] : memref<3200xi32, #tpu.memory_space<vmem>> -> memref<40xi32, #tpu.memory_space<vmem>>
        %dma_start3A_686 = arith.constant 0 : i32
        %dma_start3A_687 = arith.constant 0 : i32
        %dma_start3A_688 = tpu.memref_slice %arg5[%dma_start3A_686, %dma_start3A_687] : memref<3001x128xi32, #tpu.memory_space<hbm>> -> memref<3001x128xi32, #tpu.memory_space<hbm>>
        tpu.enqueue_indirect_dma source(%dma_start3A_688 : memref<3001x128xi32, #tpu.memory_space<hbm>>) target(%dma_start3A_684 : memref<40x128xi32, #tpu.memory_space<vmem>>) offsets(%dma_start3A_685 : memref<40xi32, #tpu.memory_space<vmem>>) semaphore(%arg15 : memref<!tpu.dma_semaphore, #tpu.memory_space<semaphore_mem>>)
      } else {
      }
      %add3A_518 = arith.constant 3 : i32
      %add3A_519 = arith.addi %mul3A_77, %add3A_518 : i32
      %dma_wait3A_520 = arith.constant 3 : i32
      %dma_wait3A_521 = arith.constant 0 : i32
      %dma_wait3A_522 = arith.constant 0 : i32
      %dma_wait3A_523 = tpu.memref_slice %arg9[%dma_wait3A_520, %dma_wait3A_521, %dma_wait3A_522] : memref<4x40x128xi32, #tpu.memory_space<vmem>> -> memref<1x40x128xi32, #tpu.memory_space<vmem>>
      %dma_wait3A_524 = tpu.memref_squeeze %dma_wait3A_523 : memref<1x40x128xi32, #tpu.memory_space<vmem>> -> memref<40x128xi32, #tpu.memory_space<vmem>>
      %dma_wait3A_525 = arith.constant 0 : i32
      %dma_wait3A_526 = tpu.memref_slice %arg7[%dma_wait3A_525] : memref<3200xi32, #tpu.memory_space<vmem>> -> memref<40xi32, #tpu.memory_space<vmem>>
      %dma_wait3A_527 = arith.constant 0 : i32
      %dma_wait3A_528 = arith.constant 0 : i32
      %dma_wait3A_529 = tpu.memref_slice %arg4[%dma_wait3A_527, %dma_wait3A_528] : memref<4881x128xi32, #tpu.memory_space<hbm>> -> memref<4881x128xi32, #tpu.memory_space<hbm>>
      tpu.wait_indirect_dma semaphore(%arg18 : memref<!tpu.dma_semaphore, #tpu.memory_space<semaphore_mem>>) src(%dma_wait3A_529 : memref<4881x128xi32, #tpu.memory_space<hbm>>) dst(%dma_wait3A_524 : memref<40x128xi32, #tpu.memory_space<vmem>>)
      %dma_wait3A_530 = arith.constant 3 : i32
      %dma_wait3A_531 = arith.constant 0 : i32
      %dma_wait3A_532 = arith.constant 0 : i32
      %dma_wait3A_533 = tpu.memref_slice %arg10[%dma_wait3A_530, %dma_wait3A_531, %dma_wait3A_532] : memref<4x40x128xi32, #tpu.memory_space<vmem>> -> memref<1x40x128xi32, #tpu.memory_space<vmem>>
      %dma_wait3A_534 = tpu.memref_squeeze %dma_wait3A_533 : memref<1x40x128xi32, #tpu.memory_space<vmem>> -> memref<40x128xi32, #tpu.memory_space<vmem>>
      %dma_wait3A_535 = arith.constant 0 : i32
      %dma_wait3A_536 = tpu.memref_slice %arg8[%dma_wait3A_535] : memref<3200xi32, #tpu.memory_space<vmem>> -> memref<40xi32, #tpu.memory_space<vmem>>
      %dma_wait3A_537 = arith.constant 0 : i32
      %dma_wait3A_538 = arith.constant 0 : i32
      %dma_wait3A_539 = tpu.memref_slice %arg5[%dma_wait3A_537, %dma_wait3A_538] : memref<3001x128xi32, #tpu.memory_space<hbm>> -> memref<3001x128xi32, #tpu.memory_space<hbm>>
      tpu.wait_indirect_dma semaphore(%arg19 : memref<!tpu.dma_semaphore, #tpu.memory_space<semaphore_mem>>) src(%dma_wait3A_539 : memref<3001x128xi32, #tpu.memory_space<hbm>>) dst(%dma_wait3A_534 : memref<40x128xi32, #tpu.memory_space<vmem>>)
      %broadcast_in_dim3A_540 = arith.constant 0.000000e+00 : f32
      %broadcast_in_dim3A_541 = vector.broadcast %broadcast_in_dim3A_540 : f32 to vector<16xf32>
      %broadcast_in_dim3A_542 = arith.constant 0.000000e+00 : f32
      %broadcast_in_dim3A_543 = vector.broadcast %broadcast_in_dim3A_542 : f32 to vector<16xf32>
      %broadcast_in_dim3A_544 = arith.constant 0.000000e+00 : f32
      %broadcast_in_dim3A_545 = vector.broadcast %broadcast_in_dim3A_544 : f32 to vector<16xf32>
      %broadcast_in_dim3A_546 = arith.constant 0.000000e+00 : f32
      %broadcast_in_dim3A_547 = vector.broadcast %broadcast_in_dim3A_546 : f32 to vector<16xf32>
      %broadcast_in_dim3A_548 = arith.constant 0.000000e+00 : f32
      %broadcast_in_dim3A_549 = vector.broadcast %broadcast_in_dim3A_548 : f32 to vector<16xf32>
      %broadcast_in_dim3A_550 = arith.constant 0.000000e+00 : f32
      %broadcast_in_dim3A_551 = vector.broadcast %broadcast_in_dim3A_550 : f32 to vector<16xf32>
      %broadcast_in_dim3A_552 = arith.constant 0.000000e+00 : f32
      %broadcast_in_dim3A_553 = vector.broadcast %broadcast_in_dim3A_552 : f32 to vector<16xf32>
      %broadcast_in_dim3A_554 = arith.constant 0.000000e+00 : f32
      %broadcast_in_dim3A_555 = vector.broadcast %broadcast_in_dim3A_554 : f32 to vector<16xf32>
      %broadcast_in_dim3A_556 = arith.constant 0.000000e+00 : f32
      %broadcast_in_dim3A_557 = vector.broadcast %broadcast_in_dim3A_556 : f32 to vector<16xf32>
      %broadcast_in_dim3A_558 = arith.constant 0.000000e+00 : f32
      %broadcast_in_dim3A_559 = vector.broadcast %broadcast_in_dim3A_558 : f32 to vector<16xf32>
      %broadcast_in_dim3A_560 = arith.constant 0.000000e+00 : f32
      %broadcast_in_dim3A_561 = vector.broadcast %broadcast_in_dim3A_560 : f32 to vector<16xf32>
      %broadcast_in_dim3A_562 = arith.constant 0.000000e+00 : f32
      %broadcast_in_dim3A_563 = vector.broadcast %broadcast_in_dim3A_562 : f32 to vector<16xf32>
      %broadcast_in_dim3A_564 = arith.constant 0.000000e+00 : f32
      %broadcast_in_dim3A_565 = vector.broadcast %broadcast_in_dim3A_564 : f32 to vector<16xf32>
      %broadcast_in_dim3A_566 = arith.constant 0.000000e+00 : f32
      %broadcast_in_dim3A_567 = vector.broadcast %broadcast_in_dim3A_566 : f32 to vector<16xf32>
      %broadcast_in_dim3A_568 = arith.constant 0.000000e+00 : f32
      %broadcast_in_dim3A_569 = vector.broadcast %broadcast_in_dim3A_568 : f32 to vector<16xf32>
      %broadcast_in_dim3A_570 = arith.constant 0.000000e+00 : f32
      %broadcast_in_dim3A_571 = vector.broadcast %broadcast_in_dim3A_570 : f32 to vector<16xf32>
      %scan3A_572 = arith.constant 0 : i32
      %scan3A_573 = arith.constant 40 : i32
      %scan3A_574 = arith.addi %scan3A_572, %scan3A_573 : i32
      %scan3A_575 = arith.constant 1 : i32
      %scan3A_576:16 = scf.for %scan3A_667 = %scan3A_572 to %scan3A_574 step %scan3A_575 iter_args(%scan3A_668 = %broadcast_in_dim3A_541, %scan3A_669 = %broadcast_in_dim3A_543, %scan3A_670 = %broadcast_in_dim3A_545, %scan3A_671 = %broadcast_in_dim3A_547, %scan3A_672 = %broadcast_in_dim3A_549, %scan3A_673 = %broadcast_in_dim3A_551, %scan3A_674 = %broadcast_in_dim3A_553, %scan3A_675 = %broadcast_in_dim3A_555, %scan3A_676 = %broadcast_in_dim3A_557, %scan3A_677 = %broadcast_in_dim3A_559, %scan3A_678 = %broadcast_in_dim3A_561, %scan3A_679 = %broadcast_in_dim3A_563, %scan3A_680 = %broadcast_in_dim3A_565, %scan3A_681 = %broadcast_in_dim3A_567, %scan3A_682 = %broadcast_in_dim3A_569, %scan3A_683 = %broadcast_in_dim3A_571) -> (vector<16xf32>, vector<16xf32>, vector<16xf32>, vector<16xf32>, vector<16xf32>, vector<16xf32>, vector<16xf32>, vector<16xf32>, vector<16xf32>, vector<16xf32>, vector<16xf32>, vector<16xf32>, vector<16xf32>, vector<16xf32>, vector<16xf32>, vector<16xf32>)  : i32 {
        %get3A = arith.constant 3 : i32
        %get3A_684 = arith.index_cast %get3A : i32 to index
        %get3A_685 = arith.index_cast %scan3A_667 : i32 to index
        %get3A_686 = arith.constant 0 : index
        %get3A_687 = tpu.vector_load %arg9[%get3A_684, %get3A_685, %get3A_686] {strides = array<i32>} : memref<4x40x128xi32, #tpu.memory_space<vmem>>, vector<1x1x16xi32>,
        %get3A_688 = vector.shape_cast %get3A_687 : vector<1x1x16xi32> to vector<16xi32>
        %get3A_689 = arith.constant 3 : i32
        %get3A_690 = arith.index_cast %get3A_689 : i32 to index
        %get3A_691 = arith.index_cast %scan3A_667 : i32 to index
        %get3A_692 = arith.constant 0 : index
        %get3A_693 = tpu.vector_load %arg10[%get3A_690, %get3A_691, %get3A_692] {strides = array<i32>} : memref<4x40x128xi32, #tpu.memory_space<vmem>>, vector<1x1x16xi32>,
        %get3A_694 = vector.shape_cast %get3A_693 : vector<1x1x16xi32> to vector<16xi32>
        %shift_left3A = arith.constant 16 : i32
        %shift_left3A_695 = vector.broadcast %shift_left3A : i32 to vector<16xi32>
        %shift_left3A_696 = arith.shli %get3A_688, %shift_left3A_695 : vector<16xi32>
        %bitcast_convert_type3A = tpu.bitcast %shift_left3A_696 : vector<16xi32> -> vector<16xf32>
        %add3A_697 = arith.addf %scan3A_668, %bitcast_convert_type3A : vector<16xf32>
        %shift_left3A_698 = arith.constant 16 : i32
        %shift_left3A_699 = vector.broadcast %shift_left3A_698 : i32 to vector<16xi32>
        %shift_left3A_700 = arith.shli %get3A_694, %shift_left3A_699 : vector<16xi32>
        %bitcast_convert_type3A_701 = tpu.bitcast %shift_left3A_700 : vector<16xi32> -> vector<16xf32>
        %add3A_702 = arith.addf %add3A_697, %bitcast_convert_type3A_701 : vector<16xf32>
        %bitcast_convert_type3A_703 = tpu.bitcast %get3A_688 : vector<16xi32> -> vector<16xf32>
        %add3A_704 = arith.addf %scan3A_669, %bitcast_convert_type3A_703 : vector<16xf32>
        %bitcast_convert_type3A_705 = tpu.bitcast %get3A_694 : vector<16xi32> -> vector<16xf32>
        %add3A_706 = arith.addf %add3A_704, %bitcast_convert_type3A_705 : vector<16xf32>
        %get3A_707 = arith.constant 3 : i32
        %get3A_708 = arith.index_cast %get3A_707 : i32 to index
        %get3A_709 = arith.index_cast %scan3A_667 : i32 to index
        %get3A_710 = arith.constant 16 : index
        %get3A_711 = tpu.vector_load %arg9[%get3A_708, %get3A_709, %get3A_710] {strides = array<i32>} : memref<4x40x128xi32, #tpu.memory_space<vmem>>, vector<1x1x16xi32>,
        %get3A_712 = vector.shape_cast %get3A_711 : vector<1x1x16xi32> to vector<16xi32>
        %get3A_713 = arith.constant 3 : i32
        %get3A_714 = arith.index_cast %get3A_713 : i32 to index
        %get3A_715 = arith.index_cast %scan3A_667 : i32 to index
        %get3A_716 = arith.constant 16 : index
        %get3A_717 = tpu.vector_load %arg10[%get3A_714, %get3A_715, %get3A_716] {strides = array<i32>} : memref<4x40x128xi32, #tpu.memory_space<vmem>>, vector<1x1x16xi32>,
        %get3A_718 = vector.shape_cast %get3A_717 : vector<1x1x16xi32> to vector<16xi32>
        %shift_left3A_719 = arith.constant 16 : i32
        %shift_left3A_720 = vector.broadcast %shift_left3A_719 : i32 to vector<16xi32>
        %shift_left3A_721 = arith.shli %get3A_712, %shift_left3A_720 : vector<16xi32>
        %bitcast_convert_type3A_722 = tpu.bitcast %shift_left3A_721 : vector<16xi32> -> vector<16xf32>
        %add3A_723 = arith.addf %scan3A_670, %bitcast_convert_type3A_722 : vector<16xf32>
        %shift_left3A_724 = arith.constant 16 : i32
        %shift_left3A_725 = vector.broadcast %shift_left3A_724 : i32 to vector<16xi32>
        %shift_left3A_726 = arith.shli %get3A_718, %shift_left3A_725 : vector<16xi32>
        %bitcast_convert_type3A_727 = tpu.bitcast %shift_left3A_726 : vector<16xi32> -> vector<16xf32>
        %add3A_728 = arith.addf %add3A_723, %bitcast_convert_type3A_727 : vector<16xf32>
        %bitcast_convert_type3A_729 = tpu.bitcast %get3A_712 : vector<16xi32> -> vector<16xf32>
        %add3A_730 = arith.addf %scan3A_671, %bitcast_convert_type3A_729 : vector<16xf32>
        %bitcast_convert_type3A_731 = tpu.bitcast %get3A_718 : vector<16xi32> -> vector<16xf32>
        %add3A_732 = arith.addf %add3A_730, %bitcast_convert_type3A_731 : vector<16xf32>
        %get3A_733 = arith.constant 3 : i32
        %get3A_734 = arith.index_cast %get3A_733 : i32 to index
        %get3A_735 = arith.index_cast %scan3A_667 : i32 to index
        %get3A_736 = arith.constant 32 : index
        %get3A_737 = tpu.vector_load %arg9[%get3A_734, %get3A_735, %get3A_736] {strides = array<i32>} : memref<4x40x128xi32, #tpu.memory_space<vmem>>, vector<1x1x16xi32>,
        %get3A_738 = vector.shape_cast %get3A_737 : vector<1x1x16xi32> to vector<16xi32>
        %get3A_739 = arith.constant 3 : i32
        %get3A_740 = arith.index_cast %get3A_739 : i32 to index
        %get3A_741 = arith.index_cast %scan3A_667 : i32 to index
        %get3A_742 = arith.constant 32 : index
        %get3A_743 = tpu.vector_load %arg10[%get3A_740, %get3A_741, %get3A_742] {strides = array<i32>} : memref<4x40x128xi32, #tpu.memory_space<vmem>>, vector<1x1x16xi32>,
        %get3A_744 = vector.shape_cast %get3A_743 : vector<1x1x16xi32> to vector<16xi32>
        %shift_left3A_745 = arith.constant 16 : i32
        %shift_left3A_746 = vector.broadcast %shift_left3A_745 : i32 to vector<16xi32>
        %shift_left3A_747 = arith.shli %get3A_738, %shift_left3A_746 : vector<16xi32>
        %bitcast_convert_type3A_748 = tpu.bitcast %shift_left3A_747 : vector<16xi32> -> vector<16xf32>
        %add3A_749 = arith.addf %scan3A_672, %bitcast_convert_type3A_748 : vector<16xf32>
        %shift_left3A_750 = arith.constant 16 : i32
        %shift_left3A_751 = vector.broadcast %shift_left3A_750 : i32 to vector<16xi32>
        %shift_left3A_752 = arith.shli %get3A_744, %shift_left3A_751 : vector<16xi32>
        %bitcast_convert_type3A_753 = tpu.bitcast %shift_left3A_752 : vector<16xi32> -> vector<16xf32>
        %add3A_754 = arith.addf %add3A_749, %bitcast_convert_type3A_753 : vector<16xf32>
        %bitcast_convert_type3A_755 = tpu.bitcast %get3A_738 : vector<16xi32> -> vector<16xf32>
        %add3A_756 = arith.addf %scan3A_673, %bitcast_convert_type3A_755 : vector<16xf32>
        %bitcast_convert_type3A_757 = tpu.bitcast %get3A_744 : vector<16xi32> -> vector<16xf32>
        %add3A_758 = arith.addf %add3A_756, %bitcast_convert_type3A_757 : vector<16xf32>
        %get3A_759 = arith.constant 3 : i32
        %get3A_760 = arith.index_cast %get3A_759 : i32 to index
        %get3A_761 = arith.index_cast %scan3A_667 : i32 to index
        %get3A_762 = arith.constant 48 : index
        %get3A_763 = tpu.vector_load %arg9[%get3A_760, %get3A_761, %get3A_762] {strides = array<i32>} : memref<4x40x128xi32, #tpu.memory_space<vmem>>, vector<1x1x16xi32>,
        %get3A_764 = vector.shape_cast %get3A_763 : vector<1x1x16xi32> to vector<16xi32>
        %get3A_765 = arith.constant 3 : i32
        %get3A_766 = arith.index_cast %get3A_765 : i32 to index
        %get3A_767 = arith.index_cast %scan3A_667 : i32 to index
        %get3A_768 = arith.constant 48 : index
        %get3A_769 = tpu.vector_load %arg10[%get3A_766, %get3A_767, %get3A_768] {strides = array<i32>} : memref<4x40x128xi32, #tpu.memory_space<vmem>>, vector<1x1x16xi32>,
        %get3A_770 = vector.shape_cast %get3A_769 : vector<1x1x16xi32> to vector<16xi32>
        %shift_left3A_771 = arith.constant 16 : i32
        %shift_left3A_772 = vector.broadcast %shift_left3A_771 : i32 to vector<16xi32>
        %shift_left3A_773 = arith.shli %get3A_764, %shift_left3A_772 : vector<16xi32>
        %bitcast_convert_type3A_774 = tpu.bitcast %shift_left3A_773 : vector<16xi32> -> vector<16xf32>
        %add3A_775 = arith.addf %scan3A_674, %bitcast_convert_type3A_774 : vector<16xf32>
        %shift_left3A_776 = arith.constant 16 : i32
        %shift_left3A_777 = vector.broadcast %shift_left3A_776 : i32 to vector<16xi32>
        %shift_left3A_778 = arith.shli %get3A_770, %shift_left3A_777 : vector<16xi32>
        %bitcast_convert_type3A_779 = tpu.bitcast %shift_left3A_778 : vector<16xi32> -> vector<16xf32>
        %add3A_780 = arith.addf %add3A_775, %bitcast_convert_type3A_779 : vector<16xf32>
        %bitcast_convert_type3A_781 = tpu.bitcast %get3A_764 : vector<16xi32> -> vector<16xf32>
        %add3A_782 = arith.addf %scan3A_675, %bitcast_convert_type3A_781 : vector<16xf32>
        %bitcast_convert_type3A_783 = tpu.bitcast %get3A_770 : vector<16xi32> -> vector<16xf32>
        %add3A_784 = arith.addf %add3A_782, %bitcast_convert_type3A_783 : vector<16xf32>
        %get3A_785 = arith.constant 3 : i32
        %get3A_786 = arith.index_cast %get3A_785 : i32 to index
        %get3A_787 = arith.index_cast %scan3A_667 : i32 to index
        %get3A_788 = arith.constant 64 : index
        %get3A_789 = tpu.vector_load %arg9[%get3A_786, %get3A_787, %get3A_788] {strides = array<i32>} : memref<4x40x128xi32, #tpu.memory_space<vmem>>, vector<1x1x16xi32>,
        %get3A_790 = vector.shape_cast %get3A_789 : vector<1x1x16xi32> to vector<16xi32>
        %get3A_791 = arith.constant 3 : i32
        %get3A_792 = arith.index_cast %get3A_791 : i32 to index
        %get3A_793 = arith.index_cast %scan3A_667 : i32 to index
        %get3A_794 = arith.constant 64 : index
        %get3A_795 = tpu.vector_load %arg10[%get3A_792, %get3A_793, %get3A_794] {strides = array<i32>} : memref<4x40x128xi32, #tpu.memory_space<vmem>>, vector<1x1x16xi32>,
        %get3A_796 = vector.shape_cast %get3A_795 : vector<1x1x16xi32> to vector<16xi32>
        %shift_left3A_797 = arith.constant 16 : i32
        %shift_left3A_798 = vector.broadcast %shift_left3A_797 : i32 to vector<16xi32>
        %shift_left3A_799 = arith.shli %get3A_790, %shift_left3A_798 : vector<16xi32>
        %bitcast_convert_type3A_800 = tpu.bitcast %shift_left3A_799 : vector<16xi32> -> vector<16xf32>
        %add3A_801 = arith.addf %scan3A_676, %bitcast_convert_type3A_800 : vector<16xf32>
        %shift_left3A_802 = arith.constant 16 : i32
        %shift_left3A_803 = vector.broadcast %shift_left3A_802 : i32 to vector<16xi32>
        %shift_left3A_804 = arith.shli %get3A_796, %shift_left3A_803 : vector<16xi32>
        %bitcast_convert_type3A_805 = tpu.bitcast %shift_left3A_804 : vector<16xi32> -> vector<16xf32>
        %add3A_806 = arith.addf %add3A_801, %bitcast_convert_type3A_805 : vector<16xf32>
        %bitcast_convert_type3A_807 = tpu.bitcast %get3A_790 : vector<16xi32> -> vector<16xf32>
        %add3A_808 = arith.addf %scan3A_677, %bitcast_convert_type3A_807 : vector<16xf32>
        %bitcast_convert_type3A_809 = tpu.bitcast %get3A_796 : vector<16xi32> -> vector<16xf32>
        %add3A_810 = arith.addf %add3A_808, %bitcast_convert_type3A_809 : vector<16xf32>
        %get3A_811 = arith.constant 3 : i32
        %get3A_812 = arith.index_cast %get3A_811 : i32 to index
        %get3A_813 = arith.index_cast %scan3A_667 : i32 to index
        %get3A_814 = arith.constant 80 : index
        %get3A_815 = tpu.vector_load %arg9[%get3A_812, %get3A_813, %get3A_814] {strides = array<i32>} : memref<4x40x128xi32, #tpu.memory_space<vmem>>, vector<1x1x16xi32>,
        %get3A_816 = vector.shape_cast %get3A_815 : vector<1x1x16xi32> to vector<16xi32>
        %get3A_817 = arith.constant 3 : i32
        %get3A_818 = arith.index_cast %get3A_817 : i32 to index
        %get3A_819 = arith.index_cast %scan3A_667 : i32 to index
        %get3A_820 = arith.constant 80 : index
        %get3A_821 = tpu.vector_load %arg10[%get3A_818, %get3A_819, %get3A_820] {strides = array<i32>} : memref<4x40x128xi32, #tpu.memory_space<vmem>>, vector<1x1x16xi32>,
        %get3A_822 = vector.shape_cast %get3A_821 : vector<1x1x16xi32> to vector<16xi32>
        %shift_left3A_823 = arith.constant 16 : i32
        %shift_left3A_824 = vector.broadcast %shift_left3A_823 : i32 to vector<16xi32>
        %shift_left3A_825 = arith.shli %get3A_816, %shift_left3A_824 : vector<16xi32>
        %bitcast_convert_type3A_826 = tpu.bitcast %shift_left3A_825 : vector<16xi32> -> vector<16xf32>
        %add3A_827 = arith.addf %scan3A_678, %bitcast_convert_type3A_826 : vector<16xf32>
        %shift_left3A_828 = arith.constant 16 : i32
        %shift_left3A_829 = vector.broadcast %shift_left3A_828 : i32 to vector<16xi32>
        %shift_left3A_830 = arith.shli %get3A_822, %shift_left3A_829 : vector<16xi32>
        %bitcast_convert_type3A_831 = tpu.bitcast %shift_left3A_830 : vector<16xi32> -> vector<16xf32>
        %add3A_832 = arith.addf %add3A_827, %bitcast_convert_type3A_831 : vector<16xf32>
        %bitcast_convert_type3A_833 = tpu.bitcast %get3A_816 : vector<16xi32> -> vector<16xf32>
        %add3A_834 = arith.addf %scan3A_679, %bitcast_convert_type3A_833 : vector<16xf32>
        %bitcast_convert_type3A_835 = tpu.bitcast %get3A_822 : vector<16xi32> -> vector<16xf32>
        %add3A_836 = arith.addf %add3A_834, %bitcast_convert_type3A_835 : vector<16xf32>
        %get3A_837 = arith.constant 3 : i32
        %get3A_838 = arith.index_cast %get3A_837 : i32 to index
        %get3A_839 = arith.index_cast %scan3A_667 : i32 to index
        %get3A_840 = arith.constant 96 : index
        %get3A_841 = tpu.vector_load %arg9[%get3A_838, %get3A_839, %get3A_840] {strides = array<i32>} : memref<4x40x128xi32, #tpu.memory_space<vmem>>, vector<1x1x16xi32>,
        %get3A_842 = vector.shape_cast %get3A_841 : vector<1x1x16xi32> to vector<16xi32>
        %get3A_843 = arith.constant 3 : i32
        %get3A_844 = arith.index_cast %get3A_843 : i32 to index
        %get3A_845 = arith.index_cast %scan3A_667 : i32 to index
        %get3A_846 = arith.constant 96 : index
        %get3A_847 = tpu.vector_load %arg10[%get3A_844, %get3A_845, %get3A_846] {strides = array<i32>} : memref<4x40x128xi32, #tpu.memory_space<vmem>>, vector<1x1x16xi32>,
        %get3A_848 = vector.shape_cast %get3A_847 : vector<1x1x16xi32> to vector<16xi32>
        %shift_left3A_849 = arith.constant 16 : i32
        %shift_left3A_850 = vector.broadcast %shift_left3A_849 : i32 to vector<16xi32>
        %shift_left3A_851 = arith.shli %get3A_842, %shift_left3A_850 : vector<16xi32>
        %bitcast_convert_type3A_852 = tpu.bitcast %shift_left3A_851 : vector<16xi32> -> vector<16xf32>
        %add3A_853 = arith.addf %scan3A_680, %bitcast_convert_type3A_852 : vector<16xf32>
        %shift_left3A_854 = arith.constant 16 : i32
        %shift_left3A_855 = vector.broadcast %shift_left3A_854 : i32 to vector<16xi32>
        %shift_left3A_856 = arith.shli %get3A_848, %shift_left3A_855 : vector<16xi32>
        %bitcast_convert_type3A_857 = tpu.bitcast %shift_left3A_856 : vector<16xi32> -> vector<16xf32>
        %add3A_858 = arith.addf %add3A_853, %bitcast_convert_type3A_857 : vector<16xf32>
        %bitcast_convert_type3A_859 = tpu.bitcast %get3A_842 : vector<16xi32> -> vector<16xf32>
        %add3A_860 = arith.addf %scan3A_681, %bitcast_convert_type3A_859 : vector<16xf32>
        %bitcast_convert_type3A_861 = tpu.bitcast %get3A_848 : vector<16xi32> -> vector<16xf32>
        %add3A_862 = arith.addf %add3A_860, %bitcast_convert_type3A_861 : vector<16xf32>
        %get3A_863 = arith.constant 3 : i32
        %get3A_864 = arith.index_cast %get3A_863 : i32 to index
        %get3A_865 = arith.index_cast %scan3A_667 : i32 to index
        %get3A_866 = arith.constant 112 : index
        %get3A_867 = tpu.vector_load %arg9[%get3A_864, %get3A_865, %get3A_866] {strides = array<i32>} : memref<4x40x128xi32, #tpu.memory_space<vmem>>, vector<1x1x16xi32>,
        %get3A_868 = vector.shape_cast %get3A_867 : vector<1x1x16xi32> to vector<16xi32>
        %get3A_869 = arith.constant 3 : i32
        %get3A_870 = arith.index_cast %get3A_869 : i32 to index
        %get3A_871 = arith.index_cast %scan3A_667 : i32 to index
        %get3A_872 = arith.constant 112 : index
        %get3A_873 = tpu.vector_load %arg10[%get3A_870, %get3A_871, %get3A_872] {strides = array<i32>} : memref<4x40x128xi32, #tpu.memory_space<vmem>>, vector<1x1x16xi32>,
        %get3A_874 = vector.shape_cast %get3A_873 : vector<1x1x16xi32> to vector<16xi32>
        %shift_left3A_875 = arith.constant 16 : i32
        %shift_left3A_876 = vector.broadcast %shift_left3A_875 : i32 to vector<16xi32>
        %shift_left3A_877 = arith.shli %get3A_868, %shift_left3A_876 : vector<16xi32>
        %bitcast_convert_type3A_878 = tpu.bitcast %shift_left3A_877 : vector<16xi32> -> vector<16xf32>
        %add3A_879 = arith.addf %scan3A_682, %bitcast_convert_type3A_878 : vector<16xf32>
        %shift_left3A_880 = arith.constant 16 : i32
        %shift_left3A_881 = vector.broadcast %shift_left3A_880 : i32 to vector<16xi32>
        %shift_left3A_882 = arith.shli %get3A_874, %shift_left3A_881 : vector<16xi32>
        %bitcast_convert_type3A_883 = tpu.bitcast %shift_left3A_882 : vector<16xi32> -> vector<16xf32>
        %add3A_884 = arith.addf %add3A_879, %bitcast_convert_type3A_883 : vector<16xf32>
        %bitcast_convert_type3A_885 = tpu.bitcast %get3A_868 : vector<16xi32> -> vector<16xf32>
        %add3A_886 = arith.addf %scan3A_683, %bitcast_convert_type3A_885 : vector<16xf32>
        %bitcast_convert_type3A_887 = tpu.bitcast %get3A_874 : vector<16xi32> -> vector<16xf32>
        %add3A_888 = arith.addf %add3A_886, %bitcast_convert_type3A_887 : vector<16xf32>
        scf.yield %add3A_702, %add3A_706, %add3A_728, %add3A_732, %add3A_754, %add3A_758, %add3A_780, %add3A_784, %add3A_806, %add3A_810, %add3A_832, %add3A_836, %add3A_858, %add3A_862, %add3A_884, %add3A_888 : vector<16xf32>, vector<16xf32>, vector<16xf32>, vector<16xf32>, vector<16xf32>, vector<16xf32>, vector<16xf32>, vector<16xf32>, vector<16xf32>, vector<16xf32>, vector<16xf32>, vector<16xf32>, vector<16xf32>, vector<16xf32>, vector<16xf32>, vector<16xf32>
      }
      %scan3A_577 = arith.constant 40 : i32
      %swap3A_578 = arith.index_cast %add3A_519 : i32 to index
      %swap3A_579 = arith.constant 0 : index
      %swap3A_580 = tpu.vector_load %arg11[%swap3A_578, %swap3A_579] {strides = array<i32>} : memref<80x256xf32, #tpu.memory_space<vmem>>, vector<1x16xf32>,
      %swap3A_581 = vector.shape_cast %swap3A_580 : vector<1x16xf32> to vector<16xf32>
      %swap3A_582 = vector.shape_cast %scan3A_576#0 : vector<16xf32> to vector<1x16xf32>
      tpu.vector_store %arg11[%swap3A_578, %swap3A_579], %swap3A_582 {strides = array<i32>} : memref<80x256xf32, #tpu.memory_space<vmem>>, vector<1x16xf32>,
      %swap3A_583 = arith.index_cast %add3A_519 : i32 to index
      %swap3A_584 = arith.constant 16 : index
      %swap3A_585 = tpu.vector_load %arg11[%swap3A_583, %swap3A_584] {strides = array<i32>} : memref<80x256xf32, #tpu.memory_space<vmem>>, vector<1x16xf32>,
      %swap3A_586 = vector.shape_cast %swap3A_585 : vector<1x16xf32> to vector<16xf32>
      %swap3A_587 = vector.shape_cast %scan3A_576#1 : vector<16xf32> to vector<1x16xf32>
      tpu.vector_store %arg11[%swap3A_583, %swap3A_584], %swap3A_587 {strides = array<i32>} : memref<80x256xf32, #tpu.memory_space<vmem>>, vector<1x16xf32>,
      %swap3A_588 = arith.index_cast %add3A_519 : i32 to index
      %swap3A_589 = arith.constant 32 : index
      %swap3A_590 = tpu.vector_load %arg11[%swap3A_588, %swap3A_589] {strides = array<i32>} : memref<80x256xf32, #tpu.memory_space<vmem>>, vector<1x16xf32>,
      %swap3A_591 = vector.shape_cast %swap3A_590 : vector<1x16xf32> to vector<16xf32>
      %swap3A_592 = vector.shape_cast %scan3A_576#2 : vector<16xf32> to vector<1x16xf32>
      tpu.vector_store %arg11[%swap3A_588, %swap3A_589], %swap3A_592 {strides = array<i32>} : memref<80x256xf32, #tpu.memory_space<vmem>>, vector<1x16xf32>,
      %swap3A_593 = arith.index_cast %add3A_519 : i32 to index
      %swap3A_594 = arith.constant 48 : index
      %swap3A_595 = tpu.vector_load %arg11[%swap3A_593, %swap3A_594] {strides = array<i32>} : memref<80x256xf32, #tpu.memory_space<vmem>>, vector<1x16xf32>,
      %swap3A_596 = vector.shape_cast %swap3A_595 : vector<1x16xf32> to vector<16xf32>
      %swap3A_597 = vector.shape_cast %scan3A_576#3 : vector<16xf32> to vector<1x16xf32>
      tpu.vector_store %arg11[%swap3A_593, %swap3A_594], %swap3A_597 {strides = array<i32>} : memref<80x256xf32, #tpu.memory_space<vmem>>, vector<1x16xf32>,
      %swap3A_598 = arith.index_cast %add3A_519 : i32 to index
      %swap3A_599 = arith.constant 64 : index
      %swap3A_600 = tpu.vector_load %arg11[%swap3A_598, %swap3A_599] {strides = array<i32>} : memref<80x256xf32, #tpu.memory_space<vmem>>, vector<1x16xf32>,
      %swap3A_601 = vector.shape_cast %swap3A_600 : vector<1x16xf32> to vector<16xf32>
      %swap3A_602 = vector.shape_cast %scan3A_576#4 : vector<16xf32> to vector<1x16xf32>
      tpu.vector_store %arg11[%swap3A_598, %swap3A_599], %swap3A_602 {strides = array<i32>} : memref<80x256xf32, #tpu.memory_space<vmem>>, vector<1x16xf32>,
      %swap3A_603 = arith.index_cast %add3A_519 : i32 to index
      %swap3A_604 = arith.constant 80 : index
      %swap3A_605 = tpu.vector_load %arg11[%swap3A_603, %swap3A_604] {strides = array<i32>} : memref<80x256xf32, #tpu.memory_space<vmem>>, vector<1x16xf32>,
      %swap3A_606 = vector.shape_cast %swap3A_605 : vector<1x16xf32> to vector<16xf32>
      %swap3A_607 = vector.shape_cast %scan3A_576#5 : vector<16xf32> to vector<1x16xf32>
      tpu.vector_store %arg11[%swap3A_603, %swap3A_604], %swap3A_607 {strides = array<i32>} : memref<80x256xf32, #tpu.memory_space<vmem>>, vector<1x16xf32>,
      %swap3A_608 = arith.index_cast %add3A_519 : i32 to index
      %swap3A_609 = arith.constant 96 : index
      %swap3A_610 = tpu.vector_load %arg11[%swap3A_608, %swap3A_609] {strides = array<i32>} : memref<80x256xf32, #tpu.memory_space<vmem>>, vector<1x16xf32>,
      %swap3A_611 = vector.shape_cast %swap3A_610 : vector<1x16xf32> to vector<16xf32>
      %swap3A_612 = vector.shape_cast %scan3A_576#6 : vector<16xf32> to vector<1x16xf32>
      tpu.vector_store %arg11[%swap3A_608, %swap3A_609], %swap3A_612 {strides = array<i32>} : memref<80x256xf32, #tpu.memory_space<vmem>>, vector<1x16xf32>,
      %swap3A_613 = arith.index_cast %add3A_519 : i32 to index
      %swap3A_614 = arith.constant 112 : index
      %swap3A_615 = tpu.vector_load %arg11[%swap3A_613, %swap3A_614] {strides = array<i32>} : memref<80x256xf32, #tpu.memory_space<vmem>>, vector<1x16xf32>,
      %swap3A_616 = vector.shape_cast %swap3A_615 : vector<1x16xf32> to vector<16xf32>
      %swap3A_617 = vector.shape_cast %scan3A_576#7 : vector<16xf32> to vector<1x16xf32>
      tpu.vector_store %arg11[%swap3A_613, %swap3A_614], %swap3A_617 {strides = array<i32>} : memref<80x256xf32, #tpu.memory_space<vmem>>, vector<1x16xf32>,
      %swap3A_618 = arith.index_cast %add3A_519 : i32 to index
      %swap3A_619 = arith.constant 128 : index
      %swap3A_620 = tpu.vector_load %arg11[%swap3A_618, %swap3A_619] {strides = array<i32>} : memref<80x256xf32, #tpu.memory_space<vmem>>, vector<1x16xf32>,
      %swap3A_621 = vector.shape_cast %swap3A_620 : vector<1x16xf32> to vector<16xf32>
      %swap3A_622 = vector.shape_cast %scan3A_576#8 : vector<16xf32> to vector<1x16xf32>
      tpu.vector_store %arg11[%swap3A_618, %swap3A_619], %swap3A_622 {strides = array<i32>} : memref<80x256xf32, #tpu.memory_space<vmem>>, vector<1x16xf32>,
      %swap3A_623 = arith.index_cast %add3A_519 : i32 to index
      %swap3A_624 = arith.constant 144 : index
      %swap3A_625 = tpu.vector_load %arg11[%swap3A_623, %swap3A_624] {strides = array<i32>} : memref<80x256xf32, #tpu.memory_space<vmem>>, vector<1x16xf32>,
      %swap3A_626 = vector.shape_cast %swap3A_625 : vector<1x16xf32> to vector<16xf32>
      %swap3A_627 = vector.shape_cast %scan3A_576#9 : vector<16xf32> to vector<1x16xf32>
      tpu.vector_store %arg11[%swap3A_623, %swap3A_624], %swap3A_627 {strides = array<i32>} : memref<80x256xf32, #tpu.memory_space<vmem>>, vector<1x16xf32>,
      %swap3A_628 = arith.index_cast %add3A_519 : i32 to index
      %swap3A_629 = arith.constant 160 : index
      %swap3A_630 = tpu.vector_load %arg11[%swap3A_628, %swap3A_629] {strides = array<i32>} : memref<80x256xf32, #tpu.memory_space<vmem>>, vector<1x16xf32>,
      %swap3A_631 = vector.shape_cast %swap3A_630 : vector<1x16xf32> to vector<16xf32>
      %swap3A_632 = vector.shape_cast %scan3A_576#10 : vector<16xf32> to vector<1x16xf32>
      tpu.vector_store %arg11[%swap3A_628, %swap3A_629], %swap3A_632 {strides = array<i32>} : memref<80x256xf32, #tpu.memory_space<vmem>>, vector<1x16xf32>,
      %swap3A_633 = arith.index_cast %add3A_519 : i32 to index
      %swap3A_634 = arith.constant 176 : index
      %swap3A_635 = tpu.vector_load %arg11[%swap3A_633, %swap3A_634] {strides = array<i32>} : memref<80x256xf32, #tpu.memory_space<vmem>>, vector<1x16xf32>,
      %swap3A_636 = vector.shape_cast %swap3A_635 : vector<1x16xf32> to vector<16xf32>
      %swap3A_637 = vector.shape_cast %scan3A_576#11 : vector<16xf32> to vector<1x16xf32>
      tpu.vector_store %arg11[%swap3A_633, %swap3A_634], %swap3A_637 {strides = array<i32>} : memref<80x256xf32, #tpu.memory_space<vmem>>, vector<1x16xf32>,
      %swap3A_638 = arith.index_cast %add3A_519 : i32 to index
      %swap3A_639 = arith.constant 192 : index
      %swap3A_640 = tpu.vector_load %arg11[%swap3A_638, %swap3A_639] {strides = array<i32>} : memref<80x256xf32, #tpu.memory_space<vmem>>, vector<1x16xf32>,
      %swap3A_641 = vector.shape_cast %swap3A_640 : vector<1x16xf32> to vector<16xf32>
      %swap3A_642 = vector.shape_cast %scan3A_576#12 : vector<16xf32> to vector<1x16xf32>
      tpu.vector_store %arg11[%swap3A_638, %swap3A_639], %swap3A_642 {strides = array<i32>} : memref<80x256xf32, #tpu.memory_space<vmem>>, vector<1x16xf32>,
      %swap3A_643 = arith.index_cast %add3A_519 : i32 to index
      %swap3A_644 = arith.constant 208 : index
      %swap3A_645 = tpu.vector_load %arg11[%swap3A_643, %swap3A_644] {strides = array<i32>} : memref<80x256xf32, #tpu.memory_space<vmem>>, vector<1x16xf32>,
      %swap3A_646 = vector.shape_cast %swap3A_645 : vector<1x16xf32> to vector<16xf32>
      %swap3A_647 = vector.shape_cast %scan3A_576#13 : vector<16xf32> to vector<1x16xf32>
      tpu.vector_store %arg11[%swap3A_643, %swap3A_644], %swap3A_647 {strides = array<i32>} : memref<80x256xf32, #tpu.memory_space<vmem>>, vector<1x16xf32>,
      %swap3A_648 = arith.index_cast %add3A_519 : i32 to index
      %swap3A_649 = arith.constant 224 : index
      %swap3A_650 = tpu.vector_load %arg11[%swap3A_648, %swap3A_649] {strides = array<i32>} : memref<80x256xf32, #tpu.memory_space<vmem>>, vector<1x16xf32>,
      %swap3A_651 = vector.shape_cast %swap3A_650 : vector<1x16xf32> to vector<16xf32>
      %swap3A_652 = vector.shape_cast %scan3A_576#14 : vector<16xf32> to vector<1x16xf32>
      tpu.vector_store %arg11[%swap3A_648, %swap3A_649], %swap3A_652 {strides = array<i32>} : memref<80x256xf32, #tpu.memory_space<vmem>>, vector<1x16xf32>,
      %swap3A_653 = arith.index_cast %add3A_519 : i32 to index
      %swap3A_654 = arith.constant 240 : index
      %swap3A_655 = tpu.vector_load %arg11[%swap3A_653, %swap3A_654] {strides = array<i32>} : memref<80x256xf32, #tpu.memory_space<vmem>>, vector<1x16xf32>,
      %swap3A_656 = vector.shape_cast %swap3A_655 : vector<1x16xf32> to vector<16xf32>
      %swap3A_657 = vector.shape_cast %scan3A_576#15 : vector<16xf32> to vector<1x16xf32>
      tpu.vector_store %arg11[%swap3A_653, %swap3A_654], %swap3A_657 {strides = array<i32>} : memref<80x256xf32, #tpu.memory_space<vmem>>, vector<1x16xf32>,
      %add3A_658 = arith.constant 4 : i32
      %add3A_659 = arith.addi %add3A_519, %add3A_658 : i32
      %sub3A_660 = arith.constant 1 : i32
      %sub3A_661 = arith.subi %add3A_659, %sub3A_660 : i32
      %lt3A_662 = arith.constant 80 : i32
      %lt3A_663 = arith.cmpi slt, %sub3A_661, %lt3A_662 : i32
      %convert_element_type3A_664 = arith.extui %lt3A_663 : i1 to i32
      %cond3A_665 = arith.constant 0 : i32
      %cond3A_666 = arith.cmpi ne, %convert_element_type3A_664, %cond3A_665 : i32
      scf.if %cond3A_666 {
        %mul3A_667 = arith.constant 40 : i32
        %mul3A_668 = arith.muli %sub3A_661, %mul3A_667 : i32
        %dma_start3A_669 = arith.constant 2 : i32
        %dma_start3A_670 = arith.constant 0 : i32
        %dma_start3A_671 = arith.constant 0 : i32
        %dma_start3A_672 = tpu.memref_slice %arg9[%dma_start3A_669, %dma_start3A_670, %dma_start3A_671] : memref<4x40x128xi32, #tpu.memory_space<vmem>> -> memref<1x40x128xi32, #tpu.memory_space<vmem>>
        %dma_start3A_673 = tpu.memref_squeeze %dma_start3A_672 : memref<1x40x128xi32, #tpu.memory_space<vmem>> -> memref<40x128xi32, #tpu.memory_space<vmem>>
        %dma_start3A_674 = tpu.memref_slice %arg7[%mul3A_668] : memref<3200xi32, #tpu.memory_space<vmem>> -> memref<40xi32, #tpu.memory_space<vmem>>
        %dma_start3A_675 = arith.constant 0 : i32
        %dma_start3A_676 = arith.constant 0 : i32
        %dma_start3A_677 = tpu.memref_slice %arg4[%dma_start3A_675, %dma_start3A_676] : memref<4881x128xi32, #tpu.memory_space<hbm>> -> memref<4881x128xi32, #tpu.memory_space<hbm>>
        tpu.enqueue_indirect_dma source(%dma_start3A_677 : memref<4881x128xi32, #tpu.memory_space<hbm>>) target(%dma_start3A_673 : memref<40x128xi32, #tpu.memory_space<vmem>>) offsets(%dma_start3A_674 : memref<40xi32, #tpu.memory_space<vmem>>) semaphore(%arg16 : memref<!tpu.dma_semaphore, #tpu.memory_space<semaphore_mem>>)
        %mul3A_678 = arith.constant 40 : i32
        %mul3A_679 = arith.muli %sub3A_661, %mul3A_678 : i32
        %dma_start3A_680 = arith.constant 2 : i32
        %dma_start3A_681 = arith.constant 0 : i32
        %dma_start3A_682 = arith.constant 0 : i32
        %dma_start3A_683 = tpu.memref_slice %arg10[%dma_start3A_680, %dma_start3A_681, %dma_start3A_682] : memref<4x40x128xi32, #tpu.memory_space<vmem>> -> memref<1x40x128xi32, #tpu.memory_space<vmem>>
        %dma_start3A_684 = tpu.memref_squeeze %dma_start3A_683 : memref<1x40x128xi32, #tpu.memory_space<vmem>> -> memref<40x128xi32, #tpu.memory_space<vmem>>
        %dma_start3A_685 = tpu.memref_slice %arg8[%mul3A_679] : memref<3200xi32, #tpu.memory_space<vmem>> -> memref<40xi32, #tpu.memory_space<vmem>>
        %dma_start3A_686 = arith.constant 0 : i32
        %dma_start3A_687 = arith.constant 0 : i32
        %dma_start3A_688 = tpu.memref_slice %arg5[%dma_start3A_686, %dma_start3A_687] : memref<3001x128xi32, #tpu.memory_space<hbm>> -> memref<3001x128xi32, #tpu.memory_space<hbm>>
        tpu.enqueue_indirect_dma source(%dma_start3A_688 : memref<3001x128xi32, #tpu.memory_space<hbm>>) target(%dma_start3A_684 : memref<40x128xi32, #tpu.memory_space<vmem>>) offsets(%dma_start3A_685 : memref<40xi32, #tpu.memory_space<vmem>>) semaphore(%arg17 : memref<!tpu.dma_semaphore, #tpu.memory_space<semaphore_mem>>)
      } else {
      }
    }
    %scan3A_72 = arith.constant 20 : i32
    %mul3A_73 = arith.constant 80 : i32
    %mul3A_74 = arith.muli %add3A, %mul3A_73 : i32
    "tpu.region"() ({
      %run_scoped3A = tpu.sem_alloc : memref<!tpu.dma_semaphore, #tpu.memory_space<semaphore_mem>>
      %dma_start3A_75 = arith.constant 0 : i32
      %dma_start3A_76 = tpu.memref_slice %arg6[%mul3A_74, %dma_start3A_75] : memref<2560x256xf32, #tpu.memory_space<hbm>> -> memref<80x256xf32, #tpu.memory_space<hbm>>
      %dma_start3A_77 = arith.constant 0 : i32
      %dma_start3A_78 = tpu.memref_slice %arg6[%mul3A_74, %dma_start3A_77] : memref<2560x256xf32, #tpu.memory_space<hbm>> -> memref<80x256xf32, #tpu.memory_space<hbm>>
      tpu.enqueue_dma source(%arg11 : memref<80x256xf32, #tpu.memory_space<vmem>>) target(%dma_start3A_78 : memref<80x256xf32, #tpu.memory_space<hbm>>) target_semaphore(%run_scoped3A : memref<!tpu.dma_semaphore, #tpu.memory_space<semaphore_mem>>)
      %dma_wait3A = arith.constant 0 : i32
      %dma_wait3A_79 = tpu.memref_slice %arg6[%mul3A_74, %dma_wait3A] : memref<2560x256xf32, #tpu.memory_space<hbm>> -> memref<80x256xf32, #tpu.memory_space<hbm>>
      %dma_wait3A_80 = arith.constant 0 : i32
      %dma_wait3A_81 = tpu.memref_slice %arg6[%mul3A_74, %dma_wait3A_80] : memref<2560x256xf32, #tpu.memory_space<hbm>> -> memref<80x256xf32, #tpu.memory_space<hbm>>
      tpu.wait_dma2 semaphore(%run_scoped3A : memref<!tpu.dma_semaphore, #tpu.memory_space<semaphore_mem>>) src(%arg11 : memref<80x256xf32, #tpu.memory_space<vmem>>) dst(%dma_wait3A_81 : memref<80x256xf32, #tpu.memory_space<hbm>>)
      tpu.yield
    }) : () -> ()
    return
  }
}

module attributes {stable_mosaic.version = 14 : i64} {
  func.func @_pack_body(%arg0: memref<4881x256xf32, #tpu.memory_space<vmem>>, %arg1: memref<256x128xf32, #tpu.memory_space<vmem>>, %arg2: memref<256x128xf32, #tpu.memory_space<vmem>>, %arg3: memref<4881x128xi32, #tpu.memory_space<vmem>>) attributes {dimension_semantics = [], scalar_prefetch = 0 : i64, scratch_operands = 0 : i64, tpu.core_type = #tpu.core_type<tc>} {
    %get3A = arith.constant 0 : index
    %get3A_0 = arith.constant 0 : index
    %get3A_1 = vector.load %arg0[%get3A, %get3A_0] : memref<4881x256xf32, #tpu.memory_space<vmem>>, vector<4881x256xf32>
    %get3A_2 = arith.constant 0 : index
    %get3A_3 = arith.constant 0 : index
    %get3A_4 = vector.load %arg1[%get3A_2, %get3A_3] : memref<256x128xf32, #tpu.memory_space<vmem>>, vector<256x128xf32>
    %dot_general3A = arith.constant dense<0.000000e+00> : vector<4881x128xf32>
    %dot_general3A_5 = tpu.matmul %get3A_1, %get3A_4, %dot_general3A {dimension_numbers = #tpu.dot_dimension_numbers<[1], [0], [0], [1], [0, 0, 1, 1], [], []>, transpose_lhs_hint = false} : vector<4881x256xf32>, vector<256x128xf32>, vector<4881x128xf32> -> vector<4881x128xf32>
    %get3A_6 = arith.constant 0 : index
    %get3A_7 = arith.constant 0 : index
    %get3A_8 = vector.load %arg2[%get3A_6, %get3A_7] : memref<256x128xf32, #tpu.memory_space<vmem>>, vector<256x128xf32>
    %dot_general3A_9 = arith.constant dense<0.000000e+00> : vector<4881x128xf32>
    %dot_general3A_10 = tpu.matmul %get3A_1, %get3A_8, %dot_general3A_9 {dimension_numbers = #tpu.dot_dimension_numbers<[1], [0], [0], [1], [0, 0, 1, 1], [], []>, transpose_lhs_hint = false} : vector<4881x256xf32>, vector<256x128xf32>, vector<4881x128xf32> -> vector<4881x128xf32>
    %bitcast_convert_type3A = tpu.bitcast %dot_general3A_5 : vector<4881x128xf32> -> vector<4881x128xi32>
    %bitcast_convert_type3A_11 = tpu.bitcast %dot_general3A_10 : vector<4881x128xf32> -> vector<4881x128xi32>
    %add3A = arith.constant 32768 : i32
    %add3A_12 = vector.broadcast %add3A : i32 to vector<4881x128xi32>
    %add3A_13 = arith.addi %bitcast_convert_type3A, %add3A_12 : vector<4881x128xi32>
    %shift_right_logical3A = arith.constant 16 : i32
    %shift_right_logical3A_14 = vector.broadcast %shift_right_logical3A : i32 to vector<4881x128xi32>
    %shift_right_logical3A_15 = arith.shrui %add3A_13, %shift_right_logical3A_14 : vector<4881x128xi32>
    %add3A_16 = arith.constant 32768 : i32
    %add3A_17 = vector.broadcast %add3A_16 : i32 to vector<4881x128xi32>
    %add3A_18 = arith.addi %bitcast_convert_type3A_11, %add3A_17 : vector<4881x128xi32>
    %and3A = arith.constant -65536 : i32
    %and3A_19 = vector.broadcast %and3A : i32 to vector<4881x128xi32>
    %and3A_20 = arith.andi %add3A_18, %and3A_19 : vector<4881x128xi32>
    %or3A = arith.ori %and3A_20, %shift_right_logical3A_15 : vector<4881x128xi32>
    %swap3A = arith.constant 0 : index
    %swap3A_21 = arith.constant 0 : index
    %swap3A_22 = vector.load %arg3[%swap3A, %swap3A_21] : memref<4881x128xi32, #tpu.memory_space<vmem>>, vector<4881x128xi32>
    tpu.vector_store %arg3[%swap3A, %swap3A_21], %or3A {strides = array<i32>} : memref<4881x128xi32, #tpu.memory_space<vmem>>, vector<4881x128xi32>,
    return
  }
}

module attributes {stable_mosaic.version = 14 : i64} {
  func.func @_pack_body(%arg0: memref<3001x256xf32, #tpu.memory_space<vmem>>, %arg1: memref<256x128xf32, #tpu.memory_space<vmem>>, %arg2: memref<256x128xf32, #tpu.memory_space<vmem>>, %arg3: memref<3001x128xi32, #tpu.memory_space<vmem>>) attributes {dimension_semantics = [], scalar_prefetch = 0 : i64, scratch_operands = 0 : i64, tpu.core_type = #tpu.core_type<tc>} {
    %get3A = arith.constant 0 : index
    %get3A_0 = arith.constant 0 : index
    %get3A_1 = vector.load %arg0[%get3A, %get3A_0] : memref<3001x256xf32, #tpu.memory_space<vmem>>, vector<3001x256xf32>
    %get3A_2 = arith.constant 0 : index
    %get3A_3 = arith.constant 0 : index
    %get3A_4 = vector.load %arg1[%get3A_2, %get3A_3] : memref<256x128xf32, #tpu.memory_space<vmem>>, vector<256x128xf32>
    %dot_general3A = arith.constant dense<0.000000e+00> : vector<3001x128xf32>
    %dot_general3A_5 = tpu.matmul %get3A_1, %get3A_4, %dot_general3A {dimension_numbers = #tpu.dot_dimension_numbers<[1], [0], [0], [1], [0, 0, 1, 1], [], []>, transpose_lhs_hint = false} : vector<3001x256xf32>, vector<256x128xf32>, vector<3001x128xf32> -> vector<3001x128xf32>
    %get3A_6 = arith.constant 0 : index
    %get3A_7 = arith.constant 0 : index
    %get3A_8 = vector.load %arg2[%get3A_6, %get3A_7] : memref<256x128xf32, #tpu.memory_space<vmem>>, vector<256x128xf32>
    %dot_general3A_9 = arith.constant dense<0.000000e+00> : vector<3001x128xf32>
    %dot_general3A_10 = tpu.matmul %get3A_1, %get3A_8, %dot_general3A_9 {dimension_numbers = #tpu.dot_dimension_numbers<[1], [0], [0], [1], [0, 0, 1, 1], [], []>, transpose_lhs_hint = false} : vector<3001x256xf32>, vector<256x128xf32>, vector<3001x128xf32> -> vector<3001x128xf32>
    %bitcast_convert_type3A = tpu.bitcast %dot_general3A_5 : vector<3001x128xf32> -> vector<3001x128xi32>
    %bitcast_convert_type3A_11 = tpu.bitcast %dot_general3A_10 : vector<3001x128xf32> -> vector<3001x128xi32>
    %add3A = arith.constant 32768 : i32
    %add3A_12 = vector.broadcast %add3A : i32 to vector<3001x128xi32>
    %add3A_13 = arith.addi %bitcast_convert_type3A, %add3A_12 : vector<3001x128xi32>
    %shift_right_logical3A = arith.constant 16 : i32
    %shift_right_logical3A_14 = vector.broadcast %shift_right_logical3A : i32 to vector<3001x128xi32>
    %shift_right_logical3A_15 = arith.shrui %add3A_13, %shift_right_logical3A_14 : vector<3001x128xi32>
    %add3A_16 = arith.constant 32768 : i32
    %add3A_17 = vector.broadcast %add3A_16 : i32 to vector<3001x128xi32>
    %add3A_18 = arith.addi %bitcast_convert_type3A_11, %add3A_17 : vector<3001x128xi32>
    %and3A = arith.constant -65536 : i32
    %and3A_19 = vector.broadcast %and3A : i32 to vector<3001x128xi32>
    %and3A_20 = arith.andi %add3A_18, %and3A_19 : vector<3001x128xi32>
    %or3A = arith.ori %and3A_20, %shift_right_logical3A_15 : vector<3001x128xi32>
    %swap3A = arith.constant 0 : index
    %swap3A_21 = arith.constant 0 : index
    %swap3A_22 = vector.load %arg3[%swap3A, %swap3A_21] : memref<3001x128xi32, #tpu.memory_space<vmem>>, vector<3001x128xi32>
    tpu.vector_store %arg3[%swap3A, %swap3A_21], %or3A {strides = array<i32>} : memref<3001x128xi32, #tpu.memory_space<vmem>>, vector<3001x128xi32>,
    return
  }
}

module attributes {stable_mosaic.version = 14 : i64} {
  func.func @_attn_body(%arg0: memref<2560x256xf32, #tpu.memory_space<vmem>>, %arg1: memref<512x128xf32, #tpu.memory_space<vmem>>, %arg2: memref<1x128xf32, #tpu.memory_space<vmem>>, %arg3: memref<1x128xf32, #tpu.memory_space<vmem>>, %arg4: memref<1x1xf32, #tpu.memory_space<vmem>>, %arg5: memref<256x4880xf32, #tpu.memory_space<vmem>>, %arg6: memref<1x4880xf32, #tpu.memory_space<vmem>>, %arg7: memref<1x256xf32, #tpu.memory_space<vmem>>, %arg8: memref<1x1xf32, #tpu.memory_space<vmem>>, %arg9: memref<1x256xf32, #tpu.memory_space<vmem>>, %arg10: memref<1x1xf32, #tpu.memory_space<vmem>>, %arg11: memref<2560x256xbf16, #tpu.memory_space<vmem>>, %arg12: memref<128x4880xf32, #tpu.memory_space<vmem>>, %arg13: memref<128x1xf32, #tpu.memory_space<vmem>>, %arg14: memref<128x1xf32, #tpu.memory_space<vmem>>) attributes {dimension_semantics = [], scalar_prefetch = 0 : i64, scratch_operands = 0 : i64, tpu.core_type = #tpu.core_type<tc>} {
    %get3A = arith.constant 0 : index
    %get3A_0 = arith.constant 0 : index
    %get3A_1 = vector.load %arg0[%get3A, %get3A_0] : memref<2560x256xf32, #tpu.memory_space<vmem>>, vector<2560x256xf32>
    %tanh3A = math.tanh %get3A_1 : vector<2560x256xf32>
    %reshape3A = vector.shape_cast %tanh3A : vector<2560x256xf32> to vector<128x20x256xf32>
    %slice3A = vector.extract_strided_slice %reshape3A {offsets = [0, 19, 0], sizes = [128, 1, 256], strides = [1, 1, 1]} : vector<128x20x256xf32> to vector<128x1x256xf32>
    %squeeze3A = vector.shape_cast %slice3A : vector<128x1x256xf32> to vector<128x256xf32>
    %get3A_2 = arith.constant 0 : index
    %get3A_3 = arith.constant 0 : index
    %get3A_4 = vector.load %arg1[%get3A_2, %get3A_3] : memref<512x128xf32, #tpu.memory_space<vmem>>, vector<256x128xf32>
    %get3A_5 = arith.constant 256 : index
    %get3A_6 = arith.constant 0 : index
    %get3A_7 = vector.load %arg1[%get3A_5, %get3A_6] : memref<512x128xf32, #tpu.memory_space<vmem>>, vector<256x128xf32>
    %dot_general3A = arith.constant dense<0.000000e+00> : vector<2560x128xf32>
    %dot_general3A_8 = tpu.matmul %tanh3A, %get3A_4, %dot_general3A {dimension_numbers = #tpu.dot_dimension_numbers<[1], [0], [0], [1], [0, 0, 1, 1], [], []>, transpose_lhs_hint = false} : vector<2560x256xf32>, vector<256x128xf32>, vector<2560x128xf32> -> vector<2560x128xf32>
    %dot_general3A_9 = arith.constant dense<0.000000e+00> : vector<128x128xf32>
    %dot_general3A_10 = tpu.matmul %squeeze3A, %get3A_7, %dot_general3A_9 {dimension_numbers = #tpu.dot_dimension_numbers<[1], [0], [0], [1], [0, 0, 1, 1], [], []>, transpose_lhs_hint = false} : vector<128x256xf32>, vector<256x128xf32>, vector<128x128xf32> -> vector<128x128xf32>
    %reshape3A_11 = vector.shape_cast %dot_general3A_8 : vector<2560x128xf32> to vector<128x20x128xf32>
    %broadcast_in_dim3A = vector.shape_cast %dot_general3A_10 : vector<128x128xf32> to vector<128x1x128xf32>
    %add3A = vector.broadcast %broadcast_in_dim3A : vector<128x1x128xf32> to vector<128x20x128xf32>
    %add3A_12 = arith.addf %reshape3A_11, %add3A : vector<128x20x128xf32>
    %get3A_13 = arith.constant 0 : index
    %get3A_14 = arith.constant 0 : index
    %get3A_15 = vector.load %arg2[%get3A_13, %get3A_14] : memref<1x128xf32, #tpu.memory_space<vmem>>, vector<1x128xf32>
    %broadcast_in_dim3A_16 = vector.shape_cast %get3A_15 : vector<1x128xf32> to vector<1x1x128xf32>
    %add3A_17 = vector.broadcast %broadcast_in_dim3A_16 : vector<1x1x128xf32> to vector<128x20x128xf32>
    %add3A_18 = arith.addf %add3A_12, %add3A_17 : vector<128x20x128xf32>
    %tanh3A_19 = math.tanh %add3A_18 : vector<128x20x128xf32>
    %get3A_20 = arith.constant 0 : index
    %get3A_21 = arith.constant 0 : index
    %get3A_22 = vector.load %arg3[%get3A_20, %get3A_21] : memref<1x128xf32, #tpu.memory_space<vmem>>, vector<1x128xf32>
    %broadcast_in_dim3A_23 = vector.shape_cast %get3A_22 : vector<1x128xf32> to vector<1x1x128xf32>
    %mul3A = vector.broadcast %broadcast_in_dim3A_23 : vector<1x1x128xf32> to vector<128x20x128xf32>
    %mul3A_24 = arith.mulf %tanh3A_19, %mul3A : vector<128x20x128xf32>
    %reduce_sum3A = arith.constant dense<0.000000e+00> : vector<128x20xf32>
    %reduce_sum3A_25 = vector.multi_reduction <add>, %mul3A_24, %reduce_sum3A [2] : vector<128x20x128xf32> to vector<128x20xf32>
    %get3A_26 = arith.constant 0 : index
    %get3A_27 = arith.constant 0 : index
    %get3A_28 = vector.load %arg4[%get3A_26, %get3A_27] : memref<1x1xf32, #tpu.memory_space<vmem>>, vector<1x1xf32>
    %get3A_29 = vector.extract %get3A_28[0, 0] : f32 from vector<1x1xf32>
    %add3A_30 = vector.broadcast %get3A_29 : f32 to vector<128x20xf32>
    %add3A_31 = arith.addf %reduce_sum3A_25, %add3A_30 : vector<128x20xf32>
    %reduce_max3A = arith.constant dense<0xFF800000> : vector<128xf32>
    %reduce_max3A_32 = vector.multi_reduction <maximumf>, %add3A_31, %reduce_max3A [1] : vector<128x20xf32> to vector<128xf32>
    %broadcast_in_dim3A_33 = vector.shape_cast %reduce_max3A_32 : vector<128xf32> to vector<128x1xf32>
    %sub3A = vector.broadcast %broadcast_in_dim3A_33 : vector<128x1xf32> to vector<128x20xf32>
    %sub3A_34 = arith.subf %add3A_31, %sub3A : vector<128x20xf32>
    %exp3A = math.exp %sub3A_34 : vector<128x20xf32>
    %reduce_sum3A_35 = arith.constant dense<0.000000e+00> : vector<128xf32>
    %reduce_sum3A_36 = vector.multi_reduction <add>, %exp3A, %reduce_sum3A_35 [1] : vector<128x20xf32> to vector<128xf32>
    %broadcast_in_dim3A_37 = vector.shape_cast %reduce_sum3A_36 : vector<128xf32> to vector<128x1xf32>
    %div3A = vector.broadcast %broadcast_in_dim3A_37 : vector<128x1xf32> to vector<128x20xf32>
    %div3A_38 = arith.divf %exp3A, %div3A : vector<128x20xf32>
    %broadcast_in_dim3A_39 = vector.shape_cast %div3A_38 : vector<128x20xf32> to vector<128x20x1xf32>
    %mul3A_40 = vector.broadcast %broadcast_in_dim3A_39 : vector<128x20x1xf32> to vector<128x20x256xf32>
    %mul3A_41 = arith.mulf %mul3A_40, %reshape3A : vector<128x20x256xf32>
    %reduce_sum3A_42 = arith.constant dense<0.000000e+00> : vector<128x256xf32>
    %reduce_sum3A_43 = vector.multi_reduction <add>, %mul3A_41, %reduce_sum3A_42 [1] : vector<128x20x256xf32> to vector<128x256xf32>
    %get3A_44 = arith.constant 0 : index
    %get3A_45 = arith.constant 0 : index
    %get3A_46 = vector.load %arg5[%get3A_44, %get3A_45] : memref<256x4880xf32, #tpu.memory_space<vmem>>, vector<256x4880xf32>
    %dot_general3A_47 = arith.constant dense<0.000000e+00> : vector<128x4880xf32>
    %dot_general3A_48 = tpu.matmul %reduce_sum3A_43, %get3A_46, %dot_general3A_47 {dimension_numbers = #tpu.dot_dimension_numbers<[1], [0], [0], [1], [0, 0, 1, 1], [], []>, transpose_lhs_hint = false} : vector<128x256xf32>, vector<256x4880xf32>, vector<128x4880xf32> -> vector<128x4880xf32>
    %get3A_49 = arith.constant 0 : index
    %get3A_50 = arith.constant 0 : index
    %get3A_51 = vector.load %arg6[%get3A_49, %get3A_50] : memref<1x4880xf32, #tpu.memory_space<vmem>>, vector<1x4880xf32>
    %add3A_52 = vector.broadcast %get3A_51 : vector<1x4880xf32> to vector<128x4880xf32>
    %add3A_53 = arith.addf %dot_general3A_48, %add3A_52 : vector<128x4880xf32>
    %logistic3A = arith.negf %add3A_53 : vector<128x4880xf32>
    %logistic3A_54 = math.exp %logistic3A : vector<128x4880xf32>
    %logistic3A_55 = arith.constant 1.000000e+00 : f32
    %logistic3A_56 = vector.broadcast %logistic3A_55 : f32 to vector<128x4880xf32>
    %logistic3A_57 = arith.addf %logistic3A_56, %logistic3A_54 : vector<128x4880xf32>
    %logistic3A_58 = arith.divf %logistic3A_56, %logistic3A_57 : vector<128x4880xf32>
    %get3A_59 = arith.constant 0 : index
    %get3A_60 = arith.constant 0 : index
    %get3A_61 = vector.load %arg7[%get3A_59, %get3A_60] : memref<1x256xf32, #tpu.memory_space<vmem>>, vector<1x256xf32>
    %mul3A_62 = vector.broadcast %get3A_61 : vector<1x256xf32> to vector<128x256xf32>
    %mul3A_63 = arith.mulf %reduce_sum3A_43, %mul3A_62 : vector<128x256xf32>
    %reduce_sum3A_64 = arith.constant dense<0.000000e+00> : vector<128xf32>
    %reduce_sum3A_65 = vector.multi_reduction <add>, %mul3A_63, %reduce_sum3A_64 [1] : vector<128x256xf32> to vector<128xf32>
    %broadcast_in_dim3A_66 = vector.shape_cast %reduce_sum3A_65 : vector<128xf32> to vector<128x1xf32>
    %get3A_67 = arith.constant 0 : index
    %get3A_68 = arith.constant 0 : index
    %get3A_69 = vector.load %arg8[%get3A_67, %get3A_68] : memref<1x1xf32, #tpu.memory_space<vmem>>, vector<1x1xf32>
    %get3A_70 = vector.extract %get3A_69[0, 0] : f32 from vector<1x1xf32>
    %add3A_71 = vector.broadcast %get3A_70 : f32 to vector<128x1xf32>
    %add3A_72 = arith.addf %broadcast_in_dim3A_66, %add3A_71 : vector<128x1xf32>
    %logistic3A_73 = arith.negf %add3A_72 : vector<128x1xf32>
    %logistic3A_74 = math.exp %logistic3A_73 : vector<128x1xf32>
    %logistic3A_75 = arith.constant 1.000000e+00 : f32
    %logistic3A_76 = vector.broadcast %logistic3A_75 : f32 to vector<128x1xf32>
    %logistic3A_77 = arith.addf %logistic3A_76, %logistic3A_74 : vector<128x1xf32>
    %logistic3A_78 = arith.divf %logistic3A_76, %logistic3A_77 : vector<128x1xf32>
    %get3A_79 = arith.constant 0 : index
    %get3A_80 = arith.constant 0 : index
    %get3A_81 = vector.load %arg9[%get3A_79, %get3A_80] : memref<1x256xf32, #tpu.memory_space<vmem>>, vector<1x256xf32>
    %mul3A_82 = vector.broadcast %get3A_81 : vector<1x256xf32> to vector<128x256xf32>
    %mul3A_83 = arith.mulf %reduce_sum3A_43, %mul3A_82 : vector<128x256xf32>
    %reduce_sum3A_84 = arith.constant dense<0.000000e+00> : vector<128xf32>
    %reduce_sum3A_85 = vector.multi_reduction <add>, %mul3A_83, %reduce_sum3A_84 [1] : vector<128x256xf32> to vector<128xf32>
    %broadcast_in_dim3A_86 = vector.shape_cast %reduce_sum3A_85 : vector<128xf32> to vector<128x1xf32>
    %get3A_87 = arith.constant 0 : index
    %get3A_88 = arith.constant 0 : index
    %get3A_89 = vector.load %arg10[%get3A_87, %get3A_88] : memref<1x1xf32, #tpu.memory_space<vmem>>, vector<1x1xf32>
    %get3A_90 = vector.extract %get3A_89[0, 0] : f32 from vector<1x1xf32>
    %add3A_91 = vector.broadcast %get3A_90 : f32 to vector<128x1xf32>
    %add3A_92 = arith.addf %broadcast_in_dim3A_86, %add3A_91 : vector<128x1xf32>
    %logistic3A_93 = arith.negf %add3A_92 : vector<128x1xf32>
    %logistic3A_94 = math.exp %logistic3A_93 : vector<128x1xf32>
    %logistic3A_95 = arith.constant 1.000000e+00 : f32
    %logistic3A_96 = vector.broadcast %logistic3A_95 : f32 to vector<128x1xf32>
    %logistic3A_97 = arith.addf %logistic3A_96, %logistic3A_94 : vector<128x1xf32>
    %logistic3A_98 = arith.divf %logistic3A_96, %logistic3A_97 : vector<128x1xf32>
    %convert_element_type3A = arith.truncf %tanh3A : vector<2560x256xf32> to vector<2560x256xbf16>
    %swap3A = arith.constant 0 : index
    %swap3A_99 = arith.constant 0 : index
    %swap3A_100 = vector.load %arg11[%swap3A, %swap3A_99] : memref<2560x256xbf16, #tpu.memory_space<vmem>>, vector<2560x256xbf16>
    tpu.vector_store %arg11[%swap3A, %swap3A_99], %convert_element_type3A {strides = array<i32>} : memref<2560x256xbf16, #tpu.memory_space<vmem>>, vector<2560x256xbf16>,
    %swap3A_101 = arith.constant 0 : index
    %swap3A_102 = arith.constant 0 : index
    %swap3A_103 = vector.load %arg12[%swap3A_101, %swap3A_102] : memref<128x4880xf32, #tpu.memory_space<vmem>>, vector<128x4880xf32>
    tpu.vector_store %arg12[%swap3A_101, %swap3A_102], %logistic3A_58 {strides = array<i32>} : memref<128x4880xf32, #tpu.memory_space<vmem>>, vector<128x4880xf32>,
    %swap3A_104 = arith.constant 0 : index
    %swap3A_105 = arith.constant 0 : index
    %swap3A_106 = vector.load %arg13[%swap3A_104, %swap3A_105] : memref<128x1xf32, #tpu.memory_space<vmem>>, vector<128x1xf32>
    tpu.vector_store %arg13[%swap3A_104, %swap3A_105], %logistic3A_78 {strides = array<i32>} : memref<128x1xf32, #tpu.memory_space<vmem>>, vector<128x1xf32>,
    %swap3A_107 = arith.constant 0 : index
    %swap3A_108 = arith.constant 0 : index
    %swap3A_109 = vector.load %arg14[%swap3A_107, %swap3A_108] : memref<128x1xf32, #tpu.memory_space<vmem>>, vector<128x1xf32>
    tpu.vector_store %arg14[%swap3A_107, %swap3A_108], %logistic3A_98 {strides = array<i32>} : memref<128x1xf32, #tpu.memory_space<vmem>>, vector<128x1xf32>,
    return
  }
}

module attributes {stable_mosaic.version = 14 : i64} {
  func.func @_loss_body(%arg0: i32, %arg1: memref<2560x256xbf16, #tpu.memory_space<vmem>>, %arg2: memref<256x512xbf16, #tpu.memory_space<vmem>>, %arg3: memref<1x512xf32, #tpu.memory_space<vmem>>, %arg4: memref<128x20x512xf32, #tpu.memory_space<vmem>>, %arg5: memref<2560x1xf32, #tpu.memory_space<vmem>>, %arg6: memref<2560x1xf32, #tpu.memory_space<vmem>>, %arg7: memref<2560x1xf32, #tpu.memory_space<vmem>>) attributes {dimension_semantics = [#tpu.dimension_semantics<arbitrary>], iteration_bounds = array<i64: 10>, scalar_prefetch = 0 : i64, scratch_operands = 0 : i64, tpu.core_type = #tpu.core_type<tc>, window_params = [{pipeline_mode = #tpu.pipeline_mode<synchronous>, transform_indices = @transform_0, window_bounds = array<i64: 2560, 256>}, {transform_indices = @transform_1, window_bounds = array<i64: 256, 512>}, {transform_indices = @transform_2, window_bounds = array<i64: 1, 512>}, {transform_indices = @transform_3, window_bounds = array<i64: 128, 20, 512>}, {pipeline_mode = #tpu.pipeline_mode<synchronous>, transform_indices = @transform_4, window_bounds = array<i64: 2560, 1>}, {pipeline_mode = #tpu.pipeline_mode<synchronous>, transform_indices = @transform_5, window_bounds = array<i64: 2560, 1>}, {pipeline_mode = #tpu.pipeline_mode<synchronous>, transform_indices = @transform_6, window_bounds = array<i64: 2560, 1>}]} {
    %eq3A = arith.constant 0 : i32
    %eq3A_0 = arith.cmpi eq, %arg0, %eq3A : i32
    %convert_element_type3A = arith.extui %eq3A_0 : i1 to i32
    %cond3A = arith.constant 0 : i32
    %cond3A_1 = arith.cmpi ne, %convert_element_type3A, %cond3A : i32
    scf.if %cond3A_1 {
      %broadcast_in_dim3A_62 = arith.constant 0.000000e+00 : f32
      %broadcast_in_dim3A_63 = vector.broadcast %broadcast_in_dim3A_62 : f32 to vector<2560x1xf32>
      %swap3A_64 = arith.constant 0 : index
      %swap3A_65 = arith.constant 0 : index
      %swap3A_66 = vector.load %arg5[%swap3A_64, %swap3A_65] : memref<2560x1xf32, #tpu.memory_space<vmem>>, vector<2560x1xf32>
      tpu.vector_store %arg5[%swap3A_64, %swap3A_65], %broadcast_in_dim3A_63 {strides = array<i32>} : memref<2560x1xf32, #tpu.memory_space<vmem>>, vector<2560x1xf32>,
      %broadcast_in_dim3A_67 = arith.constant 0.000000e+00 : f32
      %broadcast_in_dim3A_68 = vector.broadcast %broadcast_in_dim3A_67 : f32 to vector<2560x1xf32>
      %swap3A_69 = arith.constant 0 : index
      %swap3A_70 = arith.constant 0 : index
      %swap3A_71 = vector.load %arg6[%swap3A_69, %swap3A_70] : memref<2560x1xf32, #tpu.memory_space<vmem>>, vector<2560x1xf32>
      tpu.vector_store %arg6[%swap3A_69, %swap3A_70], %broadcast_in_dim3A_68 {strides = array<i32>} : memref<2560x1xf32, #tpu.memory_space<vmem>>, vector<2560x1xf32>,
      %broadcast_in_dim3A_72 = arith.constant 0.000000e+00 : f32
      %broadcast_in_dim3A_73 = vector.broadcast %broadcast_in_dim3A_72 : f32 to vector<2560x1xf32>
      %swap3A_74 = arith.constant 0 : index
      %swap3A_75 = arith.constant 0 : index
      %swap3A_76 = vector.load %arg7[%swap3A_74, %swap3A_75] : memref<2560x1xf32, #tpu.memory_space<vmem>>, vector<2560x1xf32>
      tpu.vector_store %arg7[%swap3A_74, %swap3A_75], %broadcast_in_dim3A_73 {strides = array<i32>} : memref<2560x1xf32, #tpu.memory_space<vmem>>, vector<2560x1xf32>,
    } else {
    }
    %get3A = arith.constant 0 : index
    %get3A_2 = arith.constant 0 : index
    %get3A_3 = vector.load %arg1[%get3A, %get3A_2] : memref<2560x256xbf16, #tpu.memory_space<vmem>>, vector<2560x256xbf16>
    %get3A_4 = arith.constant 0 : index
    %get3A_5 = arith.constant 0 : index
    %get3A_6 = vector.load %arg2[%get3A_4, %get3A_5] : memref<256x512xbf16, #tpu.memory_space<vmem>>, vector<256x512xbf16>
    %dot_general3A = arith.constant dense<0.000000e+00> : vector<2560x512xf32>
    %dot_general3A_7 = tpu.matmul %get3A_3, %get3A_6, %dot_general3A {dimension_numbers = #tpu.dot_dimension_numbers<[1], [0], [0], [1], [0, 0, 1, 1], [], []>, transpose_lhs_hint = false} : vector<2560x256xbf16>, vector<256x512xbf16>, vector<2560x512xf32> -> vector<2560x512xf32>
    %get3A_8 = arith.constant 0 : index
    %get3A_9 = arith.constant 0 : index
    %get3A_10 = vector.load %arg3[%get3A_8, %get3A_9] : memref<1x512xf32, #tpu.memory_space<vmem>>, vector<1x512xf32>
    %add3A = vector.broadcast %get3A_10 : vector<1x512xf32> to vector<2560x512xf32>
    %add3A_11 = arith.addf %dot_general3A_7, %add3A : vector<2560x512xf32>
    %get3A_12 = arith.constant 0 : index
    %get3A_13 = arith.constant 0 : index
    %get3A_14 = arith.constant 0 : index
    %get3A_15 = vector.load %arg4[%get3A_12, %get3A_13, %get3A_14] : memref<128x20x512xf32, #tpu.memory_space<vmem>>, vector<128x20x512xf32>
    %reshape3A = vector.shape_cast %get3A_15 : vector<128x20x512xf32> to vector<2560x512xf32>
    %mul3A = arith.constant 512 : i32
    %mul3A_16 = arith.muli %arg0, %mul3A : i32
    %iota3A = tpu.iota {dimensions = array<i32: 1>} : vector<1x512xi32>
    %add3A_17 = vector.broadcast %mul3A_16 : i32 to vector<1x512xi32>
    %add3A_18 = arith.addi %add3A_17, %iota3A : vector<1x512xi32>
    %lt3A = arith.constant 4880 : i32
    %lt3A_19 = vector.broadcast %lt3A : i32 to vector<1x512xi32>
    %lt3A_20 = arith.cmpi slt, %add3A_18, %lt3A_19 : vector<1x512xi32>
    %get3A_21 = arith.constant 0 : index
    %get3A_22 = arith.constant 0 : index
    %get3A_23 = vector.load %arg5[%get3A_21, %get3A_22] : memref<2560x1xf32, #tpu.memory_space<vmem>>, vector<2560x1xf32>
    %exp3A = math.exp %add3A_11 : vector<2560x512xf32>
    %jit3A = arith.constant 0.000000e+00 : f32
    %broadcast_in_dim3A = vector.shape_cast %lt3A_20 : vector<1x512xi1> to vector<1x512xi1>
    %broadcast_in_dim3A_24 = vector.broadcast %broadcast_in_dim3A : vector<1x512xi1> to vector<2560x512xi1>
    %broadcast_in_dim3A_25 = vector.broadcast %jit3A : f32 to vector<2560x512xf32>
    %select_n3A = arith.select %broadcast_in_dim3A_24, %exp3A, %broadcast_in_dim3A_25 : vector<2560x512xi1>, vector<2560x512xf32>
    %reduce_sum3A = arith.constant dense<0.000000e+00> : vector<2560xf32>
    %reduce_sum3A_26 = vector.multi_reduction <add>, %select_n3A, %reduce_sum3A [1] : vector<2560x512xf32> to vector<2560xf32>
    %broadcast_in_dim3A_27 = vector.shape_cast %reduce_sum3A_26 : vector<2560xf32> to vector<2560x1xf32>
    %add3A_28 = arith.addf %get3A_23, %broadcast_in_dim3A_27 : vector<2560x1xf32>
    %swap3A = arith.constant 0 : index
    %swap3A_29 = arith.constant 0 : index
    %swap3A_30 = vector.load %arg5[%swap3A, %swap3A_29] : memref<2560x1xf32, #tpu.memory_space<vmem>>, vector<2560x1xf32>
    tpu.vector_store %arg5[%swap3A, %swap3A_29], %add3A_28 {strides = array<i32>} : memref<2560x1xf32, #tpu.memory_space<vmem>>, vector<2560x1xf32>,
    %get3A_31 = arith.constant 0 : index
    %get3A_32 = arith.constant 0 : index
    %get3A_33 = vector.load %arg6[%get3A_31, %get3A_32] : memref<2560x1xf32, #tpu.memory_space<vmem>>, vector<2560x1xf32>
    %mul3A_34 = arith.mulf %reshape3A, %add3A_11 : vector<2560x512xf32>
    %jit3A_35 = arith.constant 0.000000e+00 : f32
    %broadcast_in_dim3A_36 = vector.shape_cast %lt3A_20 : vector<1x512xi1> to vector<1x512xi1>
    %broadcast_in_dim3A_37 = vector.broadcast %broadcast_in_dim3A_36 : vector<1x512xi1> to vector<2560x512xi1>
    %broadcast_in_dim3A_38 = vector.broadcast %jit3A_35 : f32 to vector<2560x512xf32>
    %select_n3A_39 = arith.select %broadcast_in_dim3A_37, %mul3A_34, %broadcast_in_dim3A_38 : vector<2560x512xi1>, vector<2560x512xf32>
    %reduce_sum3A_40 = arith.constant dense<0.000000e+00> : vector<2560xf32>
    %reduce_sum3A_41 = vector.multi_reduction <add>, %select_n3A_39, %reduce_sum3A_40 [1] : vector<2560x512xf32> to vector<2560xf32>
    %broadcast_in_dim3A_42 = vector.shape_cast %reduce_sum3A_41 : vector<2560xf32> to vector<2560x1xf32>
    %add3A_43 = arith.addf %get3A_33, %broadcast_in_dim3A_42 : vector<2560x1xf32>
    %swap3A_44 = arith.constant 0 : index
    %swap3A_45 = arith.constant 0 : index
    %swap3A_46 = vector.load %arg6[%swap3A_44, %swap3A_45] : memref<2560x1xf32, #tpu.memory_space<vmem>>, vector<2560x1xf32>
    tpu.vector_store %arg6[%swap3A_44, %swap3A_45], %add3A_43 {strides = array<i32>} : memref<2560x1xf32, #tpu.memory_space<vmem>>, vector<2560x1xf32>,
    %get3A_47 = arith.constant 0 : index
    %get3A_48 = arith.constant 0 : index
    %get3A_49 = vector.load %arg7[%get3A_47, %get3A_48] : memref<2560x1xf32, #tpu.memory_space<vmem>>, vector<2560x1xf32>
    %jit3A_50 = arith.constant 0.000000e+00 : f32
    %broadcast_in_dim3A_51 = vector.shape_cast %lt3A_20 : vector<1x512xi1> to vector<1x512xi1>
    %broadcast_in_dim3A_52 = vector.broadcast %broadcast_in_dim3A_51 : vector<1x512xi1> to vector<2560x512xi1>
    %broadcast_in_dim3A_53 = vector.broadcast %jit3A_50 : f32 to vector<2560x512xf32>
    %select_n3A_54 = arith.select %broadcast_in_dim3A_52, %reshape3A, %broadcast_in_dim3A_53 : vector<2560x512xi1>, vector<2560x512xf32>
    %reduce_sum3A_55 = arith.constant dense<0.000000e+00> : vector<2560xf32>
    %reduce_sum3A_56 = vector.multi_reduction <add>, %select_n3A_54, %reduce_sum3A_55 [1] : vector<2560x512xf32> to vector<2560xf32>
    %broadcast_in_dim3A_57 = vector.shape_cast %reduce_sum3A_56 : vector<2560xf32> to vector<2560x1xf32>
    %add3A_58 = arith.addf %get3A_49, %broadcast_in_dim3A_57 : vector<2560x1xf32>
    %swap3A_59 = arith.constant 0 : index
    %swap3A_60 = arith.constant 0 : index
    %swap3A_61 = vector.load %arg7[%swap3A_59, %swap3A_60] : memref<2560x1xf32, #tpu.memory_space<vmem>>, vector<2560x1xf32>
    tpu.vector_store %arg7[%swap3A_59, %swap3A_60], %add3A_58 {strides = array<i32>} : memref<2560x1xf32, #tpu.memory_space<vmem>>, vector<2560x1xf32>,
    return
  }
  func.func @transform_0(%arg0: i32) -> (i32, i32) {
    %c0_i32 = arith.constant 0 : i32
    %c0_i32_0 = arith.constant 0 : i32
    %c0_i32_1 = arith.constant 0 : i32
    return %c0_i32, %c0_i32_0 : i32, i32
  }
  func.func @transform_1(%arg0: i32) -> (i32, i32) {
    %c0_i32 = arith.constant 0 : i32
    %c0_i32_0 = arith.constant 0 : i32
    return %c0_i32, %arg0 : i32, i32
  }
  func.func @transform_2(%arg0: i32) -> (i32, i32) {
    %c0_i32 = arith.constant 0 : i32
    %c0_i32_0 = arith.constant 0 : i32
    return %c0_i32, %arg0 : i32, i32
  }
  func.func @transform_3(%arg0: i32) -> (i32, i32, i32) {
    %c0_i32 = arith.constant 0 : i32
    %c0_i32_0 = arith.constant 0 : i32
    %c0_i32_1 = arith.constant 0 : i32
    return %c0_i32, %c0_i32_0, %arg0 : i32, i32, i32
  }
  func.func @transform_4(%arg0: i32) -> (i32, i32) {
    %c0_i32 = arith.constant 0 : i32
    %c0_i32_0 = arith.constant 0 : i32
    %c0_i32_1 = arith.constant 0 : i32
    return %c0_i32, %c0_i32_0 : i32, i32
  }
  func.func @transform_5(%arg0: i32) -> (i32, i32) {
    %c0_i32 = arith.constant 0 : i32
    %c0_i32_0 = arith.constant 0 : i32
    %c0_i32_1 = arith.constant 0 : i32
    return %c0_i32, %c0_i32_0 : i32, i32
  }
  func.func @transform_6(%arg0: i32) -> (i32, i32) {
    %c0_i32 = arith.constant 0 : i32
    %c0_i32_0 = arith.constant 0 : i32
    %c0_i32_1 = arith.constant 0 : i32
    return %c0_i32, %c0_i32_0 : i32, i32
  }
}

module attributes {stable_mosaic.version = 14 : i64} {
  func.func @_loss_body(%arg0: i32, %arg1: memref<2560x256xbf16, #tpu.memory_space<vmem>>, %arg2: memref<256x512xbf16, #tpu.memory_space<vmem>>, %arg3: memref<1x512xf32, #tpu.memory_space<vmem>>, %arg4: memref<128x20x512xf32, #tpu.memory_space<vmem>>, %arg5: memref<2560x1xf32, #tpu.memory_space<vmem>>, %arg6: memref<2560x1xf32, #tpu.memory_space<vmem>>, %arg7: memref<2560x1xf32, #tpu.memory_space<vmem>>) attributes {dimension_semantics = [#tpu.dimension_semantics<arbitrary>], iteration_bounds = array<i64: 6>, scalar_prefetch = 0 : i64, scratch_operands = 0 : i64, tpu.core_type = #tpu.core_type<tc>, window_params = [{pipeline_mode = #tpu.pipeline_mode<synchronous>, transform_indices = @transform_0, window_bounds = array<i64: 2560, 256>}, {transform_indices = @transform_1, window_bounds = array<i64: 256, 512>}, {transform_indices = @transform_2, window_bounds = array<i64: 1, 512>}, {transform_indices = @transform_3, window_bounds = array<i64: 128, 20, 512>}, {pipeline_mode = #tpu.pipeline_mode<synchronous>, transform_indices = @transform_4, window_bounds = array<i64: 2560, 1>}, {pipeline_mode = #tpu.pipeline_mode<synchronous>, transform_indices = @transform_5, window_bounds = array<i64: 2560, 1>}, {pipeline_mode = #tpu.pipeline_mode<synchronous>, transform_indices = @transform_6, window_bounds = array<i64: 2560, 1>}]} {
    %eq3A = arith.constant 0 : i32
    %eq3A_0 = arith.cmpi eq, %arg0, %eq3A : i32
    %convert_element_type3A = arith.extui %eq3A_0 : i1 to i32
    %cond3A = arith.constant 0 : i32
    %cond3A_1 = arith.cmpi ne, %convert_element_type3A, %cond3A : i32
    scf.if %cond3A_1 {
      %broadcast_in_dim3A_62 = arith.constant 0.000000e+00 : f32
      %broadcast_in_dim3A_63 = vector.broadcast %broadcast_in_dim3A_62 : f32 to vector<2560x1xf32>
      %swap3A_64 = arith.constant 0 : index
      %swap3A_65 = arith.constant 0 : index
      %swap3A_66 = vector.load %arg5[%swap3A_64, %swap3A_65] : memref<2560x1xf32, #tpu.memory_space<vmem>>, vector<2560x1xf32>
      tpu.vector_store %arg5[%swap3A_64, %swap3A_65], %broadcast_in_dim3A_63 {strides = array<i32>} : memref<2560x1xf32, #tpu.memory_space<vmem>>, vector<2560x1xf32>,
      %broadcast_in_dim3A_67 = arith.constant 0.000000e+00 : f32
      %broadcast_in_dim3A_68 = vector.broadcast %broadcast_in_dim3A_67 : f32 to vector<2560x1xf32>
      %swap3A_69 = arith.constant 0 : index
      %swap3A_70 = arith.constant 0 : index
      %swap3A_71 = vector.load %arg6[%swap3A_69, %swap3A_70] : memref<2560x1xf32, #tpu.memory_space<vmem>>, vector<2560x1xf32>
      tpu.vector_store %arg6[%swap3A_69, %swap3A_70], %broadcast_in_dim3A_68 {strides = array<i32>} : memref<2560x1xf32, #tpu.memory_space<vmem>>, vector<2560x1xf32>,
      %broadcast_in_dim3A_72 = arith.constant 0.000000e+00 : f32
      %broadcast_in_dim3A_73 = vector.broadcast %broadcast_in_dim3A_72 : f32 to vector<2560x1xf32>
      %swap3A_74 = arith.constant 0 : index
      %swap3A_75 = arith.constant 0 : index
      %swap3A_76 = vector.load %arg7[%swap3A_74, %swap3A_75] : memref<2560x1xf32, #tpu.memory_space<vmem>>, vector<2560x1xf32>
      tpu.vector_store %arg7[%swap3A_74, %swap3A_75], %broadcast_in_dim3A_73 {strides = array<i32>} : memref<2560x1xf32, #tpu.memory_space<vmem>>, vector<2560x1xf32>,
    } else {
    }
    %get3A = arith.constant 0 : index
    %get3A_2 = arith.constant 0 : index
    %get3A_3 = vector.load %arg1[%get3A, %get3A_2] : memref<2560x256xbf16, #tpu.memory_space<vmem>>, vector<2560x256xbf16>
    %get3A_4 = arith.constant 0 : index
    %get3A_5 = arith.constant 0 : index
    %get3A_6 = vector.load %arg2[%get3A_4, %get3A_5] : memref<256x512xbf16, #tpu.memory_space<vmem>>, vector<256x512xbf16>
    %dot_general3A = arith.constant dense<0.000000e+00> : vector<2560x512xf32>
    %dot_general3A_7 = tpu.matmul %get3A_3, %get3A_6, %dot_general3A {dimension_numbers = #tpu.dot_dimension_numbers<[1], [0], [0], [1], [0, 0, 1, 1], [], []>, transpose_lhs_hint = false} : vector<2560x256xbf16>, vector<256x512xbf16>, vector<2560x512xf32> -> vector<2560x512xf32>
    %get3A_8 = arith.constant 0 : index
    %get3A_9 = arith.constant 0 : index
    %get3A_10 = vector.load %arg3[%get3A_8, %get3A_9] : memref<1x512xf32, #tpu.memory_space<vmem>>, vector<1x512xf32>
    %add3A = vector.broadcast %get3A_10 : vector<1x512xf32> to vector<2560x512xf32>
    %add3A_11 = arith.addf %dot_general3A_7, %add3A : vector<2560x512xf32>
    %get3A_12 = arith.constant 0 : index
    %get3A_13 = arith.constant 0 : index
    %get3A_14 = arith.constant 0 : index
    %get3A_15 = vector.load %arg4[%get3A_12, %get3A_13, %get3A_14] : memref<128x20x512xf32, #tpu.memory_space<vmem>>, vector<128x20x512xf32>
    %reshape3A = vector.shape_cast %get3A_15 : vector<128x20x512xf32> to vector<2560x512xf32>
    %mul3A = arith.constant 512 : i32
    %mul3A_16 = arith.muli %arg0, %mul3A : i32
    %iota3A = tpu.iota {dimensions = array<i32: 1>} : vector<1x512xi32>
    %add3A_17 = vector.broadcast %mul3A_16 : i32 to vector<1x512xi32>
    %add3A_18 = arith.addi %add3A_17, %iota3A : vector<1x512xi32>
    %lt3A = arith.constant 3000 : i32
    %lt3A_19 = vector.broadcast %lt3A : i32 to vector<1x512xi32>
    %lt3A_20 = arith.cmpi slt, %add3A_18, %lt3A_19 : vector<1x512xi32>
    %get3A_21 = arith.constant 0 : index
    %get3A_22 = arith.constant 0 : index
    %get3A_23 = vector.load %arg5[%get3A_21, %get3A_22] : memref<2560x1xf32, #tpu.memory_space<vmem>>, vector<2560x1xf32>
    %exp3A = math.exp %add3A_11 : vector<2560x512xf32>
    %jit3A = arith.constant 0.000000e+00 : f32
    %broadcast_in_dim3A = vector.shape_cast %lt3A_20 : vector<1x512xi1> to vector<1x512xi1>
    %broadcast_in_dim3A_24 = vector.broadcast %broadcast_in_dim3A : vector<1x512xi1> to vector<2560x512xi1>
    %broadcast_in_dim3A_25 = vector.broadcast %jit3A : f32 to vector<2560x512xf32>
    %select_n3A = arith.select %broadcast_in_dim3A_24, %exp3A, %broadcast_in_dim3A_25 : vector<2560x512xi1>, vector<2560x512xf32>
    %reduce_sum3A = arith.constant dense<0.000000e+00> : vector<2560xf32>
    %reduce_sum3A_26 = vector.multi_reduction <add>, %select_n3A, %reduce_sum3A [1] : vector<2560x512xf32> to vector<2560xf32>
    %broadcast_in_dim3A_27 = vector.shape_cast %reduce_sum3A_26 : vector<2560xf32> to vector<2560x1xf32>
    %add3A_28 = arith.addf %get3A_23, %broadcast_in_dim3A_27 : vector<2560x1xf32>
    %swap3A = arith.constant 0 : index
    %swap3A_29 = arith.constant 0 : index
    %swap3A_30 = vector.load %arg5[%swap3A, %swap3A_29] : memref<2560x1xf32, #tpu.memory_space<vmem>>, vector<2560x1xf32>
    tpu.vector_store %arg5[%swap3A, %swap3A_29], %add3A_28 {strides = array<i32>} : memref<2560x1xf32, #tpu.memory_space<vmem>>, vector<2560x1xf32>,
    %get3A_31 = arith.constant 0 : index
    %get3A_32 = arith.constant 0 : index
    %get3A_33 = vector.load %arg6[%get3A_31, %get3A_32] : memref<2560x1xf32, #tpu.memory_space<vmem>>, vector<2560x1xf32>
    %mul3A_34 = arith.mulf %reshape3A, %add3A_11 : vector<2560x512xf32>
    %jit3A_35 = arith.constant 0.000000e+00 : f32
    %broadcast_in_dim3A_36 = vector.shape_cast %lt3A_20 : vector<1x512xi1> to vector<1x512xi1>
    %broadcast_in_dim3A_37 = vector.broadcast %broadcast_in_dim3A_36 : vector<1x512xi1> to vector<2560x512xi1>
    %broadcast_in_dim3A_38 = vector.broadcast %jit3A_35 : f32 to vector<2560x512xf32>
    %select_n3A_39 = arith.select %broadcast_in_dim3A_37, %mul3A_34, %broadcast_in_dim3A_38 : vector<2560x512xi1>, vector<2560x512xf32>
    %reduce_sum3A_40 = arith.constant dense<0.000000e+00> : vector<2560xf32>
    %reduce_sum3A_41 = vector.multi_reduction <add>, %select_n3A_39, %reduce_sum3A_40 [1] : vector<2560x512xf32> to vector<2560xf32>
    %broadcast_in_dim3A_42 = vector.shape_cast %reduce_sum3A_41 : vector<2560xf32> to vector<2560x1xf32>
    %add3A_43 = arith.addf %get3A_33, %broadcast_in_dim3A_42 : vector<2560x1xf32>
    %swap3A_44 = arith.constant 0 : index
    %swap3A_45 = arith.constant 0 : index
    %swap3A_46 = vector.load %arg6[%swap3A_44, %swap3A_45] : memref<2560x1xf32, #tpu.memory_space<vmem>>, vector<2560x1xf32>
    tpu.vector_store %arg6[%swap3A_44, %swap3A_45], %add3A_43 {strides = array<i32>} : memref<2560x1xf32, #tpu.memory_space<vmem>>, vector<2560x1xf32>,
    %get3A_47 = arith.constant 0 : index
    %get3A_48 = arith.constant 0 : index
    %get3A_49 = vector.load %arg7[%get3A_47, %get3A_48] : memref<2560x1xf32, #tpu.memory_space<vmem>>, vector<2560x1xf32>
    %jit3A_50 = arith.constant 0.000000e+00 : f32
    %broadcast_in_dim3A_51 = vector.shape_cast %lt3A_20 : vector<1x512xi1> to vector<1x512xi1>
    %broadcast_in_dim3A_52 = vector.broadcast %broadcast_in_dim3A_51 : vector<1x512xi1> to vector<2560x512xi1>
    %broadcast_in_dim3A_53 = vector.broadcast %jit3A_50 : f32 to vector<2560x512xf32>
    %select_n3A_54 = arith.select %broadcast_in_dim3A_52, %reshape3A, %broadcast_in_dim3A_53 : vector<2560x512xi1>, vector<2560x512xf32>
    %reduce_sum3A_55 = arith.constant dense<0.000000e+00> : vector<2560xf32>
    %reduce_sum3A_56 = vector.multi_reduction <add>, %select_n3A_54, %reduce_sum3A_55 [1] : vector<2560x512xf32> to vector<2560xf32>
    %broadcast_in_dim3A_57 = vector.shape_cast %reduce_sum3A_56 : vector<2560xf32> to vector<2560x1xf32>
    %add3A_58 = arith.addf %get3A_49, %broadcast_in_dim3A_57 : vector<2560x1xf32>
    %swap3A_59 = arith.constant 0 : index
    %swap3A_60 = arith.constant 0 : index
    %swap3A_61 = vector.load %arg7[%swap3A_59, %swap3A_60] : memref<2560x1xf32, #tpu.memory_space<vmem>>, vector<2560x1xf32>
    tpu.vector_store %arg7[%swap3A_59, %swap3A_60], %add3A_58 {strides = array<i32>} : memref<2560x1xf32, #tpu.memory_space<vmem>>, vector<2560x1xf32>,
    return
  }
  func.func @transform_0(%arg0: i32) -> (i32, i32) {
    %c0_i32 = arith.constant 0 : i32
    %c0_i32_0 = arith.constant 0 : i32
    %c0_i32_1 = arith.constant 0 : i32
    return %c0_i32, %c0_i32_0 : i32, i32
  }
  func.func @transform_1(%arg0: i32) -> (i32, i32) {
    %c0_i32 = arith.constant 0 : i32
    %c0_i32_0 = arith.constant 0 : i32
    return %c0_i32, %arg0 : i32, i32
  }
  func.func @transform_2(%arg0: i32) -> (i32, i32) {
    %c0_i32 = arith.constant 0 : i32
    %c0_i32_0 = arith.constant 0 : i32
    return %c0_i32, %arg0 : i32, i32
  }
  func.func @transform_3(%arg0: i32) -> (i32, i32, i32) {
    %c0_i32 = arith.constant 0 : i32
    %c0_i32_0 = arith.constant 0 : i32
    %c0_i32_1 = arith.constant 0 : i32
    return %c0_i32, %c0_i32_0, %arg0 : i32, i32, i32
  }
  func.func @transform_4(%arg0: i32) -> (i32, i32) {
    %c0_i32 = arith.constant 0 : i32
    %c0_i32_0 = arith.constant 0 : i32
    %c0_i32_1 = arith.constant 0 : i32
    return %c0_i32, %c0_i32_0 : i32, i32
  }
  func.func @transform_5(%arg0: i32) -> (i32, i32) {
    %c0_i32 = arith.constant 0 : i32
    %c0_i32_0 = arith.constant 0 : i32
    %c0_i32_1 = arith.constant 0 : i32
    return %c0_i32, %c0_i32_0 : i32, i32
  }
  func.func @transform_6(%arg0: i32) -> (i32, i32) {
    %c0_i32 = arith.constant 0 : i32
    %c0_i32_0 = arith.constant 0 : i32
    %c0_i32_1 = arith.constant 0 : i32
    return %c0_i32, %c0_i32_0 : i32, i32
  }
}

module attributes {stable_mosaic.version = 14 : i64} {
  func.func @_combine_body(%arg0: memref<2560x1xf32, #tpu.memory_space<vmem>>, %arg1: memref<2560x1xf32, #tpu.memory_space<vmem>>, %arg2: memref<2560x1xf32, #tpu.memory_space<vmem>>, %arg3: memref<2560x1xf32, #tpu.memory_space<vmem>>, %arg4: memref<2560x1xf32, #tpu.memory_space<vmem>>, %arg5: memref<2560x1xf32, #tpu.memory_space<vmem>>, %arg6: memref<1x1xf32, #tpu.memory_space<vmem>>) attributes {dimension_semantics = [], scalar_prefetch = 0 : i64, scratch_operands = 0 : i64, tpu.core_type = #tpu.core_type<tc>} {
    %get3A = arith.constant 0 : index
    %get3A_0 = arith.constant 0 : index
    %get3A_1 = vector.load %arg0[%get3A, %get3A_0] : memref<2560x1xf32, #tpu.memory_space<vmem>>, vector<2560x1xf32>
    %get3A_2 = arith.constant 0 : index
    %get3A_3 = arith.constant 0 : index
    %get3A_4 = vector.load %arg3[%get3A_2, %get3A_3] : memref<2560x1xf32, #tpu.memory_space<vmem>>, vector<2560x1xf32>
    %add3A = arith.addf %get3A_1, %get3A_4 : vector<2560x1xf32>
    %get3A_5 = arith.constant 0 : index
    %get3A_6 = arith.constant 0 : index
    %get3A_7 = vector.load %arg1[%get3A_5, %get3A_6] : memref<2560x1xf32, #tpu.memory_space<vmem>>, vector<2560x1xf32>
    %get3A_8 = arith.constant 0 : index
    %get3A_9 = arith.constant 0 : index
    %get3A_10 = vector.load %arg4[%get3A_8, %get3A_9] : memref<2560x1xf32, #tpu.memory_space<vmem>>, vector<2560x1xf32>
    %add3A_11 = arith.addf %get3A_7, %get3A_10 : vector<2560x1xf32>
    %get3A_12 = arith.constant 0 : index
    %get3A_13 = arith.constant 0 : index
    %get3A_14 = vector.load %arg2[%get3A_12, %get3A_13] : memref<2560x1xf32, #tpu.memory_space<vmem>>, vector<2560x1xf32>
    %get3A_15 = arith.constant 0 : index
    %get3A_16 = arith.constant 0 : index
    %get3A_17 = vector.load %arg5[%get3A_15, %get3A_16] : memref<2560x1xf32, #tpu.memory_space<vmem>>, vector<2560x1xf32>
    %add3A_18 = arith.addf %get3A_14, %get3A_17 : vector<2560x1xf32>
    %log3A = math.log %add3A : vector<2560x1xf32>
    %mul3A = arith.mulf %log3A, %add3A_18 : vector<2560x1xf32>
    %sub3A = arith.subf %add3A_11, %mul3A : vector<2560x1xf32>
    %reduce_sum3A = arith.constant dense<0.000000e+00> : vector<1xf32>
    %reduce_sum3A_19 = vector.multi_reduction <add>, %sub3A, %reduce_sum3A [0] : vector<2560x1xf32> to vector<1xf32>
    %broadcast_in_dim3A = vector.shape_cast %reduce_sum3A_19 : vector<1xf32> to vector<1x1xf32>
    %neg3A = arith.constant 0.000000e+00 : f32
    %neg3A_20 = vector.broadcast %neg3A : f32 to vector<1x1xf32>
    %neg3A_21 = arith.subf %neg3A_20, %broadcast_in_dim3A : vector<1x1xf32>
    %div3A = arith.constant 1.280000e+02 : f32
    %div3A_22 = vector.broadcast %div3A : f32 to vector<1x1xf32>
    %div3A_23 = arith.divf %neg3A_21, %div3A_22 : vector<1x1xf32>
    %swap3A = arith.constant 0 : index
    %swap3A_24 = arith.constant 0 : index
    %swap3A_25 = vector.load %arg6[%swap3A, %swap3A_24] : memref<1x1xf32, #tpu.memory_space<vmem>>, vector<1x1xf32>
    tpu.vector_store %arg6[%swap3A, %swap3A_24], %div3A_23 {strides = array<i32>} : memref<1x1xf32, #tpu.memory_space<vmem>>, vector<1x1xf32>,
    return
  }
}

</mosaic_0001>

<sc_bundles>
// kernel: kernel.9.cloned.1.call-start
scs
__scs_entry_jumppad:
0x0: {  	(pc) =	sbr.rel $0x88, $3  }
0x1: {  	(tag) =	ssettag $0x0;
	lr =	simm.s32 $0x1  }
0x2: {  	[smem:$0x3F8F] =	sst lr;
	_ =	strace $0xD0000000  }
0x3: {  	_ = 	snop  }
0x4: {  	_ = 	snop  }
0x5: {  	_ = 	snop  }
0x6: {  	_ = 	snop  }
0x7: {  	_ = 	snop  }
__scs_overlays_trampoline_lowered:
0x8: {  	[smem:$0x3F9E] =	sst s0  }
0x9: {  	[smem:$0x3F9F] =	sst s1  }
0xa: {  	[smem:$0x3FA0] =	sst s2  }
0xb: {  	[smem:$0x3FA1] =	sst s3  }
0xc: {  	[smem:$0x3FA2] =	sst s4  }
0xd: {  	[smem:$0x3FA3] =	sst s5  }
0xe: {  	[smem:$0x3FA4] =	sst s6  }
0xf: {  	[smem:$0x3FA5] =	sst s7  }
0x10: {  	[smem:$0x3FA6] =	sst s8  }
0x11: {  	[smem:$0x3FA7] =	sst s9;
	s0 =	simm.s32 @!p0 $0x0  }
0x12: {  	s1 =	sld [smem:$0x3F8D];
	s0 =	simm.s32 @p0 $0x1  }
0x13: {  	[smem:$0x3FA8] =	sst s0;
	s0 =	simm.s32 @!p1 $0x0  }
0x14: {  	s2 =	sld [smem:$0x3F8C];
	s0 =	simm.s32 @p1 $0x1  }
0x15: {  	[smem:$0x3FA9] =	sst s0;
	s0 =	simm.s32 @!p2 $0x0  }
0x16: {  	s3 =	sld [smem:$0x3FDB];
	s0 =	simm.s32 @p2 $0x1  }
0x17: {  	s4 =	simm.s32 $0x1BF5;
	[smem:$0x3FAB] =	sst s0  }
0x18: {  	s0 =	sld [smem:$0x3F8E];
	_ =	swait.ge [sflag:s4], $0x0  }
0x19: {  	s7 =	sld [smem:$0x3F8F]  }
0x1a: {  	s8 =	sadd.s32 $0xFFFFE003, lr  }
0x1b: {  	s9 =	sadd.s32 $0xFFFFFEF7, lr;
	s5 =	simm.s32 $0xFFFFFFFF;
	p2 =	slt.u32 s8, $0xFFFFF086  }
0x1c: {  	p1 =	slt.u32 s9, $0xF7A;
	s5 =	simm.s32 @!p2 $0x0  }
0x1d: {  	s5 =	simm.s32 @p1 $0x1;
	p0 =	seq.s32 s7, s2  }
0x1e: {  	s7 =	smul.u32 @!p0 $0xF7A, s2;
	p2 =	seq.s32 @!p0 s5, $0x0  }
0x1f: {  	s9 =	smul.u32 $0xF7A, s1;
	s8 =	simm.s32 @!p0 $0x1BF5;
	p2 =	por !p2, p0  }
0x20: {  	[sflag:s8] =	ssyncset.s32 @!p0 $0xFFFFF086;
	s6 =	sadd.s32 @!p0 s3, s7;
	s7 =	simm.s32 @!p0 $0x108  }
0x21: {  	s3 =	sadd.s32 s3, s9;
	s6 =	sadd.s32 @!p0 $0x88, s6;
	s7 =	simm.s32 @p2 $0x1082  }
0x22: {  	[simem:s7], [sflag:s8] =	dma.local @!p0 [hbm:s6], $0xF7A  }
0x23: {  	s9 =	sor.u32 $0xD0000000, s2;
	s6 =	simm.s32 $0x108;
	_ =	swait.ge @!p0 [sflag:s8], $0x0  }
0x24: {  	s3 =	sadd.s32 $0x88, s3;
	s6 =	simm.s32 @!p1 $0x1082;
	[sflag:s4] =	ssyncset.s32 $0xFFFFF086  }
0x25: {  	[simem:s6], [sflag:s4] =	dma.local [hbm:s3], $0xF7A  }
0x26: {  	[smem:$0x3F8F] =	sst s1;
	(tag) =	ssettag s2;
	_ =	strace s9  }
0x27: {  	s1 =	sld [smem:$0x3F9F]  }
0x28: {  	s2 =	sld [smem:$0x3FA0]  }
0x29: {  	s4 =	sld [smem:$0x3FA2]  }
0x2a: {  	p0 =	seq.s32 s5, $0x0;
	s5 =	sld [smem:$0x3FA3]  }
0x2b: {  	s6 =	sld [smem:$0x3FA4]  }
0x2c: {  	s7 =	sld [smem:$0x3FA5]  }
0x2d: {  	s3 =	simm.s32 $0x108;
	s8 =	sld [smem:$0x3FA6]  }
0x2e: {  	s3 =	simm.s32 @!p0 $0x1082;
	s9 =	sld [smem:$0x3FA7]  }
0x2f: {  	lr =	sadd.s32 s0, s3;
	s0 =	sld [smem:$0x3F9E]  }
0x30: {  	s3 =	sld [smem:$0x3FA1]  }
0x31: {  	[smem:$0x3FAA] =	sst s10  }
0x32: {  	s10 =	sld [smem:$0x3FA8];
	_ =	sdelay $0x3  }
0x33: {  	p0 =	seq.s32 s10, $0x1;
	s10 =	sld [smem:$0x3FAA];
	_ =	sdelay $0x3  }
0x34: {  	[smem:$0x3FAA] =	sst s10  }
0x35: {  	s10 =	sld [smem:$0x3FA9];
	_ =	sdelay $0x3  }
0x36: {  	p1 =	seq.s32 s10, $0x1;
	s10 =	sld [smem:$0x3FAA];
	_ =	sdelay $0x3  }
0x37: {  	[smem:$0x3FAA] =	sst s10  }
0x38: {  	s10 =	sld [smem:$0x3FAB]  }
0x39: {  	_ = 	snop;
	(pc) =	sbr.ind lr, $3  }
0x3a: {  	_ = 	snop  }
0x3b: {  	_ = 	snop  }
0x3c: {  	p2 =	seq.s32 s10, $0x1;
	s10 =	sld [smem:$0x3FAA]  }
0x3d: {  	_ =	shalt  }
0x3e: {  	_ =	shalt  }
0x3f: {  	_ =	shalt  }
0x40: {  	_ =	shalt  }
0x41: {  	_ =	shalt  }
0x42: {  	_ =	shalt  }
0x43: {  	_ =	shalt  }
0x44: {  	_ =	shalt  }
0x45: {  	_ =	shalt  }
0x46: {  	_ =	shalt  }
0x47: {  	_ =	shalt  }
0x48: {  	_ =	shalt  }
0x49: {  	_ =	shalt  }
0x4a: {  	_ =	shalt  }
0x4b: {  	_ =	shalt  }
0x4c: {  	_ =	shalt  }
0x4d: {  	_ =	shalt  }
0x4e: {  	_ =	shalt  }
0x4f: {  	_ =	shalt  }
0x50: {  	_ =	shalt  }
0x51: {  	_ =	shalt  }
0x52: {  	_ =	shalt  }
0x53: {  	_ =	shalt  }
0x54: {  	_ =	shalt  }
0x55: {  	_ =	shalt  }
0x56: {  	_ =	shalt  }
0x57: {  	_ =	shalt  }
0x58: {  	_ =	shalt  }
0x59: {  	_ =	shalt  }
0x5a: {  	_ =	shalt  }
0x5b: {  	_ =	shalt  }
0x5c: {  	_ =	shalt  }
0x5d: {  	_ =	shalt  }
0x5e: {  	_ =	shalt  }
0x5f: {  	_ =	shalt  }
0x60: {  	_ =	shalt  }
0x61: {  	_ =	shalt  }
0x62: {  	_ =	shalt  }
0x63: {  	_ =	shalt  }
0x64: {  	_ =	shalt  }
0x65: {  	_ =	shalt  }
0x66: {  	_ =	shalt  }
0x67: {  	_ =	shalt  }
0x68: {  	_ =	shalt  }
0x69: {  	_ =	shalt  }
0x6a: {  	_ =	shalt  }
0x6b: {  	_ =	shalt  }
0x6c: {  	_ =	shalt  }
0x6d: {  	_ =	shalt  }
0x6e: {  	_ =	shalt  }
0x6f: {  	_ =	shalt  }
0x70: {  	_ =	shalt  }
0x71: {  	_ =	shalt  }
0x72: {  	_ =	shalt  }
0x73: {  	_ =	shalt  }
0x74: {  	_ =	shalt  }
0x75: {  	_ =	shalt  }
0x76: {  	_ =	shalt  }
0x77: {  	_ =	shalt  }
0x78: {  	_ =	shalt  }
0x79: {  	_ =	shalt  }
0x7a: {  	_ =	shalt  }
0x7b: {  	_ =	shalt  }
0x7c: {  	_ =	shalt  }
0x7d: {  	_ =	shalt  }
0x7e: {  	_ =	shalt  }
0x7f: {  	_ =	shalt  }
0x80: {  	_ =	shalt  }
0x81: {  	_ =	shalt  }
0x82: {  	_ =	shalt  }
0x83: {  	_ =	shalt  }
0x84: {  	_ =	shalt  }
0x85: {  	_ =	shalt  }
0x86: {  	_ =	shalt  }
0x87: {  	_ =	shalt  }
.Lfunc_end0:
.L_simem_size_0:
called_computation_lowered:
.L_overlay_start_0:
0x88: {  	s2 =	sld [smem:$0x3FD9]  }
0x89: {  	s3 =	sld [smem:$0x3FFE];
	_ =	sdelay $0x1  }
0x8a: {  	s1 =	srdreg.scid  }
0x8b: {  	s0 =	sand.u32 $0x1, s1  }
0x8c: {  	s14 =	sshll.u32 s0, $0xA;
	s2 =	sadd.s32 s3, s2  }
0x8d: {  	s2 =	sadd.s32 s2, s14  }
0x8e: {  	[smem:$0x3FB6] =	sst s2  }
0x8f: {  	_ = 	snop  }
0x90: {  	s2 =	sld [smem:$0x3FD0];
	_ =	sdelay $0x2  }
0x91: {  	s15 =	simm.s32 $0xA;
	s4 =	simm.s32 $0x10  }
0x92: {  	[smem:s4], [sflag:s15] =	dma.local [hbm:s2], $0x1  }
0x93: {  	_ =	swait.eq [sflag:s15], $0x1  }
0x94: {  	[sflag:s15] =	ssyncset.done $0x0  }
0x95: {  	[sflag:s15] =	ssyncadd.s32 $0xFFFFFFFF  }
0x96: {  	s16 =	sld [smem:$0x10];
	(tm) =	ssettm $0x1  }
0x97: {  	s17 =	sld [smem:$0x3FFB];
	_ =	sdelay $0x3  }
0x98: {  	_ =	strace s17  }
0x99: {  	s3 =	sld [smem:$0x3FFC];
	_ =	sdelay $0x3  }
0x9a: {  	_ =	strace s3  }
0x9b: {  	s3 =	sld [smem:$0x3FFD];
	_ =	sdelay $0x3  }
0x9c: {  	_ =	strace s3  }
0x9d: {  	_ =	strace $0x8FFFFFFF  }
0x9e: {  	s18 =	sld [smem:$0x3FDB];
	_ =	sdelay $0x1  }
0x9f: {  	s19 =	simm.s32 $_scs_section_size  }
0xa0: {  	s5 =	simm.s32 $_size__tile_overlayer_lowered;
	s6 =	simm.s32 $_tile_overlayer_lowered  }
0xa1: {  	s22 =	simm.s32 $0x1BFF;
	s21 =	sshll.u32 s6, $0x1;
	s3 =	sadd.s32 s19, s18  }
0xa2: {  	s7 =	simm.s32 $0x0;
	s20 =	sshll.u32 s5, $0x1;
	s5 =	sadd.s32 s21, s3  }
0xa3: {  	[timem:s7], [sflag:s22] =	dma.local [hbm:s5], s20  }
0xa4: {  	_ =	swait.ge [sflag:s22], s20  }
0xa5: {  	s4 =	ssub.s32 $0x0, s20;
	[sflag:s22] =	ssyncset.done $0x0  }
0xa6: {  	[sflag:s22] =	ssyncadd.s32 s4;
	_ =	sdelay $0x1  }
0xa7: {  	s23 =	simm.s32 $0x1B8B  }
0xa8: {  	_ =	swait.ge [sflag:s23], $0x1  }
0xa9: {  	[sflag:s23] =	ssyncset.done $0x0  }
0xaa: {  	s25 =	simm.s32 $0x1B8E;
	s24 =	sld [smem:$0x3FFE];
	[sflag:s23] =	ssyncadd.s32 $0xFFFFFFFF  }
0xab: {  	s26 =	simm.s32 $execute0_lowered;
	[smem:$0x3FD2] =	sst s25  }
0xac: {  	s5 =	sshll.u32 s26, $0x1;
	_ =	strace $0x80000046;
	[dreg:$0x1] =	wrdreg $0xFFFFFFFF  }
0xad: {  	s28 =	simm.s32 $_size_execute0_lowered;
	s3 =	sadd.s32 s3, s5;
	[dreg:$0x0] =	wrdreg $0x0  }
0xae: {  	s5 =	sshll.u32 s28, $0x1;
	[dreg:$0x2] =	wrdreg s3  }
0xaf: {  	[dreg:$0x3] =	wrdreg s5  }
0xb0: {  	[dreg:$0x4] =	wrdreg $0xC0  }
0xb1: {  	_ =	task [dreg:s7], $0x5FFFF  }
0xb2: {  	[dreg:$0x1] =	wrdreg $0xFFFFFFFF  }
0xb3: {  	[dreg:$0x0] =	wrdreg $0x60  }
0xb4: {  	[dreg:$0x2] =	wrdreg s24  }
0xb5: {  	[dreg:$0x3] =	wrdreg s16  }
0xb6: {  	[dreg:$0x4] =	wrdreg $0x9  }
0xb7: {  	_ =	task.clear_ibuf [dreg:s7], $0x5FFFF;
	_ =	strace $0x90000046  }
0xb8: {  	s29 =	simm.s32 $0x9;
	_ =	strace $0x80000048  }
0xb9: {  	_ =	swait.ge [sflag:s29], $0x1  }
0xba: {  	[sflag:s29] =	ssyncadd.s32 $0xFFFFFFFF  }
0xbb: {  	_ =	strace $0x90000048  }
0xbc: {  	_ =	sfence  }
0xbd: {  	s30 =	sld [smem:$0x0];
	_ =	sdelay $0x2  }
0xbe: {  	s31 =	sshll.u32 s1, $0xD;
	s1 =	sshrl.u32 s1, $0x2  }
0xbf: {  	s3 =	sand.u32 $0x4000, s31;
	s1 =	sadd.s32 s1, s30  }
0xc0: {  	s0 =	sor.u32 s3, s0;
	s1 =	sshll.u32 s1, $0x11  }
0xc1: {  	s0 =	sor.u32 s1, s0  }
0xc2: {  	s0 =	sadd.s32 $0x8F2B, s0  }
0xc3: {  	[sflag:s0] =	ssyncadd.remote.s32 $0x1  }
0xc4: {  	_ =	sfence.sel $0xFFFF  }
0xc5: {  	[dreg:$0x0] =	wrdreg $0xFFFFFFFF;
	(pc) =	sbr.abs _section_cstart, $3  }
0xc6: {  	[dreg:$0x1] =	wrdreg $0xFFFFFFFF  }
0xc7: {  	_ =	task.clear_ibuf [dreg:s7], $0x2FFFF;
	_ =	strace $0x9FFFFFFF  }
0xc8: {  	(tm) =	ssettm $0x7FFFFFFF  }
0xc9: {  	_ =	shalt  }
tec
execute0_lowered:
.L_overlay_start_1:
0x0: {  	(tag) =	ssettag $0x1  }
0x1: {  	s0 =	rddreg [dreg:$0x0];
	s1 =	srdreg.scid  }
0x2: {  	s3 =	stileid.u32;
	s2 =	rddreg [dreg:$0x1];
	s9 =	simm.s32 $0x9  }
0x3: {  	s11 =	simm.s32 $0x28;
	s18 =	simm.s32 $0x4100;
	s20 =	simm.s32 $0x9100  }
0x4: {  	s21 =	simm.s32 $0x1;
	s22 =	simm.s32 $0x2;
	s23 =	simm.s32 $0x5500  }
0x5: {  	s24 =	simm.s32 $0xA500;
	s25 =	simm.s32 $0x3;
	s28 =	simm.s32 $0x5  }
0x6: {  	s29 =	simm.s32 $0x6;
	s1 =	sand.u32 $0x1, s1;
	s4 =	sshll.u32 s3, $0x1  }
0x7: {  	s30 =	simm.s32 $0x7;
	s3 =	simm.s32 $0x0;
	s4 =	sor.u32 s1, s4  }
0x8: {  	s31 =	simm.s32 $0x8;
	[smem:$0x7FF] =	sst s3;
	s5 =	smul.u32 $0x190, s4  }
.Ltmp0:
0x9: {  	s1 =	ssub.s32 $0x2, s1;
	_ =	strace $0x80000047;
	(pc) =	sbr.rel .LBB2_1-.Ltmp0, $4  }
0xa: {  	s6 =	smul.u32 $0xA00, s4;
	s4 =	sadd.s32 $0xA000, s0;
	s26 =	sshrl.u32 s1, $0x1  }
0xb: {  	s1 =	ssub.s32 s1, s26;
	s26 =	simm.s32 $0x4;
	s7 =	sadd.s32 s5, s0  }
0xc: {  	s0 =	sadd.s32 s6, s0;
	s8 =	smax.u32 s1, $0x1;
	s5 =	sadd.s32 $0x3C00, s7  }
0xd: {  	s6 =	sadd.s32 $0x6E00, s7;
	s7 =	sadd.s32 $0x1D200, s0;
	s0 =	simm.s32 $0x0  }
.LBB2_12:
0xe: {  	s0 =	sadd.s32 $0x1, s0  }
0xf: {  	p0 =	sne.s32 s0, s8  }
.Ltmp1:
0x10: {  	s1 =	simm.s32 $0xB900;
	(pc) =	sbr.rel @!p0 .LBB2_13-.Ltmp1, $4  }
0x11: {  	[hbm4b:s7+s3] =	stream.linear.scatter [tilespmem:s1], [sflag:$0x9], $0x5000, $0x38;
	[tilespmem:$0x10900] =	vst v63  }
0x12: {  	_ =	swait.ge [sflag:s9], $0x5000  }
0x13: {  	[sflag:s9] =	ssyncset.done $0x0  }
0x14: {  	[sflag:s9] =	ssyncadd.s32 $0xFFFFB000  }
.LBB2_1:
0x15: {  	[tilespmem:s3], [sflag:$0x9] =	stream.linear.gather [hbm4b:s5+s3], $0xC80, $0x38;
	[tilespmem:$0x10900] =	vst v63  }
0x16: {  	_ =	swait.ge [sflag:s9], $0xC80  }
0x17: {  	[sflag:s9] =	ssyncset.done $0x0  }
0x18: {  	s1 =	simm.s32 $0xC80;
	[sflag:s9] =	ssyncadd.s32 $0xFFFFF380  }
0x19: {  	[tilespmem:s1], [sflag:$0x9] =	stream.linear.gather [hbm4b:s6+s3], $0xC80, $0x38;
	[tilespmem:$0x10900] =	vst v63  }
0x1a: {  	_ =	swait.ge [sflag:s9], $0xC80  }
0x1b: {  	[sflag:s9] =	ssyncset.done $0x0  }
0x1c: {  	s10 =	simm.s32 $0x1900;
	[sflag:s9] =	ssyncadd.s32 $0xFFFFF380  }
0x1d: {  	[tilespmem:s10], [sflag:$0x1] =	stream.indirect.gather [hbm4b:s4+s11], $0x80, s3, s11, $0xb8;
	[tilespmem:$0x10900] =	vst v63  }
0x1e: {  	s13 =	simm.s32 $0x6900  }
0x1f: {  	[tilespmem:s13], [sflag:$0x2] =	stream.indirect.gather [hbm4b:s2+s11], $0x80, s1, s11, $0xb8;
	[tilespmem:$0x10900] =	vst v63  }
0x20: {  	s14 =	simm.s32 $0x2D00  }
0x21: {  	[tilespmem:s14], [sflag:$0x3] =	stream.indirect.gather [hbm4b:s4+s11], $0x80, s11, s11, $0xb8;
	[tilespmem:$0x10900] =	vst v63  }
0x22: {  	s15 =	simm.s32 $0xCA8;
	s16 =	simm.s32 $0x7D00  }
0x23: {  	[tilespmem:s16], [sflag:$0x4] =	stream.indirect.gather [hbm4b:s2+s11], $0x80, s15, s11, $0xb8;
	[tilespmem:$0x10900] =	vst v63  }
0x24: {  	s17 =	simm.s32 $0x50  }
0x25: {  	[tilespmem:s18], [sflag:$0x5] =	stream.indirect.gather [hbm4b:s4+s11], $0x80, s17, s11, $0xb8;
	[tilespmem:$0x10900] =	vst v63  }
0x26: {  	s19 =	simm.s32 $0xCD0;
	s12 =	simm.s32 $0x0  }
0x27: {  	[tilespmem:s20], [sflag:$0x6] =	stream.indirect.gather [hbm4b:s2+s11], $0x80, s19, s11, $0xb8;
	[tilespmem:$0x10900] =	vst v63  }
.LBB2_2:
0x28: {  	_ =	swait.ge [sflag:s21], $0x1400  }
0x29: {  	[sflag:s21] =	ssyncset.done $0x0  }
0x2a: {  	[sflag:s21] =	ssyncadd.s32 $0xFFFFEC00  }
0x2b: {  	_ =	swait.ge [sflag:s22], $0x1400  }
0x2c: {  	[sflag:s22] =	ssyncset.done $0x0  }
0x2d: {  	s15 =	simm.s32 $0x0;
	[sflag:s22] =	ssyncadd.s32 $0xFFFFEC00  }
0x2e: {  	v1 =	vld [tilespmem:s15+$0x1900]  }
0x2f: {  	v2 =	vld [tilespmem:s15+$0x1910]  }
0x30: {  	v3 =	vld [tilespmem:s15+$0x6900]  }
0x31: {  	v10 =	vld [tilespmem:s15+$0x1930]  }
0x32: {  	v9 =	vld [tilespmem:s15+$0x1920]  }
0x33: {  	v4 =	vld [tilespmem:s15+$0x6910]  }
0x34: {  	v0 =	vimm.f32 $0.0e+00;
	v13 =	vimm.f32 $0.0e+00;
	v14 =	vld [tilespmem:s15+$0x6930];
	v5 =	vshll.u32 v1, $0x10  }
0x35: {  	v11 =	vld [tilespmem:s15+$0x6920];
	v6 =	vshll.u32 v2, $0x10;
	v1 =	vadd.f32 v1, v0;
	v2 =	vadd.f32 v2, v0  }
0x36: {  	v7 =	vshll.u32 v3, $0x10;
	v20 =	vadd.f32 v10, v0;
	v5 =	vadd.f32 v5, v0  }
0x37: {  	v12 =	vadd.f32 v6, v0;
	v8 =	vadd.f32 v3, v1;
	v1 =	vshll.u32 v9, $0x10  }
0x38: {  	v3 =	vadd.f32 v9, v0;
	v6 =	vadd.f32 v7, v5;
	v5 =	vshll.u32 v4, $0x10  }
0x39: {  	v19 =	vld [tilespmem:s15+$0x1940];
	v22 =	vshll.u32 v14, $0x10;
	v1 =	vadd.f32 v1, v0;
	v7 =	vadd.f32 v5, v12  }
0x3a: {  	v18 =	vld [tilespmem:s15+$0x1950];
	v5 =	vadd.f32 v4, v2;
	v2 =	vshll.u32 v10, $0x10;
	v4 =	vshll.u32 v11, $0x10  }
0x3b: {  	v17 =	vld [tilespmem:s15+$0x6940];
	v9 =	vadd.f32 v11, v3;
	v12 =	vimm.f32 $0.0e+00;
	v11 =	vimm.f32 $0.0e+00  }
0x3c: {  	v15 =	vld [tilespmem:s15+$0x6950];
	v3 =	vimm.f32 $0.0e+00;
	v21 =	vadd.f32 v2, v0;
	v10 =	vadd.f32 v4, v1  }
0x3d: {  	s13 =	simm.s32 $0x200;
	v16 =	vld [tilespmem:s15+$0x1960];
	v4 =	vimm.f32 $0.0e+00;
	v2 =	vimm.f32 $0.0e+00;
	v1 =	vimm.f32 $0.0e+00  }
.LBB2_3:
0x3e: {  	p0 =	sne.s32 s13, $0x4E00;
	v21 =	vadd.f32 v22, v21;
	v20 =	vadd.f32 v14, v20;
	v14 =	vshll.u32 v19, $0x10;
	v22 =	vld [tilespmem:s15+$0x1970]  }
0x3f: {  	v13 =	vadd.f32 v19, v13;
	v0 =	vadd.f32 v14, v0;
	v14 =	vshll.u32 v18, $0x10;
	v19 =	vld [tilespmem:s15+$0x6960]  }
0x40: {  	v11 =	vadd.f32 v18, v11;
	v23 =	vshll.u32 v17, $0x10;
	v12 =	vadd.f32 v14, v12;
	v14 =	vld [tilespmem:s15+$0x6970];
	s15 =	sshra.s32 s13, $0x2  }
0x41: {  	v13 =	vadd.f32 v17, v13;
	v18 =	vld [tilespmem:s15+$0x1900];
	v0 =	vadd.f32 v23, v0;
	v17 =	vshll.u32 v15, $0x10  }
0x42: {  	v11 =	vadd.f32 v15, v11;
	v23 =	vld [tilespmem:s15+$0x1910];
	v12 =	vadd.f32 v17, v12;
	v15 =	vshll.u32 v16, $0x10  }
0x43: {  	v4 =	vadd.f32 v16, v4;
	v17 =	vld [tilespmem:s15+$0x6900];
	v3 =	vadd.f32 v15, v3;
	v15 =	vshll.u32 v22, $0x10  }
0x44: {  	v1 =	vadd.f32 v22, v1;
	v16 =	vld [tilespmem:s15+$0x6910];
	v24 =	vshll.u32 v19, $0x10;
	v2 =	vadd.f32 v15, v2  }
0x45: {  	v4 =	vadd.f32 v19, v4;
	v15 =	vld [tilespmem:s15+$0x1920];
	v3 =	vadd.f32 v24, v3;
	v19 =	vshll.u32 v14, $0x10  }
0x46: {  	v1 =	vadd.f32 v14, v1;
	v22 =	vshll.u32 v18, $0x10;
	v24 =	vld [tilespmem:s15+$0x1930];
	v2 =	vadd.f32 v19, v2  }
0x47: {  	v8 =	vadd.f32 v18, v8;
	v6 =	vadd.f32 v22, v6;
	v14 =	vshll.u32 v23, $0x10;
	v22 =	vld [tilespmem:s15+$0x6920]  }
0x48: {  	v5 =	vadd.f32 v23, v5;
	v18 =	vshll.u32 v17, $0x10;
	v7 =	vadd.f32 v14, v7;
	v14 =	vld [tilespmem:s15+$0x6930]  }
.Ltmp2:
0x49: {  	v8 =	vadd.f32 v17, v8;
	v6 =	vadd.f32 v18, v6;
	v17 =	vshll.u32 v16, $0x10;
	v19 =	vld [tilespmem:s15+$0x1940];
	(pc) =	sbr.rel @p0 .LBB2_3-.Ltmp2, $4  }
0x4a: {  	v5 =	vadd.f32 v16, v5;
	v7 =	vadd.f32 v17, v7;
	v16 =	vshll.u32 v15, $0x10;
	v18 =	vld [tilespmem:s15+$0x1950]  }
0x4b: {  	v9 =	vadd.f32 v15, v9;
	v10 =	vadd.f32 v16, v10;
	v15 =	vshll.u32 v24, $0x10;
	v17 =	vld [tilespmem:s15+$0x6940]  }
0x4c: {  	v20 =	vadd.f32 v24, v20;
	v16 =	vshll.u32 v22, $0x10;
	v21 =	vadd.f32 v15, v21;
	v15 =	vld [tilespmem:s15+$0x6950]  }
0x4d: {  	s13 =	sadd.s32 $0x200, s13;
	v9 =	vadd.f32 v22, v9;
	v10 =	vadd.f32 v16, v10;
	v22 =	vshll.u32 v14, $0x10;
	v16 =	vld [tilespmem:s15+$0x1960]  }
0x4e: {  	s13 =	sshll.u32 s12, $0xA  }
0x4f: {  	s14 =	sshll.u32 s12, $0x9;
	s1 =	sand.u32 $0x7800, s13  }
0x50: {  	v23 =	vld [tilespmem:s15+$0x1970];
	s16 =	sand.u32 $0x200, s14;
	s14 =	sadd.s32 $0xB900, s1  }
0x51: {  	v24 =	vld [tilespmem:s15+$0x6960];
	s1 =	sor.u32 s16, s14  }
0x52: {  	v25 =	vld [tilespmem:s15+$0x6970];
	[tilespmem:s1+$0x0] =	vst v6  }
0x53: {  	[tilespmem:s1+$0x10] =	vst v8  }
0x54: {  	[tilespmem:s1+$0x20] =	vst v7  }
0x55: {  	v6 =	vadd.f32 v22, v21;
	v7 =	vshll.u32 v19, $0x10;
	[tilespmem:s1+$0x30] =	vst v5;
	v5 =	vadd.f32 v14, v20  }
0x56: {  	[tilespmem:s1+$0x40] =	vst v10;
	v8 =	vadd.f32 v19, v13;
	v0 =	vadd.f32 v7, v0;
	v7 =	vshll.u32 v18, $0x10  }
0x57: {  	v10 =	vshll.u32 v17, $0x10;
	[tilespmem:s1+$0x50] =	vst v9;
	v9 =	vadd.f32 v18, v11;
	v7 =	vadd.f32 v7, v12  }
0x58: {  	s17 =	sor.u32 s13, s16;
	[tilespmem:s1+$0x60] =	vst v6;
	v6 =	vadd.f32 v17, v8;
	v0 =	vadd.f32 v10, v0  }
0x59: {  	s10 =	sor.u32 $0x400, s17;
	v8 =	vshll.u32 v16, $0x10;
	[tilespmem:s1+$0x70] =	vst v5;
	v5 =	vadd.f32 v15, v9;
	v10 =	vshll.u32 v15, $0x10  }
0x5a: {  	s15 =	sor.u32 $0x410, s17;
	v3 =	vadd.f32 v8, v3;
	v7 =	vadd.f32 v10, v7;
	[tilespmem:s10+$0xB900] =	vst v0  }
0x5b: {  	s19 =	sor.u32 $0x420, s17;
	v8 =	vshll.u32 v24, $0x10;
	v0 =	vadd.f32 v16, v4;
	v4 =	vshll.u32 v23, $0x10;
	[tilespmem:s15+$0xB900] =	vst v6  }
0x5c: {  	v3 =	vadd.f32 v8, v3;
	s10 =	sor.u32 $0x430, s17;
	v2 =	vadd.f32 v4, v2;
	[tilespmem:s19+$0xB900] =	vst v7  }
0x5d: {  	v1 =	vadd.f32 v23, v1;
	v4 =	vshll.u32 v25, $0x10;
	s15 =	sor.u32 $0x440, s17;
	v0 =	vadd.f32 v24, v0;
	[tilespmem:s10+$0xB900] =	vst v5  }
0x5e: {  	s19 =	sor.u32 $0x450, s17;
	v2 =	vadd.f32 v4, v2;
	[tilespmem:s15+$0xB900] =	vst v3  }
0x5f: {  	v1 =	vadd.f32 v25, v1;
	s10 =	sor.u32 $0x460, s17;
	s15 =	sshllo.u32 s12, $0x2;
	[tilespmem:s19+$0xB900] =	vst v0  }
0x60: {  	s19 =	sor.u32 $0x470, s17;
	[tilespmem:s10+$0xB900] =	vst v2;
	s10 =	smul.u32 $0x28, s15  }
0x61: {  	[tilespmem:s19+$0xB900] =	vst v1  }
0x62: {  	[tilespmem:s23], [sflag:$0x7] =	stream.indirect.gather [hbm4b:s4+s11], $0x80, s10, s11, $0xb8;
	[tilespmem:$0x10900] =	vst v63  }
0x63: {  	s19 =	sadd.s32 $0xC80, s10  }
0x64: {  	[tilespmem:s24], [sflag:$0x8] =	stream.indirect.gather [hbm4b:s2+s11], $0x80, s19, s11, $0xb8;
	[tilespmem:$0x10900] =	vst v63  }
0x65: {  	_ =	swait.ge [sflag:s25], $0x1400  }
0x66: {  	[sflag:s25] =	ssyncset.done $0x0  }
0x67: {  	[sflag:s25] =	ssyncadd.s32 $0xFFFFEC00  }
0x68: {  	_ =	swait.ge [sflag:s26], $0x1400  }
0x69: {  	[sflag:s26] =	ssyncset.done $0x0  }
0x6a: {  	s17 =	simm.s32 $0x0;
	[sflag:s26] =	ssyncadd.s32 $0xFFFFEC00  }
0x6b: {  	v1 =	vld [tilespmem:s17+$0x2D00]  }
0x6c: {  	v2 =	vld [tilespmem:s17+$0x2D10]  }
0x6d: {  	v3 =	vld [tilespmem:s17+$0x7D00]  }
0x6e: {  	v10 =	vld [tilespmem:s17+$0x2D30]  }
0x6f: {  	v9 =	vld [tilespmem:s17+$0x2D20]  }
0x70: {  	v4 =	vld [tilespmem:s17+$0x7D10]  }
0x71: {  	v13 =	vimm.f32 $0.0e+00;
	v0 =	vimm.f32 $0.0e+00;
	v14 =	vld [tilespmem:s17+$0x7D30];
	v5 =	vshll.u32 v1, $0x10  }
0x72: {  	v11 =	vld [tilespmem:s17+$0x7D20];
	v6 =	vshll.u32 v2, $0x10;
	v1 =	vadd.f32 v1, v0;
	v2 =	vadd.f32 v2, v0  }
0x73: {  	v7 =	vshll.u32 v3, $0x10;
	v20 =	vadd.f32 v10, v0;
	v5 =	vadd.f32 v5, v0  }
0x74: {  	v12 =	vadd.f32 v6, v0;
	v8 =	vadd.f32 v3, v1;
	v1 =	vshll.u32 v9, $0x10  }
0x75: {  	v3 =	vadd.f32 v9, v0;
	v6 =	vadd.f32 v7, v5;
	v5 =	vshll.u32 v4, $0x10  }
0x76: {  	v19 =	vld [tilespmem:s17+$0x2D40];
	v22 =	vshll.u32 v14, $0x10;
	v1 =	vadd.f32 v1, v0;
	v7 =	vadd.f32 v5, v12  }
0x77: {  	v18 =	vld [tilespmem:s17+$0x2D50];
	v5 =	vadd.f32 v4, v2;
	v2 =	vshll.u32 v10, $0x10;
	v4 =	vshll.u32 v11, $0x10  }
0x78: {  	v17 =	vld [tilespmem:s17+$0x7D40];
	v9 =	vadd.f32 v11, v3;
	v12 =	vimm.f32 $0.0e+00;
	v11 =	vimm.f32 $0.0e+00  }
0x79: {  	v15 =	vld [tilespmem:s17+$0x7D50];
	v3 =	vimm.f32 $0.0e+00;
	v21 =	vadd.f32 v2, v0;
	v10 =	vadd.f32 v4, v1  }
0x7a: {  	s19 =	simm.s32 $0x200;
	v16 =	vld [tilespmem:s17+$0x2D60];
	v4 =	vimm.f32 $0.0e+00;
	v2 =	vimm.f32 $0.0e+00;
	v1 =	vimm.f32 $0.0e+00  }
.LBB2_5:
0x7b: {  	p0 =	sne.s32 s19, $0x4E00;
	v21 =	vadd.f32 v22, v21;
	v20 =	vadd.f32 v14, v20;
	v14 =	vshll.u32 v19, $0x10;
	v22 =	vld [tilespmem:s17+$0x2D70]  }
0x7c: {  	v13 =	vadd.f32 v19, v13;
	v0 =	vadd.f32 v14, v0;
	v14 =	vshll.u32 v18, $0x10;
	v19 =	vld [tilespmem:s17+$0x7D60]  }
0x7d: {  	v11 =	vadd.f32 v18, v11;
	v23 =	vshll.u32 v17, $0x10;
	v12 =	vadd.f32 v14, v12;
	v14 =	vld [tilespmem:s17+$0x7D70];
	s17 =	sshra.s32 s19, $0x2  }
0x7e: {  	v13 =	vadd.f32 v17, v13;
	v18 =	vld [tilespmem:s17+$0x2D00];
	v0 =	vadd.f32 v23, v0;
	v17 =	vshll.u32 v15, $0x10  }
0x7f: {  	v11 =	vadd.f32 v15, v11;
	v23 =	vld [tilespmem:s17+$0x2D10];
	v12 =	vadd.f32 v17, v12;
	v15 =	vshll.u32 v16, $0x10  }
0x80: {  	v4 =	vadd.f32 v16, v4;
	v17 =	vld [tilespmem:s17+$0x7D00];
	v3 =	vadd.f32 v15, v3;
	v15 =	vshll.u32 v22, $0x10  }
0x81: {  	v1 =	vadd.f32 v22, v1;
	v16 =	vld [tilespmem:s17+$0x7D10];
	v24 =	vshll.u32 v19, $0x10;
	v2 =	vadd.f32 v15, v2  }
0x82: {  	v4 =	vadd.f32 v19, v4;
	v15 =	vld [tilespmem:s17+$0x2D20];
	v3 =	vadd.f32 v24, v3;
	v19 =	vshll.u32 v14, $0x10  }
0x83: {  	v1 =	vadd.f32 v14, v1;
	v22 =	vshll.u32 v18, $0x10;
	v24 =	vld [tilespmem:s17+$0x2D30];
	v2 =	vadd.f32 v19, v2  }
0x84: {  	v8 =	vadd.f32 v18, v8;
	v6 =	vadd.f32 v22, v6;
	v14 =	vshll.u32 v23, $0x10;
	v22 =	vld [tilespmem:s17+$0x7D20]  }
0x85: {  	v5 =	vadd.f32 v23, v5;
	v18 =	vshll.u32 v17, $0x10;
	v7 =	vadd.f32 v14, v7;
	v14 =	vld [tilespmem:s17+$0x7D30]  }
.Ltmp3:
0x86: {  	v8 =	vadd.f32 v17, v8;
	v6 =	vadd.f32 v18, v6;
	v17 =	vshll.u32 v16, $0x10;
	v19 =	vld [tilespmem:s17+$0x2D40];
	(pc) =	sbr.rel @p0 .LBB2_5-.Ltmp3, $4  }
0x87: {  	v5 =	vadd.f32 v16, v5;
	v7 =	vadd.f32 v17, v7;
	v16 =	vshll.u32 v15, $0x10;
	v18 =	vld [tilespmem:s17+$0x2D50]  }
0x88: {  	v9 =	vadd.f32 v15, v9;
	v10 =	vadd.f32 v16, v10;
	v15 =	vshll.u32 v24, $0x10;
	v17 =	vld [tilespmem:s17+$0x7D40]  }
0x89: {  	v20 =	vadd.f32 v24, v20;
	v16 =	vshll.u32 v22, $0x10;
	v21 =	vadd.f32 v15, v21;
	v15 =	vld [tilespmem:s17+$0x7D50]  }
0x8a: {  	s19 =	sadd.s32 $0x200, s19;
	v9 =	vadd.f32 v22, v9;
	v10 =	vadd.f32 v16, v10;
	v22 =	vshll.u32 v14, $0x10;
	v16 =	vld [tilespmem:s17+$0x2D60]  }
0x8b: {  	v23 =	vld [tilespmem:s17+$0x2D70];
	s1 =	sor.u32 $0x80, s16  }
0x8c: {  	v24 =	vld [tilespmem:s17+$0x7D60];
	s19 =	sadd.s32 s1, s14  }
0x8d: {  	v25 =	vld [tilespmem:s17+$0x7D70];
	[tilespmem:s19+$0x0] =	vst v6  }
0x8e: {  	[tilespmem:s19+$0x10] =	vst v8  }
0x8f: {  	[tilespmem:s19+$0x20] =	vst v7  }
0x90: {  	v6 =	vadd.f32 v22, v21;
	v7 =	vshll.u32 v19, $0x10;
	[tilespmem:s19+$0x30] =	vst v5;
	v5 =	vadd.f32 v14, v20  }
0x91: {  	[tilespmem:s19+$0x40] =	vst v10;
	v8 =	vadd.f32 v19, v13;
	v0 =	vadd.f32 v7, v0;
	v7 =	vshll.u32 v18, $0x10  }
0x92: {  	v10 =	vshll.u32 v17, $0x10;
	[tilespmem:s19+$0x50] =	vst v9;
	v9 =	vadd.f32 v18, v11;
	v7 =	vadd.f32 v7, v12  }
0x93: {  	s1 =	sor.u32 s13, s1;
	[tilespmem:s19+$0x60] =	vst v6;
	v6 =	vadd.f32 v17, v8;
	v0 =	vadd.f32 v10, v0  }
0x94: {  	s10 =	sor.u32 $0x400, s1;
	v8 =	vshll.u32 v16, $0x10;
	[tilespmem:s19+$0x70] =	vst v5;
	v5 =	vadd.f32 v15, v9;
	v10 =	vshll.u32 v15, $0x10  }
0x95: {  	s19 =	sor.u32 $0x410, s1;
	v3 =	vadd.f32 v8, v3;
	v7 =	vadd.f32 v10, v7;
	[tilespmem:s10+$0xB900] =	vst v0  }
0x96: {  	v8 =	vshll.u32 v24, $0x10;
	v0 =	vadd.f32 v16, v4;
	v4 =	vshll.u32 v23, $0x10;
	s10 =	sor.u32 $0x420, s1;
	[tilespmem:s19+$0xB900] =	vst v6  }
0x97: {  	v3 =	vadd.f32 v8, v3;
	v2 =	vadd.f32 v4, v2;
	s19 =	sor.u32 $0x430, s1;
	[tilespmem:s10+$0xB900] =	vst v7  }
0x98: {  	v1 =	vadd.f32 v23, v1;
	v4 =	vshll.u32 v25, $0x10;
	v0 =	vadd.f32 v24, v0;
	s10 =	sor.u32 $0x440, s1;
	[tilespmem:s19+$0xB900] =	vst v5  }
0x99: {  	p0 =	seq.s32 s12, $0x13;
	v2 =	vadd.f32 v4, v2;
	s19 =	sor.u32 $0x450, s1;
	[tilespmem:s10+$0xB900] =	vst v3  }
0x9a: {  	s17 =	smul.u32 @!p0 $0xA0, s12;
	v1 =	vadd.f32 v25, v1;
	[tilespmem:s19+$0xB900] =	vst v0;
	s19 =	sor.u32 $0x460, s1  }
0x9b: {  	s1 =	sor.u32 $0x470, s1;
	[tilespmem:s19+$0xB900] =	vst v2  }
0x9c: {  	s10 =	simm.s32 @!p0 $0x1900;
	s19 =	simm.s32 @!p0 $0x28;
	[tilespmem:s1+$0xB900] =	vst v1;
	s1 =	sadd.s32 @!p0 $0xA0, s17  }
0x9d: {  	[tilespmem:s10], [sflag:$0x1] =	stream.indirect.gather @!p0 [hbm4b:s4+s19], $0x80, s1, s19, $0xb8;
	[tilespmem:$0x10900] =	vst v63  }
0x9e: {  	s1 =	sadd.s32 @!p0 $0xD20, s17;
	s10 =	simm.s32 @!p0 $0x6900  }
0x9f: {  	[tilespmem:s10], [sflag:$0x2] =	stream.indirect.gather @!p0 [hbm4b:s2+s19], $0x80, s1, s19, $0xb8;
	[tilespmem:$0x10900] =	vst v63  }
0xa0: {  	_ =	swait.ge [sflag:s28], $0x1400  }
0xa1: {  	[sflag:s28] =	ssyncset.done $0x0  }
0xa2: {  	[sflag:s28] =	ssyncadd.s32 $0xFFFFEC00  }
0xa3: {  	_ =	swait.ge [sflag:s29], $0x1400  }
0xa4: {  	[sflag:s29] =	ssyncset.done $0x0  }
0xa5: {  	s19 =	simm.s32 $0x0;
	[sflag:s29] =	ssyncadd.s32 $0xFFFFEC00  }
0xa6: {  	v1 =	vld [tilespmem:s19+$0x4100]  }
0xa7: {  	v2 =	vld [tilespmem:s19+$0x4110]  }
0xa8: {  	v3 =	vld [tilespmem:s19+$0x9100]  }
0xa9: {  	v10 =	vld [tilespmem:s19+$0x4130]  }
0xaa: {  	v9 =	vld [tilespmem:s19+$0x4120]  }
0xab: {  	v4 =	vld [tilespmem:s19+$0x9110]  }
0xac: {  	v13 =	vimm.f32 $0.0e+00;
	v0 =	vimm.f32 $0.0e+00;
	v14 =	vld [tilespmem:s19+$0x9130];
	v5 =	vshll.u32 v1, $0x10  }
0xad: {  	v11 =	vld [tilespmem:s19+$0x9120];
	v6 =	vshll.u32 v2, $0x10;
	v1 =	vadd.f32 v1, v0;
	v2 =	vadd.f32 v2, v0  }
0xae: {  	v7 =	vshll.u32 v3, $0x10;
	v20 =	vadd.f32 v10, v0;
	v5 =	vadd.f32 v5, v0  }
0xaf: {  	v12 =	vadd.f32 v6, v0;
	v8 =	vadd.f32 v3, v1;
	v1 =	vshll.u32 v9, $0x10  }
0xb0: {  	v3 =	vadd.f32 v9, v0;
	v6 =	vadd.f32 v7, v5;
	v5 =	vshll.u32 v4, $0x10  }
0xb1: {  	v19 =	vld [tilespmem:s19+$0x4140];
	v22 =	vshll.u32 v14, $0x10;
	v1 =	vadd.f32 v1, v0;
	v7 =	vadd.f32 v5, v12  }
0xb2: {  	v18 =	vld [tilespmem:s19+$0x4150];
	v5 =	vadd.f32 v4, v2;
	v2 =	vshll.u32 v10, $0x10;
	v4 =	vshll.u32 v11, $0x10  }
0xb3: {  	v17 =	vld [tilespmem:s19+$0x9140];
	v9 =	vadd.f32 v11, v3;
	v12 =	vimm.f32 $0.0e+00;
	v11 =	vimm.f32 $0.0e+00  }
0xb4: {  	v15 =	vld [tilespmem:s19+$0x9150];
	v3 =	vimm.f32 $0.0e+00;
	v21 =	vadd.f32 v2, v0;
	v10 =	vadd.f32 v4, v1  }
0xb5: {  	s1 =	simm.s32 $0x200;
	v16 =	vld [tilespmem:s19+$0x4160];
	v4 =	vimm.f32 $0.0e+00;
	v2 =	vimm.f32 $0.0e+00;
	v1 =	vimm.f32 $0.0e+00  }
.LBB2_7:
0xb6: {  	p1 =	sne.s32 s1, $0x4E00;
	v21 =	vadd.f32 v22, v21;
	v20 =	vadd.f32 v14, v20;
	v14 =	vshll.u32 v19, $0x10;
	v22 =	vld [tilespmem:s19+$0x4170]  }
0xb7: {  	v13 =	vadd.f32 v19, v13;
	v0 =	vadd.f32 v14, v0;
	v14 =	vshll.u32 v18, $0x10;
	v19 =	vld [tilespmem:s19+$0x9160]  }
0xb8: {  	v11 =	vadd.f32 v18, v11;
	v23 =	vshll.u32 v17, $0x10;
	v12 =	vadd.f32 v14, v12;
	v14 =	vld [tilespmem:s19+$0x9170];
	s19 =	sshra.s32 s1, $0x2  }
0xb9: {  	v13 =	vadd.f32 v17, v13;
	v18 =	vld [tilespmem:s19+$0x4100];
	v0 =	vadd.f32 v23, v0;
	v17 =	vshll.u32 v15, $0x10  }
0xba: {  	v11 =	vadd.f32 v15, v11;
	v23 =	vld [tilespmem:s19+$0x4110];
	v12 =	vadd.f32 v17, v12;
	v15 =	vshll.u32 v16, $0x10  }
0xbb: {  	v4 =	vadd.f32 v16, v4;
	v17 =	vld [tilespmem:s19+$0x9100];
	v3 =	vadd.f32 v15, v3;
	v15 =	vshll.u32 v22, $0x10  }
0xbc: {  	v1 =	vadd.f32 v22, v1;
	v16 =	vld [tilespmem:s19+$0x9110];
	v24 =	vshll.u32 v19, $0x10;
	v2 =	vadd.f32 v15, v2  }
0xbd: {  	v4 =	vadd.f32 v19, v4;
	v15 =	vld [tilespmem:s19+$0x4120];
	v3 =	vadd.f32 v24, v3;
	v19 =	vshll.u32 v14, $0x10  }
0xbe: {  	v1 =	vadd.f32 v14, v1;
	v22 =	vshll.u32 v18, $0x10;
	v24 =	vld [tilespmem:s19+$0x4130];
	v2 =	vadd.f32 v19, v2  }
0xbf: {  	v8 =	vadd.f32 v18, v8;
	v6 =	vadd.f32 v22, v6;
	v14 =	vshll.u32 v23, $0x10;
	v22 =	vld [tilespmem:s19+$0x9120]  }
0xc0: {  	v5 =	vadd.f32 v23, v5;
	v18 =	vshll.u32 v17, $0x10;
	v7 =	vadd.f32 v14, v7;
	v14 =	vld [tilespmem:s19+$0x9130]  }
.Ltmp4:
0xc1: {  	v8 =	vadd.f32 v17, v8;
	v6 =	vadd.f32 v18, v6;
	v17 =	vshll.u32 v16, $0x10;
	v19 =	vld [tilespmem:s19+$0x4140];
	(pc) =	sbr.rel @p1 .LBB2_7-.Ltmp4, $4  }
0xc2: {  	v5 =	vadd.f32 v16, v5;
	v7 =	vadd.f32 v17, v7;
	v16 =	vshll.u32 v15, $0x10;
	v18 =	vld [tilespmem:s19+$0x4150]  }
0xc3: {  	v9 =	vadd.f32 v15, v9;
	v10 =	vadd.f32 v16, v10;
	v15 =	vshll.u32 v24, $0x10;
	v17 =	vld [tilespmem:s19+$0x9140]  }
0xc4: {  	v20 =	vadd.f32 v24, v20;
	v16 =	vshll.u32 v22, $0x10;
	v21 =	vadd.f32 v15, v21;
	v15 =	vld [tilespmem:s19+$0x9150]  }
0xc5: {  	s1 =	sadd.s32 $0x200, s1;
	v9 =	vadd.f32 v22, v9;
	v10 =	vadd.f32 v16, v10;
	v22 =	vshll.u32 v14, $0x10;
	v16 =	vld [tilespmem:s19+$0x4160]  }
0xc6: {  	v23 =	vld [tilespmem:s19+$0x4170];
	s1 =	sor.u32 $0x100, s16  }
0xc7: {  	v24 =	vld [tilespmem:s19+$0x9160];
	s10 =	sadd.s32 s1, s14  }
0xc8: {  	v25 =	vld [tilespmem:s19+$0x9170];
	[tilespmem:s10+$0x0] =	vst v6  }
0xc9: {  	[tilespmem:s10+$0x10] =	vst v8  }
0xca: {  	[tilespmem:s10+$0x20] =	vst v7  }
0xcb: {  	v6 =	vadd.f32 v22, v21;
	v7 =	vshll.u32 v19, $0x10;
	[tilespmem:s10+$0x30] =	vst v5;
	v5 =	vadd.f32 v14, v20  }
0xcc: {  	[tilespmem:s10+$0x40] =	vst v10;
	v8 =	vadd.f32 v19, v13;
	v0 =	vadd.f32 v7, v0;
	v7 =	vshll.u32 v18, $0x10  }
0xcd: {  	v10 =	vshll.u32 v17, $0x10;
	[tilespmem:s10+$0x50] =	vst v9;
	v9 =	vadd.f32 v18, v11;
	v7 =	vadd.f32 v7, v12  }
0xce: {  	s1 =	sor.u32 s13, s1;
	[tilespmem:s10+$0x60] =	vst v6;
	v6 =	vadd.f32 v17, v8;
	v0 =	vadd.f32 v10, v0  }
0xcf: {  	s19 =	sor.u32 $0x400, s1;
	v8 =	vshll.u32 v16, $0x10;
	[tilespmem:s10+$0x70] =	vst v5;
	v5 =	vadd.f32 v15, v9;
	v10 =	vshll.u32 v15, $0x10  }
0xd0: {  	s16 =	sor.u32 $0x410, s1;
	v3 =	vadd.f32 v8, v3;
	v7 =	vadd.f32 v10, v7;
	[tilespmem:s19+$0xB900] =	vst v0  }
0xd1: {  	v8 =	vshll.u32 v24, $0x10;
	v0 =	vadd.f32 v16, v4;
	v4 =	vshll.u32 v23, $0x10;
	s19 =	sor.u32 $0x420, s1;
	[tilespmem:s16+$0xB900] =	vst v6  }
0xd2: {  	v3 =	vadd.f32 v8, v3;
	v2 =	vadd.f32 v4, v2;
	s16 =	sor.u32 $0x430, s1;
	[tilespmem:s19+$0xB900] =	vst v7  }
0xd3: {  	v1 =	vadd.f32 v23, v1;
	v4 =	vshll.u32 v25, $0x10;
	v0 =	vadd.f32 v24, v0;
	s19 =	sor.u32 $0x440, s1;
	[tilespmem:s16+$0xB900] =	vst v5  }
0xd4: {  	v2 =	vadd.f32 v4, v2;
	s16 =	sor.u32 $0x450, s1;
	[tilespmem:s19+$0xB900] =	vst v3  }
0xd5: {  	v1 =	vadd.f32 v25, v1;
	s19 =	sor.u32 $0x460, s1;
	[tilespmem:s16+$0xB900] =	vst v0  }
0xd6: {  	s1 =	sor.u32 $0x470, s1;
	[tilespmem:s19+$0xB900] =	vst v2  }
0xd7: {  	s10 =	simm.s32 @!p0 $0x28;
	s16 =	simm.s32 @!p0 $0x2D00;
	[tilespmem:s1+$0xB900] =	vst v1;
	s1 =	sadd.s32 @!p0 $0xC8, s17  }
0xd8: {  	[tilespmem:s16], [sflag:$0x3] =	stream.indirect.gather @!p0 [hbm4b:s4+s10], $0x80, s1, s10, $0xb8;
	[tilespmem:$0x10900] =	vst v63  }
0xd9: {  	s1 =	sadd.s32 @!p0 $0xD48, s17;
	s16 =	simm.s32 @!p0 $0x7D00  }
0xda: {  	[tilespmem:s16], [sflag:$0x4] =	stream.indirect.gather @!p0 [hbm4b:s2+s10], $0x80, s1, s10, $0xb8;
	[tilespmem:$0x10900] =	vst v63  }
0xdb: {  	_ =	swait.ge [sflag:s30], $0x1400  }
0xdc: {  	[sflag:s30] =	ssyncset.done $0x0  }
0xdd: {  	[sflag:s30] =	ssyncadd.s32 $0xFFFFEC00  }
0xde: {  	_ =	swait.ge [sflag:s31], $0x1400  }
0xdf: {  	[sflag:s31] =	ssyncset.done $0x0  }
0xe0: {  	s16 =	simm.s32 $0x0;
	[sflag:s31] =	ssyncadd.s32 $0xFFFFEC00  }
0xe1: {  	v1 =	vld [tilespmem:s16+$0x5500]  }
0xe2: {  	v2 =	vld [tilespmem:s16+$0x5510]  }
0xe3: {  	v3 =	vld [tilespmem:s16+$0xA500]  }
0xe4: {  	v10 =	vld [tilespmem:s16+$0x5530]  }
0xe5: {  	v9 =	vld [tilespmem:s16+$0x5520]  }
0xe6: {  	v4 =	vld [tilespmem:s16+$0xA510]  }
0xe7: {  	v13 =	vimm.f32 $0.0e+00;
	v0 =	vimm.f32 $0.0e+00;
	v14 =	vld [tilespmem:s16+$0xA530];
	v5 =	vshll.u32 v1, $0x10  }
0xe8: {  	v11 =	vld [tilespmem:s16+$0xA520];
	v6 =	vshll.u32 v2, $0x10;
	v1 =	vadd.f32 v1, v0;
	v2 =	vadd.f32 v2, v0  }
0xe9: {  	v7 =	vshll.u32 v3, $0x10;
	v20 =	vadd.f32 v10, v0;
	v5 =	vadd.f32 v5, v0  }
0xea: {  	v12 =	vadd.f32 v6, v0;
	v8 =	vadd.f32 v3, v1;
	v1 =	vshll.u32 v9, $0x10  }
0xeb: {  	v3 =	vadd.f32 v9, v0;
	v6 =	vadd.f32 v7, v5;
	v5 =	vshll.u32 v4, $0x10  }
0xec: {  	v19 =	vld [tilespmem:s16+$0x5540];
	v22 =	vshll.u32 v14, $0x10;
	v1 =	vadd.f32 v1, v0;
	v7 =	vadd.f32 v5, v12  }
0xed: {  	v18 =	vld [tilespmem:s16+$0x5550];
	v5 =	vadd.f32 v4, v2;
	v2 =	vshll.u32 v10, $0x10;
	v4 =	vshll.u32 v11, $0x10  }
0xee: {  	v17 =	vld [tilespmem:s16+$0xA540];
	v9 =	vadd.f32 v11, v3;
	v12 =	vimm.f32 $0.0e+00;
	v11 =	vimm.f32 $0.0e+00  }
0xef: {  	v15 =	vld [tilespmem:s16+$0xA550];
	v3 =	vimm.f32 $0.0e+00;
	v21 =	vadd.f32 v2, v0;
	v10 =	vadd.f32 v4, v1  }
0xf0: {  	s1 =	simm.s32 $0x200;
	v16 =	vld [tilespmem:s16+$0x5560];
	v4 =	vimm.f32 $0.0e+00;
	v2 =	vimm.f32 $0.0e+00;
	v1 =	vimm.f32 $0.0e+00  }
.LBB2_9:
0xf1: {  	p1 =	sne.s32 s1, $0x4E00;
	v21 =	vadd.f32 v22, v21;
	v20 =	vadd.f32 v14, v20;
	v14 =	vshll.u32 v19, $0x10;
	v22 =	vld [tilespmem:s16+$0x5570]  }
0xf2: {  	v13 =	vadd.f32 v19, v13;
	v0 =	vadd.f32 v14, v0;
	v14 =	vshll.u32 v18, $0x10;
	v19 =	vld [tilespmem:s16+$0xA560]  }
0xf3: {  	v11 =	vadd.f32 v18, v11;
	v23 =	vshll.u32 v17, $0x10;
	v12 =	vadd.f32 v14, v12;
	v14 =	vld [tilespmem:s16+$0xA570];
	s16 =	sshra.s32 s1, $0x2  }
0xf4: {  	v13 =	vadd.f32 v17, v13;
	v18 =	vld [tilespmem:s16+$0x5500];
	v0 =	vadd.f32 v23, v0;
	v17 =	vshll.u32 v15, $0x10  }
0xf5: {  	v11 =	vadd.f32 v15, v11;
	v23 =	vld [tilespmem:s16+$0x5510];
	v12 =	vadd.f32 v17, v12;
	v15 =	vshll.u32 v16, $0x10  }
0xf6: {  	v4 =	vadd.f32 v16, v4;
	v17 =	vld [tilespmem:s16+$0xA500];
	v3 =	vadd.f32 v15, v3;
	v15 =	vshll.u32 v22, $0x10  }
0xf7: {  	v1 =	vadd.f32 v22, v1;
	v16 =	vld [tilespmem:s16+$0xA510];
	v24 =	vshll.u32 v19, $0x10;
	v2 =	vadd.f32 v15, v2  }
0xf8: {  	v4 =	vadd.f32 v19, v4;
	v15 =	vld [tilespmem:s16+$0x5520];
	v3 =	vadd.f32 v24, v3;
	v19 =	vshll.u32 v14, $0x10  }
0xf9: {  	v1 =	vadd.f32 v14, v1;
	v22 =	vshll.u32 v18, $0x10;
	v24 =	vld [tilespmem:s16+$0x5530];
	v2 =	vadd.f32 v19, v2  }
0xfa: {  	v8 =	vadd.f32 v18, v8;
	v6 =	vadd.f32 v22, v6;
	v14 =	vshll.u32 v23, $0x10;
	v22 =	vld [tilespmem:s16+$0xA520]  }
0xfb: {  	v5 =	vadd.f32 v23, v5;
	v18 =	vshll.u32 v17, $0x10;
	v7 =	vadd.f32 v14, v7;
	v14 =	vld [tilespmem:s16+$0xA530]  }
.Ltmp5:
0xfc: {  	v8 =	vadd.f32 v17, v8;
	v6 =	vadd.f32 v18, v6;
	v17 =	vshll.u32 v16, $0x10;
	v19 =	vld [tilespmem:s16+$0x5540];
	(pc) =	sbr.rel @p1 .LBB2_9-.Ltmp5, $4  }
0xfd: {  	v5 =	vadd.f32 v16, v5;
	v7 =	vadd.f32 v17, v7;
	v16 =	vshll.u32 v15, $0x10;
	v18 =	vld [tilespmem:s16+$0x5550]  }
0xfe: {  	v9 =	vadd.f32 v15, v9;
	v10 =	vadd.f32 v16, v10;
	v15 =	vshll.u32 v24, $0x10;
	v17 =	vld [tilespmem:s16+$0xA540]  }
0xff: {  	v20 =	vadd.f32 v24, v20;
	v16 =	vshll.u32 v22, $0x10;
	v21 =	vadd.f32 v15, v21;
	v15 =	vld [tilespmem:s16+$0xA550]  }
0x100: {  	s1 =	sadd.s32 $0x200, s1;
	v9 =	vadd.f32 v22, v9;
	v10 =	vadd.f32 v16, v10;
	v22 =	vshll.u32 v14, $0x10;
	v16 =	vld [tilespmem:s16+$0x5560]  }
0x101: {  	s1 =	sshll.u32 s15, $0x7  }
0x102: {  	v23 =	vld [tilespmem:s16+$0x5570];
	s1 =	sand.u32 $0x380, s1  }
0x103: {  	v24 =	vld [tilespmem:s16+$0xA560];
	s10 =	sadd.s32 s1, s14  }
0x104: {  	v25 =	vld [tilespmem:s16+$0xA570];
	[tilespmem:s10+$0x0] =	vst v6  }
0x105: {  	[tilespmem:s10+$0x10] =	vst v8  }
0x106: {  	[tilespmem:s10+$0x20] =	vst v7  }
0x107: {  	v49 =	vadd.f32 v22, v21;
	v50 =	vshll.u32 v19, $0x10;
	v53 =	vadd.f32 v19, v13;
	[tilespmem:s10+$0x30] =	vst v5  }
0x108: {  	v51 =	vadd.f32 v14, v20;
	v0 =	vadd.f32 v50, v0;
	v52 =	vshll.u32 v18, $0x10;
	[tilespmem:s10+$0x40] =	vst v10  }
0x109: {  	v55 =	vadd.f32 v18, v11;
	v54 =	vshll.u32 v17, $0x10;
	v57 =	vadd.f32 v17, v53;
	[tilespmem:s10+$0x50] =	vst v9  }
0x10a: {  	s1 =	sor.u32 s13, s1;
	v7 =	vadd.f32 v52, v12;
	v0 =	vadd.f32 v54, v0;
	[tilespmem:s10+$0x60] =	vst v49  }
0x10b: {  	v56 =	vshll.u32 v15, $0x10;
	[tilespmem:s10+$0x70] =	vst v51;
	s19 =	sor.u32 $0x400, s1;
	v59 =	vadd.f32 v15, v55;
	v58 =	vshll.u32 v16, $0x10  }
0x10c: {  	s13 =	sor.u32 $0x410, s1;
	v7 =	vadd.f32 v56, v7;
	v3 =	vadd.f32 v58, v3;
	[tilespmem:s19+$0xB900] =	vst v0  }
0x10d: {  	s14 =	sor.u32 $0x420, s1;
	v60 =	vadd.f32 v16, v4;
	v61 =	vshll.u32 v23, $0x10;
	v62 =	vshll.u32 v24, $0x10;
	[tilespmem:s13+$0xB900] =	vst v57  }
0x10e: {  	s15 =	sor.u32 $0x430, s1;
	v2 =	vadd.f32 v61, v2;
	v3 =	vadd.f32 v62, v3;
	[tilespmem:s14+$0xB900] =	vst v7  }
.Ltmp6:
0x10f: {  	s16 =	sor.u32 $0x440, s1;
	v1 =	vadd.f32 v23, v1;
	v63 =	vshll.u32 v25, $0x10;
	v0 =	vadd.f32 v24, v60;
	[tilespmem:s15+$0xB900] =	vst v59;
	(pc) =	sbr.rel @p0 .LBB2_12-.Ltmp6, $4  }
0x110: {  	s17 =	sor.u32 $0x450, s1;
	v2 =	vadd.f32 v63, v2;
	[tilespmem:s16+$0xB900] =	vst v3  }
0x111: {  	s19 =	sor.u32 $0x460, s1;
	v1 =	vadd.f32 v25, v1;
	[tilespmem:s17+$0xB900] =	vst v0  }
0x112: {  	s1 =	sor.u32 $0x470, s1;
	[tilespmem:s19+$0xB900] =	vst v2  }
0x113: {  	[tilespmem:s1+$0xB900] =	vst v1  }
0x114: {  	s1 =	smul.u32 $0xA0, s12  }
.Ltmp7:
0x115: {  	_ = 	snop;
	(pc) =	sbr.rel .LBB2_2-.Ltmp7, $4  }
0x116: {  	s10 =	sadd.s32 $0xF0, s1  }
0x117: {  	[tilespmem:s18], [sflag:$0x5] =	stream.indirect.gather [hbm4b:s4+s11], $0x80, s10, s11, $0xb8;
	[tilespmem:$0x10900] =	vst v63  }
0x118: {  	s12 =	sadd.s32 $0x1, s12;
	s1 =	sadd.s32 $0xD70, s1  }
0x119: {  	[tilespmem:s20], [sflag:$0x6] =	stream.indirect.gather [hbm4b:s2+s11], $0x80, s1, s11, $0xb8;
	[tilespmem:$0x10900] =	vst v63  }
.LBB2_13:
0x11a: {  	_ =	sfence.sel $0x180000  }
0x11b: {  	[bflag:$0x0] =	sbarrier.arrive $0xFFFF  }
0x11c: {  	_ =	strace $0x90000047  }
0x11d: {  	s0 =	stileid.u32;
	[bflag:$0x2] =	sbarrier.arrive $0xFFFF  }
0x11e: {  	p0 =	sne.s32 s0, $0x0;
	s0 =	rddreg [dreg:$0x2]  }
0x11f: {  	s0 =	sadd.s32 @!p0 $0x100000, s0  }
0x120: {  	[sflag:s0] =	ssyncadd.tile.s32 @!p0 $0x1;
	_ =	shalt  }
.Lfunc_end2:
_tile_overlayer_lowered:
.L_overlay_start_2:
0x121: {  	(tag) =	ssettag $0x2  }
0x122: {  	s0 =	rddreg [dreg:$0x0];
	s2 =	stileid.u32  }
0x123: {  	s1 =	rddreg [dreg:$0x1];
	p0 =	sne.s32 s2, $0x0  }
0x124: {  	s3 =	rddreg [dreg:$0x2];
	[bflag:$0x3] =	sbarrier.arrive $0xFFFF;
	s2 =	simm.s32 @!p0 $0x1C09  }
0x125: {  	[timem:s3], [sflag:s2] =	dma.local @!p0 [hbm:s0], s1  }
0x126: {  	s0 =	simm.s32 @!p0 $0x9  }
0x127: {  	_ =	swait.ge @!p0 [sflag:s0], s1  }
0x128: {  	s1 =	ssub.s32 @!p0 $0x0, s1;
	[sflag:s0] =	ssyncset.done @!p0 $0x0  }
0x129: {  	[sflag:s0] =	ssyncadd.s32 @!p0 s1  }
0x12a: {  	[bflag:$0x3] =	sbarrier.arrive $0xFFFF  }
0x12b: {  	_ =	shalt  }

</sc_bundles>
